<compile_context>
chip_gen: v7x
topology: tpu7x:2x2x1
jax: 0.10.2.dev20260603
libtpu: 0.0.44.dev20260713+nightly
codegen_flags: <defaults>
</compile_context>

<pallas_src>
import functools

import jax
import jax.numpy as jnp
from jax import lax
from jax.experimental import pallas as pl
from jax.experimental.pallas import tpu as pltpu
from jax.experimental.pallas import tpu_sc as plsc

F32 = jnp.float32
TH = 16
NT = 224 // TH
TH2 = 32
NT2 = 224 // TH2
W = 224
M = TH * W
M2 = TH2 * W
NTOK = 2 * 224 * 224
KCB = 512
D = 64
CC = 0.25

def _dot(a, b):
    return jnp.dot(a, b, preferred_element_type=F32)


HH = 8


def _build_xc(prev, cur, nxt, t, cin, th, nt):
    xin = jnp.concatenate([prev[HH - 1:HH], cur, nxt[0:1]], axis=0)
    rid = lax.broadcasted_iota(jnp.int32, (th + 2, 1, 1), 0)
    dead = jnp.logical_or(
        jnp.logical_and(rid == 0, t == 0),
        jnp.logical_and(rid == th + 1, t == nt - 1))
    xin = jnp.where(dead, 0.0, xin).astype(cur.dtype)
    zc = jnp.zeros((th + 2, 1, cin), cur.dtype)
    xp = jnp.concatenate([zc, xin, zc], axis=1)
    return jnp.concatenate(
        [xp[:, 0:W], xp[:, 1:W + 1], xp[:, 2:W + 2]], axis=2)


def _conv_acc(xc, w_ref, th):
    kc = xc.shape[-1]
    m = th * W
    acc = _dot(xc[0:th].reshape(m, kc), w_ref[0])
    acc = acc + _dot(xc[1:th + 1].reshape(m, kc), w_ref[1])
    acc = acc + _dot(xc[2:th + 2].reshape(m, kc), w_ref[2])
    return acc


def _k1_body(prev, cur, nxt, w, b, out):
    t = pl.program_id(1)
    xc = _build_xc(prev[0], cur[0], nxt[0], t, 3, TH, NT)
    y = _conv_acc(xc, w, TH) + b[...]
    out[0] = jnp.maximum(y, 0.0).reshape(TH, W, 64)


def _k2_body(prev, cur, nxt, w1, b1, wp, bp, embt, zout, idxout, cntout):
    bi = pl.program_id(0)
    t = pl.program_id(1)
    xc = _build_xc(prev[0], cur[0], nxt[0], t, 64, TH2, NT2)
    h2 = jnp.maximum(_conv_acc(xc, w1, TH2) + b1[...], 0.0)
    z = _dot(h2, wp[...]) + bp[...]
    zout[...] = z
    c = jnp.sum(embt[...] * embt[...], axis=0, keepdims=True)
    del bi
    sub = 512
    pc = jnp.zeros((1, KCB), F32)
    for s in range(M2 // sub):
        zc = z[s * sub:(s + 1) * sub]
        d = c - 2.0 * _dot(zc, embt[...])
        mn = jnp.min(d, axis=1, keepdims=True)
        iof = lax.broadcasted_iota(jnp.int32, (sub, KCB), 1).astype(F32)
        idf = jnp.min(jnp.where(d == mn, iof, float(KCB)),
                      axis=1, keepdims=True)
        pc = pc + jnp.sum(jnp.where(iof == idf, 1.0, 0.0),
                          axis=0, keepdims=True)
        idxout[pl.ds(s * sub, sub)] = idf[:, 0].astype(jnp.int32)
    cntout[...] = pc.reshape(1, 1, 512)


def _k4_body(prev, cur, nxt, zin, w, b, rout, ssout):
    t = pl.program_id(1)
    qc = cur[0][:, :, 0:64]
    xc = _build_xc(prev[0][:, :, 0:64], qc, nxt[0][:, :, 0:64], t, 64, TH, NT)
    y = jnp.maximum(_conv_acc(xc, w, TH) + b[...], 0.0)
    rout[0] = y.reshape(TH, W, 64)
    df = qc.reshape(M, 64) - zin[...]
    ssout[...] = jnp.sum(df * df).reshape(1, 1, 1)


def _k5_body(prev, cur, nxt, w, b, out):
    t = pl.program_id(1)
    xc = _build_xc(prev[0], cur[0], nxt[0], t, 64, TH, NT)
    y = _conv_acc(xc, w, TH) + b[...]
    out[0] = y.reshape(TH, W, 3)


def _k6_body(ss, cnt, loss, perp):
    loss[...] = ((CC / (NTOK * D)) * jnp.sum(ss[...])).reshape(1, 1)
    p = jnp.sum(cnt[...], axis=0, keepdims=True) * (1.0 / NTOK)
    ent = jnp.sum(p * jnp.log(p + 1e-10))
    perp[...] = jnp.exp(-ent).reshape(1, 1)


def _views(cin, th, nt):
    r = th // HH
    nh = 224 // HH - 1
    hblk = (1, HH, W, cin)
    return [
        pl.BlockSpec(hblk, lambda b, t: (b, jnp.maximum(t * r - 1, 0), 0, 0)),
        pl.BlockSpec((1, th, W, cin), lambda b, t: (b, t, 0, 0)),
        pl.BlockSpec(hblk,
                     lambda b, t: (b, jnp.minimum(t * r + r, nh), 0, 0)),
    ]


def _full(shape):
    return pl.BlockSpec(shape, lambda b, t: (0,) * len(shape))


def _enc0(xh, w0, b0):
    return pl.pallas_call(
        _k1_body,
        grid=(2, NT),
        in_specs=_views(3, TH, NT) + [_full((3, 9, 64)), _full((1, 64))],
        out_specs=pl.BlockSpec((1, TH, W, 64), lambda b, t: (b, t, 0, 0)),
        out_shape=jax.ShapeDtypeStruct((2, 224, 224, 64), F32),
    )(xh, xh, xh, w0, b0)


def _enc1_vq(h1, w1, b1, wp, bp, embt):
    return pl.pallas_call(
        _k2_body,
        grid=(2, NT2),
        in_specs=_views(64, TH2, NT2) + [
            _full((3, 192, 64)), _full((1, 64)), _full((64, 64)),
            _full((1, 64)), _full((64, 512))],
        out_specs=[
            pl.BlockSpec((M2, 64), lambda b, t: (b * NT2 + t, 0)),
            pl.BlockSpec((M2,), lambda b, t: (b * NT2 + t,)),
            pl.BlockSpec((1, 1, 512), lambda b, t: (b * NT2 + t, 0, 0)),
        ],
        out_shape=[
            jax.ShapeDtypeStruct((NTOK, 64), F32),
            jax.ShapeDtypeStruct((NTOK,), jnp.int32),
            jax.ShapeDtypeStruct((2 * NT2, 1, 512), F32),
        ],
    )(h1, h1, h1, w1, b1, wp, bp, embt)


def _sc_gather(idx, emb):
    info = plsc.get_sparse_core_info()
    nc, ns = info.num_cores, info.num_subcores
    nw = nc * ns
    per_w = NTOK // nw
    chunk = 112
    nch = per_w // chunk
    ngrp = chunk // 16
    nbuf = 2
    mesh = plsc.VectorSubcoreMesh(core_axis_name="c", subcore_axis_name="s")

    row_b = chunk * 128

    @functools.partial(
        pl.kernel,
        out_type=jax.ShapeDtypeStruct((NTOK * 128,), F32),
        mesh=mesh,
        scratch_types=[
            pltpu.VMEM((KCB * D,), F32),
            pltpu.VMEM((per_w,), jnp.int32),
            pltpu.VMEM((row_b,), F32),
            pltpu.VMEM((row_b,), F32),
        ],
        compiler_params=pltpu.CompilerParams(needs_layout_passes=False),
    )
    def k(idx_hbm, emb_hbm, out_hbm, emb_v, idx_v, rows_a, rows_b):
        rows = (rows_a, rows_b)
        wid = lax.axis_index("s") * nc + lax.axis_index("c")
        base = wid * per_w
        pltpu.sync_copy(emb_hbm, emb_v)
        pltpu.sync_copy(idx_hbm.at[pl.ds(pl.multiple_of(base, 8), per_w)],
                        idx_v)
        io16 = lax.iota(jnp.int32, 16)

        def pair_body(o, _):
            for i in range(nbuf):
                ch = o * nbuf + i

                def grp_body(gi, _, ch=ch, i=i):
                    t16 = plsc.load_gather(
                        idx_v, [ch * chunk + gi * 16 + io16])
                    tb = t16 * D
                    ob = (gi * 16 + io16) * 128
                    for c in range(D):
                        vals = plsc.load_gather(emb_v, [tb + c])
                        plsc.store_scatter(rows[i], [ob + c], vals)
                    return 0

                lax.fori_loop(0, ngrp, grp_body, 0)
                off = pl.multiple_of((base + ch * chunk) * 128, 8)
                pltpu.sync_copy(rows[i], out_hbm.at[pl.ds(off, row_b)])
            return 0

        lax.fori_loop(0, nch // nbuf, pair_body, 0)

    return k(idx, emb.reshape(-1))


def _dec0(q4, z, wd0, bd0):
    return pl.pallas_call(
        _k4_body,
        grid=(2, NT),
        in_specs=_views(128, TH, NT) + [
            pl.BlockSpec((M, 64), lambda b, t: (b * NT + t, 0)),
            _full((3, 192, 64)), _full((1, 64))],
        out_specs=[
            pl.BlockSpec((1, TH, W, 64), lambda b, t: (b, t, 0, 0)),
            pl.BlockSpec((1, 1, 1), lambda b, t: (b * NT + t, 0, 0)),
        ],
        out_shape=[
            jax.ShapeDtypeStruct((2, 224, 224, 64), F32),
            jax.ShapeDtypeStruct((2 * NT, 1, 1), F32),
        ],
    )(q4, q4, q4, z, wd0, bd0)


def _dec1(r, wd1, bd1):
    return pl.pallas_call(
        _k5_body,
        grid=(2, NT),
        in_specs=_views(64, TH, NT) + [_full((3, 192, 3)), _full((1, 3))],
        out_specs=pl.BlockSpec((1, TH, W, 3), lambda b, t: (b, t, 0, 0)),
        out_shape=jax.ShapeDtypeStruct((2, 224, 224, 3), F32),
    )(r, r, r, wd1, bd1)


def _scalars(ss, cnt):
    return pl.pallas_call(
        _k6_body,
        out_shape=[jax.ShapeDtypeStruct((1, 1), F32),
                   jax.ShapeDtypeStruct((1, 1), F32)],
    )(ss, cnt)


def kernel(x, enc_w0, enc_b0, enc_w1, enc_b1, pre_w, pre_b, emb,
           dec_w0, dec_b0, dec_w1, dec_b1):
    xh = jnp.transpose(x, (0, 2, 3, 1))
    w0 = jnp.transpose(enc_w0, (2, 3, 1, 0)).reshape(3, 9, 64)
    b0 = enc_b0.reshape(1, 64)
    w1 = jnp.transpose(enc_w1, (2, 3, 1, 0)).reshape(3, 192, 64)
    b1 = enc_b1.reshape(1, 64)
    wp = jnp.transpose(pre_w[:, :, 0, 0], (1, 0))
    bp = pre_b.reshape(1, 64)
    embt = jnp.transpose(emb, (1, 0))
    wd0 = jnp.transpose(jnp.flip(dec_w0, (2, 3)),
                        (2, 3, 0, 1)).reshape(3, 192, 64)
    bd0 = dec_b0.reshape(1, 64)
    wd1 = jnp.transpose(jnp.flip(dec_w1, (2, 3)),
                        (2, 3, 0, 1)).reshape(3, 192, 3)
    bd1 = dec_b1.reshape(1, 3)

    h1 = _enc0(xh, w0, b0)
    z, idxm, cnt = _enc1_vq(h1, w1, b1, wp, bp, embt)
    q = _sc_gather(idxm, emb)
    r, ss = _dec0(q.reshape(2, 224, 224, 128), z, wd0, bd0)
    recon = _dec1(r, wd1, bd1)
    loss, perp = _scalars(ss.reshape(1, 2 * NT), cnt.reshape(2 * NT2, 512))
    return loss[0, 0], jnp.transpose(recon, (0, 3, 1, 2)), perp[0, 0]

# --- scband reference (transcript-rebuilt; emitter-appended) ---
"""Pipeline reference for scband-tiny-vqvae-19713899889456 (READ-ONLY COPY).

The authoritative reference and input builder live on the scoring server;
editing this copy changes nothing except your own understanding.
"""

import jax, jax.numpy as jnp
import numpy as np

IN_CH = 3
NH = 64
K = 512
D = 64
CC = 0.25

def _conv(x, w, b, pad):
    y = jax.lax.conv_general_dilated(x, w, (1, 1), ((pad, pad), (pad, pad)), dimension_numbers=('NCHW', 'OIHW', 'NCHW'))
    return y + b[None, :, None, None]

def _convT(x, w, b):
    # torch ConvTranspose2d(k=3, s=1, p=1) == conv with spatially flipped kernel, padding=1
    # torch convT weight layout is (Cin, Cout, kh, kw) -> flip HW, swap to OIHW
    w2 = jnp.transpose(jnp.flip(w, (2, 3)), (1, 0, 2, 3))
    y = jax.lax.conv_general_dilated(x, w2, (1, 1), ((1, 1), (1, 1)), dimension_numbers=('NCHW', 'OIHW', 'NCHW'))
    return y + b[None, :, None, None]

def setup_inputs(seed: int = 0) -> dict:
    key = jax.random.key(seed)
    ks = jax.random.split(key, 12)
    s = 0.05
    return {
        'x': jax.random.normal(ks[0], (2, IN_CH, 224, 224), jnp.float32),
        'enc_w0': jax.random.normal(ks[1], (NH, IN_CH, 3, 3), jnp.float32) * s,
        'enc_b0': jnp.zeros((NH,), jnp.float32),
        'enc_w1': jax.random.normal(ks[2], (NH, NH, 3, 3), jnp.float32) * s,
        'enc_b1': jnp.zeros((NH,), jnp.float32),
        'pre_w': jax.random.normal(ks[3], (D, NH, 1, 1), jnp.float32) * s,
        'pre_b': jnp.zeros((D,), jnp.float32),
        'emb': jax.random.normal(ks[4], (K, D), jnp.float32),
        'dec_w0': jax.random.normal(ks[5], (NH, NH, 3, 3), jnp.float32) * s,
        'dec_b0': jnp.zeros((NH,), jnp.float32),
        'dec_w1': jax.random.normal(ks[6], (NH, IN_CH, 3, 3), jnp.float32) * s,
        'dec_b1': jnp.zeros((IN_CH,), jnp.float32),
    }

def reference(x, enc_w0, enc_b0, enc_w1, enc_b1, pre_w, pre_b, emb, dec_w0, dec_b0, dec_w1, dec_b1):
    # encoder
    h = jax.nn.relu(_conv(x, enc_w0, enc_b0, 1))
    h = jax.nn.relu(_conv(h, enc_w1, enc_b1, 1))
    z = _conv(h, pre_w, pre_b, 0)
    # VectorQuantizerEMA forward (eval mode: no EMA buffer updates)
    zt = jnp.transpose(z, (0, 2, 3, 1))
    shp = zt.shape
    flat = zt.reshape(-1, D)
    dist = jnp.sum(flat ** 2, axis=1, keepdims=True) + jnp.sum(emb ** 2, axis=1) - 2.0 * (flat @ emb.T)
    idx = jnp.argmin(dist, axis=1)
    encodings = jax.nn.one_hot(idx, K, dtype=jnp.float32)
    quantized = (encodings @ emb).reshape(shp)
    e_latent_loss = jnp.mean((jax.lax.stop_gradient(quantized) - zt) ** 2)
    loss = CC * e_latent_loss
    quantized = zt + jax.lax.stop_gradient(quantized - zt)
    avg_probs = jnp.mean(encodings, axis=0)
    perplexity = jnp.exp(-jnp.sum(avg_probs * jnp.log(avg_probs + 1e-10)))
    qc = jnp.transpose(quantized, (0, 3, 1, 2))
    # decoder
    r = jax.nn.relu(_convT(qc, dec_w0, dec_b0))
    recon = _convT(r, dec_w1, dec_b1)
    return loss, recon, perplexity

if __name__ == "__main__":
    import jax
    _d = setup_inputs()
    print(jax.jit(kernel)(*tuple(_d.values())))

</pallas_src>

<mosaic_0001>
#map = affine_map<(d0, d1) -> (0)>
module attributes {stable_mosaic.version = 14 : i64} {
  func.func @k(%arg0: i32, %arg1: i32, %arg2: memref<100352xi32, #tpu.memory_space<hbm>>, %arg3: memref<32768xf32, #tpu.memory_space<hbm>>, %arg4: memref<12845056xf32, #tpu.memory_space<hbm>>, %arg5: memref<32768xf32, #tpu.memory_space<vmem>>, %arg6: memref<3136xi32, #tpu.memory_space<vmem>>, %arg7: memref<14336xf32, #tpu.memory_space<vmem>>, %arg8: memref<14336xf32, #tpu.memory_space<vmem>>) attributes {dimension_semantics = [#tpu.dimension_semantics<core_parallel>, #tpu.dimension_semantics<subcore_parallel>], iteration_bounds = array<i64: 2, 16>, scalar_prefetch = 0 : i64, scratch_operands = 4 : i64, tpu.core_type = #tpu.core_type<sc_vector_subcore>, window_params = [{transform_indices = #map}, {transform_indices = #map}, {transform_indices = #map}]} {
    %mul3A = arith.constant 2 : i32
    %mul3A_0 = arith.muli %arg1, %mul3A : i32
    %add3A = arith.addi %mul3A_0, %arg0 : i32
    %mul3A_1 = arith.constant 3136 : i32
    %mul3A_2 = arith.muli %add3A, %mul3A_1 : i32
    "tpu.region"() ({
      %run_scoped3A = tpu.sem_alloc : memref<!tpu.dma_semaphore, #tpu.memory_space<semaphore_mem>>
      tpu.enqueue_dma source(%arg3 : memref<32768xf32, #tpu.memory_space<hbm>>) target(%arg5 : memref<32768xf32, #tpu.memory_space<vmem>>) target_semaphore(%run_scoped3A : memref<!tpu.dma_semaphore, #tpu.memory_space<semaphore_mem>>)
      tpu.wait_dma2 semaphore(%run_scoped3A : memref<!tpu.dma_semaphore, #tpu.memory_space<semaphore_mem>>) src(%arg3 : memref<32768xf32, #tpu.memory_space<hbm>>) dst(%arg5 : memref<32768xf32, #tpu.memory_space<vmem>>)
      tpu.yield
    }) : () -> ()
    %multiple_of3A = tpu.assume_multiple %mul3A_2, 8 : i32
    "tpu.region"() ({
      %run_scoped3A = tpu.sem_alloc : memref<!tpu.dma_semaphore, #tpu.memory_space<semaphore_mem>>
      %dma_start3A = tpu.memref_slice %arg2[%multiple_of3A] : memref<100352xi32, #tpu.memory_space<hbm>> -> memref<3136xi32, #tpu.memory_space<hbm>>
      %dma_start3A_9 = tpu.memref_slice %arg2[%multiple_of3A] : memref<100352xi32, #tpu.memory_space<hbm>> -> memref<3136xi32, #tpu.memory_space<hbm>>
      tpu.enqueue_dma source(%dma_start3A_9 : memref<3136xi32, #tpu.memory_space<hbm>>) target(%arg6 : memref<3136xi32, #tpu.memory_space<vmem>>) target_semaphore(%run_scoped3A : memref<!tpu.dma_semaphore, #tpu.memory_space<semaphore_mem>>)
      %dma_wait3A = tpu.memref_slice %arg2[%multiple_of3A] : memref<100352xi32, #tpu.memory_space<hbm>> -> memref<3136xi32, #tpu.memory_space<hbm>>
      %dma_wait3A_10 = tpu.memref_slice %arg2[%multiple_of3A] : memref<100352xi32, #tpu.memory_space<hbm>> -> memref<3136xi32, #tpu.memory_space<hbm>>
      tpu.wait_dma2 semaphore(%run_scoped3A : memref<!tpu.dma_semaphore, #tpu.memory_space<semaphore_mem>>) src(%dma_wait3A_10 : memref<3136xi32, #tpu.memory_space<hbm>>) dst(%arg6 : memref<3136xi32, #tpu.memory_space<vmem>>)
      tpu.yield
    }) : () -> ()
    %iota3A = tpu.iota {dimensions = array<i32: 0>} : vector<16xi32>
    %scan3A = arith.constant 0 : i32
    %scan3A_3 = arith.constant 0 : i32
    %scan3A_4 = arith.constant 14 : i32
    %scan3A_5 = arith.addi %scan3A_3, %scan3A_4 : i32
    %scan3A_6 = arith.constant 1 : i32
    %scan3A_7 = scf.for %scan3A_9 = %scan3A_3 to %scan3A_5 step %scan3A_6 iter_args(%scan3A_10 = %scan3A) -> (i32)  : i32 {
      %mul3A_11 = arith.constant 2 : i32
      %mul3A_12 = arith.muli %scan3A_9, %mul3A_11 : i32
      %add3A_13 = arith.constant 0 : i32
      %add3A_14 = arith.addi %mul3A_12, %add3A_13 : i32
      %scan3A_15 = arith.constant 0 : i32
      %scan3A_16 = arith.constant 0 : i32
      %scan3A_17 = arith.constant 7 : i32
      %scan3A_18 = arith.addi %scan3A_16, %scan3A_17 : i32
      %scan3A_19 = arith.constant 1 : i32
      %scan3A_20 = scf.for %scan3A_46 = %scan3A_16 to %scan3A_18 step %scan3A_19 iter_args(%scan3A_47 = %scan3A_15) -> (i32)  : i32 {
        %mul3A_48 = arith.constant 112 : i32
        %mul3A_49 = arith.muli %add3A_14, %mul3A_48 : i32
        %mul3A_50 = arith.constant 16 : i32
        %mul3A_51 = arith.muli %scan3A_46, %mul3A_50 : i32
        %add3A_52 = arith.addi %mul3A_49, %mul3A_51 : i32
        %add3A_53 = vector.broadcast %add3A_52 : i32 to vector<16xi32>
        %add3A_54 = arith.addi %add3A_53, %iota3A : vector<16xi32>
        %gather3A = tpu.vector_load_idx %arg6[%add3A_54] : memref<3136xi32, #tpu.memory_space<vmem>>[vector<16xi32>], vector<16xi32>,
        %mul3A_55 = arith.constant 64 : i32
        %mul3A_56 = vector.broadcast %mul3A_55 : i32 to vector<16xi32>
        %mul3A_57 = arith.muli %gather3A, %mul3A_56 : vector<16xi32>
        %mul3A_58 = arith.constant 16 : i32
        %mul3A_59 = arith.muli %scan3A_46, %mul3A_58 : i32
        %add3A_60 = vector.broadcast %mul3A_59 : i32 to vector<16xi32>
        %add3A_61 = arith.addi %add3A_60, %iota3A : vector<16xi32>
        %mul3A_62 = arith.constant 128 : i32
        %mul3A_63 = vector.broadcast %mul3A_62 : i32 to vector<16xi32>
        %mul3A_64 = arith.muli %add3A_61, %mul3A_63 : vector<16xi32>
        %add3A_65 = arith.constant 0 : i32
        %add3A_66 = vector.broadcast %add3A_65 : i32 to vector<16xi32>
        %add3A_67 = arith.addi %mul3A_57, %add3A_66 : vector<16xi32>
        %gather3A_68 = tpu.vector_load_idx %arg5[%add3A_67] : memref<32768xf32, #tpu.memory_space<vmem>>[vector<16xi32>], vector<16xf32>,
        %add3A_69 = arith.constant 0 : i32
        %add3A_70 = vector.broadcast %add3A_69 : i32 to vector<16xi32>
        %add3A_71 = arith.addi %mul3A_64, %add3A_70 : vector<16xi32>
        tpu.vector_store_idx %arg7[%add3A_71], %gather3A_68 : memref<14336xf32, #tpu.memory_space<vmem>>[vector<16xi32>], vector<16xf32>,
        %add3A_72 = arith.constant 1 : i32
        %add3A_73 = vector.broadcast %add3A_72 : i32 to vector<16xi32>
        %add3A_74 = arith.addi %mul3A_57, %add3A_73 : vector<16xi32>
        %gather3A_75 = tpu.vector_load_idx %arg5[%add3A_74] : memref<32768xf32, #tpu.memory_space<vmem>>[vector<16xi32>], vector<16xf32>,
        %add3A_76 = arith.constant 1 : i32
        %add3A_77 = vector.broadcast %add3A_76 : i32 to vector<16xi32>
        %add3A_78 = arith.addi %mul3A_64, %add3A_77 : vector<16xi32>
        tpu.vector_store_idx %arg7[%add3A_78], %gather3A_75 : memref<14336xf32, #tpu.memory_space<vmem>>[vector<16xi32>], vector<16xf32>,
        %add3A_79 = arith.constant 2 : i32
        %add3A_80 = vector.broadcast %add3A_79 : i32 to vector<16xi32>
        %add3A_81 = arith.addi %mul3A_57, %add3A_80 : vector<16xi32>
        %gather3A_82 = tpu.vector_load_idx %arg5[%add3A_81] : memref<32768xf32, #tpu.memory_space<vmem>>[vector<16xi32>], vector<16xf32>,
        %add3A_83 = arith.constant 2 : i32
        %add3A_84 = vector.broadcast %add3A_83 : i32 to vector<16xi32>
        %add3A_85 = arith.addi %mul3A_64, %add3A_84 : vector<16xi32>
        tpu.vector_store_idx %arg7[%add3A_85], %gather3A_82 : memref<14336xf32, #tpu.memory_space<vmem>>[vector<16xi32>], vector<16xf32>,
        %add3A_86 = arith.constant 3 : i32
        %add3A_87 = vector.broadcast %add3A_86 : i32 to vector<16xi32>
        %add3A_88 = arith.addi %mul3A_57, %add3A_87 : vector<16xi32>
        %gather3A_89 = tpu.vector_load_idx %arg5[%add3A_88] : memref<32768xf32, #tpu.memory_space<vmem>>[vector<16xi32>], vector<16xf32>,
        %add3A_90 = arith.constant 3 : i32
        %add3A_91 = vector.broadcast %add3A_90 : i32 to vector<16xi32>
        %add3A_92 = arith.addi %mul3A_64, %add3A_91 : vector<16xi32>
        tpu.vector_store_idx %arg7[%add3A_92], %gather3A_89 : memref<14336xf32, #tpu.memory_space<vmem>>[vector<16xi32>], vector<16xf32>,
        %add3A_93 = arith.constant 4 : i32
        %add3A_94 = vector.broadcast %add3A_93 : i32 to vector<16xi32>
        %add3A_95 = arith.addi %mul3A_57, %add3A_94 : vector<16xi32>
        %gather3A_96 = tpu.vector_load_idx %arg5[%add3A_95] : memref<32768xf32, #tpu.memory_space<vmem>>[vector<16xi32>], vector<16xf32>,
        %add3A_97 = arith.constant 4 : i32
        %add3A_98 = vector.broadcast %add3A_97 : i32 to vector<16xi32>
        %add3A_99 = arith.addi %mul3A_64, %add3A_98 : vector<16xi32>
        tpu.vector_store_idx %arg7[%add3A_99], %gather3A_96 : memref<14336xf32, #tpu.memory_space<vmem>>[vector<16xi32>], vector<16xf32>,
        %add3A_100 = arith.constant 5 : i32
        %add3A_101 = vector.broadcast %add3A_100 : i32 to vector<16xi32>
        %add3A_102 = arith.addi %mul3A_57, %add3A_101 : vector<16xi32>
        %gather3A_103 = tpu.vector_load_idx %arg5[%add3A_102] : memref<32768xf32, #tpu.memory_space<vmem>>[vector<16xi32>], vector<16xf32>,
        %add3A_104 = arith.constant 5 : i32
        %add3A_105 = vector.broadcast %add3A_104 : i32 to vector<16xi32>
        %add3A_106 = arith.addi %mul3A_64, %add3A_105 : vector<16xi32>
        tpu.vector_store_idx %arg7[%add3A_106], %gather3A_103 : memref<14336xf32, #tpu.memory_space<vmem>>[vector<16xi32>], vector<16xf32>,
        %add3A_107 = arith.constant 6 : i32
        %add3A_108 = vector.broadcast %add3A_107 : i32 to vector<16xi32>
        %add3A_109 = arith.addi %mul3A_57, %add3A_108 : vector<16xi32>
        %gather3A_110 = tpu.vector_load_idx %arg5[%add3A_109] : memref<32768xf32, #tpu.memory_space<vmem>>[vector<16xi32>], vector<16xf32>,
        %add3A_111 = arith.constant 6 : i32
        %add3A_112 = vector.broadcast %add3A_111 : i32 to vector<16xi32>
        %add3A_113 = arith.addi %mul3A_64, %add3A_112 : vector<16xi32>
        tpu.vector_store_idx %arg7[%add3A_113], %gather3A_110 : memref<14336xf32, #tpu.memory_space<vmem>>[vector<16xi32>], vector<16xf32>,
        %add3A_114 = arith.constant 7 : i32
        %add3A_115 = vector.broadcast %add3A_114 : i32 to vector<16xi32>
        %add3A_116 = arith.addi %mul3A_57, %add3A_115 : vector<16xi32>
        %gather3A_117 = tpu.vector_load_idx %arg5[%add3A_116] : memref<32768xf32, #tpu.memory_space<vmem>>[vector<16xi32>], vector<16xf32>,
        %add3A_118 = arith.constant 7 : i32
        %add3A_119 = vector.broadcast %add3A_118 : i32 to vector<16xi32>
        %add3A_120 = arith.addi %mul3A_64, %add3A_119 : vector<16xi32>
        tpu.vector_store_idx %arg7[%add3A_120], %gather3A_117 : memref<14336xf32, #tpu.memory_space<vmem>>[vector<16xi32>], vector<16xf32>,
        %add3A_121 = arith.constant 8 : i32
        %add3A_122 = vector.broadcast %add3A_121 : i32 to vector<16xi32>
        %add3A_123 = arith.addi %mul3A_57, %add3A_122 : vector<16xi32>
        %gather3A_124 = tpu.vector_load_idx %arg5[%add3A_123] : memref<32768xf32, #tpu.memory_space<vmem>>[vector<16xi32>], vector<16xf32>,
        %add3A_125 = arith.constant 8 : i32
        %add3A_126 = vector.broadcast %add3A_125 : i32 to vector<16xi32>
        %add3A_127 = arith.addi %mul3A_64, %add3A_126 : vector<16xi32>
        tpu.vector_store_idx %arg7[%add3A_127], %gather3A_124 : memref<14336xf32, #tpu.memory_space<vmem>>[vector<16xi32>], vector<16xf32>,
        %add3A_128 = arith.constant 9 : i32
        %add3A_129 = vector.broadcast %add3A_128 : i32 to vector<16xi32>
        %add3A_130 = arith.addi %mul3A_57, %add3A_129 : vector<16xi32>
        %gather3A_131 = tpu.vector_load_idx %arg5[%add3A_130] : memref<32768xf32, #tpu.memory_space<vmem>>[vector<16xi32>], vector<16xf32>,
        %add3A_132 = arith.constant 9 : i32
        %add3A_133 = vector.broadcast %add3A_132 : i32 to vector<16xi32>
        %add3A_134 = arith.addi %mul3A_64, %add3A_133 : vector<16xi32>
        tpu.vector_store_idx %arg7[%add3A_134], %gather3A_131 : memref<14336xf32, #tpu.memory_space<vmem>>[vector<16xi32>], vector<16xf32>,
        %add3A_135 = arith.constant 10 : i32
        %add3A_136 = vector.broadcast %add3A_135 : i32 to vector<16xi32>
        %add3A_137 = arith.addi %mul3A_57, %add3A_136 : vector<16xi32>
        %gather3A_138 = tpu.vector_load_idx %arg5[%add3A_137] : memref<32768xf32, #tpu.memory_space<vmem>>[vector<16xi32>], vector<16xf32>,
        %add3A_139 = arith.constant 10 : i32
        %add3A_140 = vector.broadcast %add3A_139 : i32 to vector<16xi32>
        %add3A_141 = arith.addi %mul3A_64, %add3A_140 : vector<16xi32>
        tpu.vector_store_idx %arg7[%add3A_141], %gather3A_138 : memref<14336xf32, #tpu.memory_space<vmem>>[vector<16xi32>], vector<16xf32>,
        %add3A_142 = arith.constant 11 : i32
        %add3A_143 = vector.broadcast %add3A_142 : i32 to vector<16xi32>
        %add3A_144 = arith.addi %mul3A_57, %add3A_143 : vector<16xi32>
        %gather3A_145 = tpu.vector_load_idx %arg5[%add3A_144] : memref<32768xf32, #tpu.memory_space<vmem>>[vector<16xi32>], vector<16xf32>,
        %add3A_146 = arith.constant 11 : i32
        %add3A_147 = vector.broadcast %add3A_146 : i32 to vector<16xi32>
        %add3A_148 = arith.addi %mul3A_64, %add3A_147 : vector<16xi32>
        tpu.vector_store_idx %arg7[%add3A_148], %gather3A_145 : memref<14336xf32, #tpu.memory_space<vmem>>[vector<16xi32>], vector<16xf32>,
        %add3A_149 = arith.constant 12 : i32
        %add3A_150 = vector.broadcast %add3A_149 : i32 to vector<16xi32>
        %add3A_151 = arith.addi %mul3A_57, %add3A_150 : vector<16xi32>
        %gather3A_152 = tpu.vector_load_idx %arg5[%add3A_151] : memref<32768xf32, #tpu.memory_space<vmem>>[vector<16xi32>], vector<16xf32>,
        %add3A_153 = arith.constant 12 : i32
        %add3A_154 = vector.broadcast %add3A_153 : i32 to vector<16xi32>
        %add3A_155 = arith.addi %mul3A_64, %add3A_154 : vector<16xi32>
        tpu.vector_store_idx %arg7[%add3A_155], %gather3A_152 : memref<14336xf32, #tpu.memory_space<vmem>>[vector<16xi32>], vector<16xf32>,
        %add3A_156 = arith.constant 13 : i32
        %add3A_157 = vector.broadcast %add3A_156 : i32 to vector<16xi32>
        %add3A_158 = arith.addi %mul3A_57, %add3A_157 : vector<16xi32>
        %gather3A_159 = tpu.vector_load_idx %arg5[%add3A_158] : memref<32768xf32, #tpu.memory_space<vmem>>[vector<16xi32>], vector<16xf32>,
        %add3A_160 = arith.constant 13 : i32
        %add3A_161 = vector.broadcast %add3A_160 : i32 to vector<16xi32>
        %add3A_162 = arith.addi %mul3A_64, %add3A_161 : vector<16xi32>
        tpu.vector_store_idx %arg7[%add3A_162], %gather3A_159 : memref<14336xf32, #tpu.memory_space<vmem>>[vector<16xi32>], vector<16xf32>,
        %add3A_163 = arith.constant 14 : i32
        %add3A_164 = vector.broadcast %add3A_163 : i32 to vector<16xi32>
        %add3A_165 = arith.addi %mul3A_57, %add3A_164 : vector<16xi32>
        %gather3A_166 = tpu.vector_load_idx %arg5[%add3A_165] : memref<32768xf32, #tpu.memory_space<vmem>>[vector<16xi32>], vector<16xf32>,
        %add3A_167 = arith.constant 14 : i32
        %add3A_168 = vector.broadcast %add3A_167 : i32 to vector<16xi32>
        %add3A_169 = arith.addi %mul3A_64, %add3A_168 : vector<16xi32>
        tpu.vector_store_idx %arg7[%add3A_169], %gather3A_166 : memref<14336xf32, #tpu.memory_space<vmem>>[vector<16xi32>], vector<16xf32>,
        %add3A_170 = arith.constant 15 : i32
        %add3A_171 = vector.broadcast %add3A_170 : i32 to vector<16xi32>
        %add3A_172 = arith.addi %mul3A_57, %add3A_171 : vector<16xi32>
        %gather3A_173 = tpu.vector_load_idx %arg5[%add3A_172] : memref<32768xf32, #tpu.memory_space<vmem>>[vector<16xi32>], vector<16xf32>,
        %add3A_174 = arith.constant 15 : i32
        %add3A_175 = vector.broadcast %add3A_174 : i32 to vector<16xi32>
        %add3A_176 = arith.addi %mul3A_64, %add3A_175 : vector<16xi32>
        tpu.vector_store_idx %arg7[%add3A_176], %gather3A_173 : memref<14336xf32, #tpu.memory_space<vmem>>[vector<16xi32>], vector<16xf32>,
        %add3A_177 = arith.constant 16 : i32
        %add3A_178 = vector.broadcast %add3A_177 : i32 to vector<16xi32>
        %add3A_179 = arith.addi %mul3A_57, %add3A_178 : vector<16xi32>
        %gather3A_180 = tpu.vector_load_idx %arg5[%add3A_179] : memref<32768xf32, #tpu.memory_space<vmem>>[vector<16xi32>], vector<16xf32>,
        %add3A_181 = arith.constant 16 : i32
        %add3A_182 = vector.broadcast %add3A_181 : i32 to vector<16xi32>
        %add3A_183 = arith.addi %mul3A_64, %add3A_182 : vector<16xi32>
        tpu.vector_store_idx %arg7[%add3A_183], %gather3A_180 : memref<14336xf32, #tpu.memory_space<vmem>>[vector<16xi32>], vector<16xf32>,
        %add3A_184 = arith.constant 17 : i32
        %add3A_185 = vector.broadcast %add3A_184 : i32 to vector<16xi32>
        %add3A_186 = arith.addi %mul3A_57, %add3A_185 : vector<16xi32>
        %gather3A_187 = tpu.vector_load_idx %arg5[%add3A_186] : memref<32768xf32, #tpu.memory_space<vmem>>[vector<16xi32>], vector<16xf32>,
        %add3A_188 = arith.constant 17 : i32
        %add3A_189 = vector.broadcast %add3A_188 : i32 to vector<16xi32>
        %add3A_190 = arith.addi %mul3A_64, %add3A_189 : vector<16xi32>
        tpu.vector_store_idx %arg7[%add3A_190], %gather3A_187 : memref<14336xf32, #tpu.memory_space<vmem>>[vector<16xi32>], vector<16xf32>,
        %add3A_191 = arith.constant 18 : i32
        %add3A_192 = vector.broadcast %add3A_191 : i32 to vector<16xi32>
        %add3A_193 = arith.addi %mul3A_57, %add3A_192 : vector<16xi32>
        %gather3A_194 = tpu.vector_load_idx %arg5[%add3A_193] : memref<32768xf32, #tpu.memory_space<vmem>>[vector<16xi32>], vector<16xf32>,
        %add3A_195 = arith.constant 18 : i32
        %add3A_196 = vector.broadcast %add3A_195 : i32 to vector<16xi32>
        %add3A_197 = arith.addi %mul3A_64, %add3A_196 : vector<16xi32>
        tpu.vector_store_idx %arg7[%add3A_197], %gather3A_194 : memref<14336xf32, #tpu.memory_space<vmem>>[vector<16xi32>], vector<16xf32>,
        %add3A_198 = arith.constant 19 : i32
        %add3A_199 = vector.broadcast %add3A_198 : i32 to vector<16xi32>
        %add3A_200 = arith.addi %mul3A_57, %add3A_199 : vector<16xi32>
        %gather3A_201 = tpu.vector_load_idx %arg5[%add3A_200] : memref<32768xf32, #tpu.memory_space<vmem>>[vector<16xi32>], vector<16xf32>,
        %add3A_202 = arith.constant 19 : i32
        %add3A_203 = vector.broadcast %add3A_202 : i32 to vector<16xi32>
        %add3A_204 = arith.addi %mul3A_64, %add3A_203 : vector<16xi32>
        tpu.vector_store_idx %arg7[%add3A_204], %gather3A_201 : memref<14336xf32, #tpu.memory_space<vmem>>[vector<16xi32>], vector<16xf32>,
        %add3A_205 = arith.constant 20 : i32
        %add3A_206 = vector.broadcast %add3A_205 : i32 to vector<16xi32>
        %add3A_207 = arith.addi %mul3A_57, %add3A_206 : vector<16xi32>
        %gather3A_208 = tpu.vector_load_idx %arg5[%add3A_207] : memref<32768xf32, #tpu.memory_space<vmem>>[vector<16xi32>], vector<16xf32>,
        %add3A_209 = arith.constant 20 : i32
        %add3A_210 = vector.broadcast %add3A_209 : i32 to vector<16xi32>
        %add3A_211 = arith.addi %mul3A_64, %add3A_210 : vector<16xi32>
        tpu.vector_store_idx %arg7[%add3A_211], %gather3A_208 : memref<14336xf32, #tpu.memory_space<vmem>>[vector<16xi32>], vector<16xf32>,
        %add3A_212 = arith.constant 21 : i32
        %add3A_213 = vector.broadcast %add3A_212 : i32 to vector<16xi32>
        %add3A_214 = arith.addi %mul3A_57, %add3A_213 : vector<16xi32>
        %gather3A_215 = tpu.vector_load_idx %arg5[%add3A_214] : memref<32768xf32, #tpu.memory_space<vmem>>[vector<16xi32>], vector<16xf32>,
        %add3A_216 = arith.constant 21 : i32
        %add3A_217 = vector.broadcast %add3A_216 : i32 to vector<16xi32>
        %add3A_218 = arith.addi %mul3A_64, %add3A_217 : vector<16xi32>
        tpu.vector_store_idx %arg7[%add3A_218], %gather3A_215 : memref<14336xf32, #tpu.memory_space<vmem>>[vector<16xi32>], vector<16xf32>,
        %add3A_219 = arith.constant 22 : i32
        %add3A_220 = vector.broadcast %add3A_219 : i32 to vector<16xi32>
        %add3A_221 = arith.addi %mul3A_57, %add3A_220 : vector<16xi32>
        %gather3A_222 = tpu.vector_load_idx %arg5[%add3A_221] : memref<32768xf32, #tpu.memory_space<vmem>>[vector<16xi32>], vector<16xf32>,
        %add3A_223 = arith.constant 22 : i32
        %add3A_224 = vector.broadcast %add3A_223 : i32 to vector<16xi32>
        %add3A_225 = arith.addi %mul3A_64, %add3A_224 : vector<16xi32>
        tpu.vector_store_idx %arg7[%add3A_225], %gather3A_222 : memref<14336xf32, #tpu.memory_space<vmem>>[vector<16xi32>], vector<16xf32>,
        %add3A_226 = arith.constant 23 : i32
        %add3A_227 = vector.broadcast %add3A_226 : i32 to vector<16xi32>
        %add3A_228 = arith.addi %mul3A_57, %add3A_227 : vector<16xi32>
        %gather3A_229 = tpu.vector_load_idx %arg5[%add3A_228] : memref<32768xf32, #tpu.memory_space<vmem>>[vector<16xi32>], vector<16xf32>,
        %add3A_230 = arith.constant 23 : i32
        %add3A_231 = vector.broadcast %add3A_230 : i32 to vector<16xi32>
        %add3A_232 = arith.addi %mul3A_64, %add3A_231 : vector<16xi32>
        tpu.vector_store_idx %arg7[%add3A_232], %gather3A_229 : memref<14336xf32, #tpu.memory_space<vmem>>[vector<16xi32>], vector<16xf32>,
        %add3A_233 = arith.constant 24 : i32
        %add3A_234 = vector.broadcast %add3A_233 : i32 to vector<16xi32>
        %add3A_235 = arith.addi %mul3A_57, %add3A_234 : vector<16xi32>
        %gather3A_236 = tpu.vector_load_idx %arg5[%add3A_235] : memref<32768xf32, #tpu.memory_space<vmem>>[vector<16xi32>], vector<16xf32>,
        %add3A_237 = arith.constant 24 : i32
        %add3A_238 = vector.broadcast %add3A_237 : i32 to vector<16xi32>
        %add3A_239 = arith.addi %mul3A_64, %add3A_238 : vector<16xi32>
        tpu.vector_store_idx %arg7[%add3A_239], %gather3A_236 : memref<14336xf32, #tpu.memory_space<vmem>>[vector<16xi32>], vector<16xf32>,
        %add3A_240 = arith.constant 25 : i32
        %add3A_241 = vector.broadcast %add3A_240 : i32 to vector<16xi32>
        %add3A_242 = arith.addi %mul3A_57, %add3A_241 : vector<16xi32>
        %gather3A_243 = tpu.vector_load_idx %arg5[%add3A_242] : memref<32768xf32, #tpu.memory_space<vmem>>[vector<16xi32>], vector<16xf32>,
        %add3A_244 = arith.constant 25 : i32
        %add3A_245 = vector.broadcast %add3A_244 : i32 to vector<16xi32>
        %add3A_246 = arith.addi %mul3A_64, %add3A_245 : vector<16xi32>
        tpu.vector_store_idx %arg7[%add3A_246], %gather3A_243 : memref<14336xf32, #tpu.memory_space<vmem>>[vector<16xi32>], vector<16xf32>,
        %add3A_247 = arith.constant 26 : i32
        %add3A_248 = vector.broadcast %add3A_247 : i32 to vector<16xi32>
        %add3A_249 = arith.addi %mul3A_57, %add3A_248 : vector<16xi32>
        %gather3A_250 = tpu.vector_load_idx %arg5[%add3A_249] : memref<32768xf32, #tpu.memory_space<vmem>>[vector<16xi32>], vector<16xf32>,
        %add3A_251 = arith.constant 26 : i32
        %add3A_252 = vector.broadcast %add3A_251 : i32 to vector<16xi32>
        %add3A_253 = arith.addi %mul3A_64, %add3A_252 : vector<16xi32>
        tpu.vector_store_idx %arg7[%add3A_253], %gather3A_250 : memref<14336xf32, #tpu.memory_space<vmem>>[vector<16xi32>], vector<16xf32>,
        %add3A_254 = arith.constant 27 : i32
        %add3A_255 = vector.broadcast %add3A_254 : i32 to vector<16xi32>
        %add3A_256 = arith.addi %mul3A_57, %add3A_255 : vector<16xi32>
        %gather3A_257 = tpu.vector_load_idx %arg5[%add3A_256] : memref<32768xf32, #tpu.memory_space<vmem>>[vector<16xi32>], vector<16xf32>,
        %add3A_258 = arith.constant 27 : i32
        %add3A_259 = vector.broadcast %add3A_258 : i32 to vector<16xi32>
        %add3A_260 = arith.addi %mul3A_64, %add3A_259 : vector<16xi32>
        tpu.vector_store_idx %arg7[%add3A_260], %gather3A_257 : memref<14336xf32, #tpu.memory_space<vmem>>[vector<16xi32>], vector<16xf32>,
        %add3A_261 = arith.constant 28 : i32
        %add3A_262 = vector.broadcast %add3A_261 : i32 to vector<16xi32>
        %add3A_263 = arith.addi %mul3A_57, %add3A_262 : vector<16xi32>
        %gather3A_264 = tpu.vector_load_idx %arg5[%add3A_263] : memref<32768xf32, #tpu.memory_space<vmem>>[vector<16xi32>], vector<16xf32>,
        %add3A_265 = arith.constant 28 : i32
        %add3A_266 = vector.broadcast %add3A_265 : i32 to vector<16xi32>
        %add3A_267 = arith.addi %mul3A_64, %add3A_266 : vector<16xi32>
        tpu.vector_store_idx %arg7[%add3A_267], %gather3A_264 : memref<14336xf32, #tpu.memory_space<vmem>>[vector<16xi32>], vector<16xf32>,
        %add3A_268 = arith.constant 29 : i32
        %add3A_269 = vector.broadcast %add3A_268 : i32 to vector<16xi32>
        %add3A_270 = arith.addi %mul3A_57, %add3A_269 : vector<16xi32>
        %gather3A_271 = tpu.vector_load_idx %arg5[%add3A_270] : memref<32768xf32, #tpu.memory_space<vmem>>[vector<16xi32>], vector<16xf32>,
        %add3A_272 = arith.constant 29 : i32
        %add3A_273 = vector.broadcast %add3A_272 : i32 to vector<16xi32>
        %add3A_274 = arith.addi %mul3A_64, %add3A_273 : vector<16xi32>
        tpu.vector_store_idx %arg7[%add3A_274], %gather3A_271 : memref<14336xf32, #tpu.memory_space<vmem>>[vector<16xi32>], vector<16xf32>,
        %add3A_275 = arith.constant 30 : i32
        %add3A_276 = vector.broadcast %add3A_275 : i32 to vector<16xi32>
        %add3A_277 = arith.addi %mul3A_57, %add3A_276 : vector<16xi32>
        %gather3A_278 = tpu.vector_load_idx %arg5[%add3A_277] : memref<32768xf32, #tpu.memory_space<vmem>>[vector<16xi32>], vector<16xf32>,
        %add3A_279 = arith.constant 30 : i32
        %add3A_280 = vector.broadcast %add3A_279 : i32 to vector<16xi32>
        %add3A_281 = arith.addi %mul3A_64, %add3A_280 : vector<16xi32>
        tpu.vector_store_idx %arg7[%add3A_281], %gather3A_278 : memref<14336xf32, #tpu.memory_space<vmem>>[vector<16xi32>], vector<16xf32>,
        %add3A_282 = arith.constant 31 : i32
        %add3A_283 = vector.broadcast %add3A_282 : i32 to vector<16xi32>
        %add3A_284 = arith.addi %mul3A_57, %add3A_283 : vector<16xi32>
        %gather3A_285 = tpu.vector_load_idx %arg5[%add3A_284] : memref<32768xf32, #tpu.memory_space<vmem>>[vector<16xi32>], vector<16xf32>,
        %add3A_286 = arith.constant 31 : i32
        %add3A_287 = vector.broadcast %add3A_286 : i32 to vector<16xi32>
        %add3A_288 = arith.addi %mul3A_64, %add3A_287 : vector<16xi32>
        tpu.vector_store_idx %arg7[%add3A_288], %gather3A_285 : memref<14336xf32, #tpu.memory_space<vmem>>[vector<16xi32>], vector<16xf32>,
        %add3A_289 = arith.constant 32 : i32
        %add3A_290 = vector.broadcast %add3A_289 : i32 to vector<16xi32>
        %add3A_291 = arith.addi %mul3A_57, %add3A_290 : vector<16xi32>
        %gather3A_292 = tpu.vector_load_idx %arg5[%add3A_291] : memref<32768xf32, #tpu.memory_space<vmem>>[vector<16xi32>], vector<16xf32>,
        %add3A_293 = arith.constant 32 : i32
        %add3A_294 = vector.broadcast %add3A_293 : i32 to vector<16xi32>
        %add3A_295 = arith.addi %mul3A_64, %add3A_294 : vector<16xi32>
        tpu.vector_store_idx %arg7[%add3A_295], %gather3A_292 : memref<14336xf32, #tpu.memory_space<vmem>>[vector<16xi32>], vector<16xf32>,
        %add3A_296 = arith.constant 33 : i32
        %add3A_297 = vector.broadcast %add3A_296 : i32 to vector<16xi32>
        %add3A_298 = arith.addi %mul3A_57, %add3A_297 : vector<16xi32>
        %gather3A_299 = tpu.vector_load_idx %arg5[%add3A_298] : memref<32768xf32, #tpu.memory_space<vmem>>[vector<16xi32>], vector<16xf32>,
        %add3A_300 = arith.constant 33 : i32
        %add3A_301 = vector.broadcast %add3A_300 : i32 to vector<16xi32>
        %add3A_302 = arith.addi %mul3A_64, %add3A_301 : vector<16xi32>
        tpu.vector_store_idx %arg7[%add3A_302], %gather3A_299 : memref<14336xf32, #tpu.memory_space<vmem>>[vector<16xi32>], vector<16xf32>,
        %add3A_303 = arith.constant 34 : i32
        %add3A_304 = vector.broadcast %add3A_303 : i32 to vector<16xi32>
        %add3A_305 = arith.addi %mul3A_57, %add3A_304 : vector<16xi32>
        %gather3A_306 = tpu.vector_load_idx %arg5[%add3A_305] : memref<32768xf32, #tpu.memory_space<vmem>>[vector<16xi32>], vector<16xf32>,
        %add3A_307 = arith.constant 34 : i32
        %add3A_308 = vector.broadcast %add3A_307 : i32 to vector<16xi32>
        %add3A_309 = arith.addi %mul3A_64, %add3A_308 : vector<16xi32>
        tpu.vector_store_idx %arg7[%add3A_309], %gather3A_306 : memref<14336xf32, #tpu.memory_space<vmem>>[vector<16xi32>], vector<16xf32>,
        %add3A_310 = arith.constant 35 : i32
        %add3A_311 = vector.broadcast %add3A_310 : i32 to vector<16xi32>
        %add3A_312 = arith.addi %mul3A_57, %add3A_311 : vector<16xi32>
        %gather3A_313 = tpu.vector_load_idx %arg5[%add3A_312] : memref<32768xf32, #tpu.memory_space<vmem>>[vector<16xi32>], vector<16xf32>,
        %add3A_314 = arith.constant 35 : i32
        %add3A_315 = vector.broadcast %add3A_314 : i32 to vector<16xi32>
        %add3A_316 = arith.addi %mul3A_64, %add3A_315 : vector<16xi32>
        tpu.vector_store_idx %arg7[%add3A_316], %gather3A_313 : memref<14336xf32, #tpu.memory_space<vmem>>[vector<16xi32>], vector<16xf32>,
        %add3A_317 = arith.constant 36 : i32
        %add3A_318 = vector.broadcast %add3A_317 : i32 to vector<16xi32>
        %add3A_319 = arith.addi %mul3A_57, %add3A_318 : vector<16xi32>
        %gather3A_320 = tpu.vector_load_idx %arg5[%add3A_319] : memref<32768xf32, #tpu.memory_space<vmem>>[vector<16xi32>], vector<16xf32>,
        %add3A_321 = arith.constant 36 : i32
        %add3A_322 = vector.broadcast %add3A_321 : i32 to vector<16xi32>
        %add3A_323 = arith.addi %mul3A_64, %add3A_322 : vector<16xi32>
        tpu.vector_store_idx %arg7[%add3A_323], %gather3A_320 : memref<14336xf32, #tpu.memory_space<vmem>>[vector<16xi32>], vector<16xf32>,
        %add3A_324 = arith.constant 37 : i32
        %add3A_325 = vector.broadcast %add3A_324 : i32 to vector<16xi32>
        %add3A_326 = arith.addi %mul3A_57, %add3A_325 : vector<16xi32>
        %gather3A_327 = tpu.vector_load_idx %arg5[%add3A_326] : memref<32768xf32, #tpu.memory_space<vmem>>[vector<16xi32>], vector<16xf32>,
        %add3A_328 = arith.constant 37 : i32
        %add3A_329 = vector.broadcast %add3A_328 : i32 to vector<16xi32>
        %add3A_330 = arith.addi %mul3A_64, %add3A_329 : vector<16xi32>
        tpu.vector_store_idx %arg7[%add3A_330], %gather3A_327 : memref<14336xf32, #tpu.memory_space<vmem>>[vector<16xi32>], vector<16xf32>,
        %add3A_331 = arith.constant 38 : i32
        %add3A_332 = vector.broadcast %add3A_331 : i32 to vector<16xi32>
        %add3A_333 = arith.addi %mul3A_57, %add3A_332 : vector<16xi32>
        %gather3A_334 = tpu.vector_load_idx %arg5[%add3A_333] : memref<32768xf32, #tpu.memory_space<vmem>>[vector<16xi32>], vector<16xf32>,
        %add3A_335 = arith.constant 38 : i32
        %add3A_336 = vector.broadcast %add3A_335 : i32 to vector<16xi32>
        %add3A_337 = arith.addi %mul3A_64, %add3A_336 : vector<16xi32>
        tpu.vector_store_idx %arg7[%add3A_337], %gather3A_334 : memref<14336xf32, #tpu.memory_space<vmem>>[vector<16xi32>], vector<16xf32>,
        %add3A_338 = arith.constant 39 : i32
        %add3A_339 = vector.broadcast %add3A_338 : i32 to vector<16xi32>
        %add3A_340 = arith.addi %mul3A_57, %add3A_339 : vector<16xi32>
        %gather3A_341 = tpu.vector_load_idx %arg5[%add3A_340] : memref<32768xf32, #tpu.memory_space<vmem>>[vector<16xi32>], vector<16xf32>,
        %add3A_342 = arith.constant 39 : i32
        %add3A_343 = vector.broadcast %add3A_342 : i32 to vector<16xi32>
        %add3A_344 = arith.addi %mul3A_64, %add3A_343 : vector<16xi32>
        tpu.vector_store_idx %arg7[%add3A_344], %gather3A_341 : memref<14336xf32, #tpu.memory_space<vmem>>[vector<16xi32>], vector<16xf32>,
        %add3A_345 = arith.constant 40 : i32
        %add3A_346 = vector.broadcast %add3A_345 : i32 to vector<16xi32>
        %add3A_347 = arith.addi %mul3A_57, %add3A_346 : vector<16xi32>
        %gather3A_348 = tpu.vector_load_idx %arg5[%add3A_347] : memref<32768xf32, #tpu.memory_space<vmem>>[vector<16xi32>], vector<16xf32>,
        %add3A_349 = arith.constant 40 : i32
        %add3A_350 = vector.broadcast %add3A_349 : i32 to vector<16xi32>
        %add3A_351 = arith.addi %mul3A_64, %add3A_350 : vector<16xi32>
        tpu.vector_store_idx %arg7[%add3A_351], %gather3A_348 : memref<14336xf32, #tpu.memory_space<vmem>>[vector<16xi32>], vector<16xf32>,
        %add3A_352 = arith.constant 41 : i32
        %add3A_353 = vector.broadcast %add3A_352 : i32 to vector<16xi32>
        %add3A_354 = arith.addi %mul3A_57, %add3A_353 : vector<16xi32>
        %gather3A_355 = tpu.vector_load_idx %arg5[%add3A_354] : memref<32768xf32, #tpu.memory_space<vmem>>[vector<16xi32>], vector<16xf32>,
        %add3A_356 = arith.constant 41 : i32
        %add3A_357 = vector.broadcast %add3A_356 : i32 to vector<16xi32>
        %add3A_358 = arith.addi %mul3A_64, %add3A_357 : vector<16xi32>
        tpu.vector_store_idx %arg7[%add3A_358], %gather3A_355 : memref<14336xf32, #tpu.memory_space<vmem>>[vector<16xi32>], vector<16xf32>,
        %add3A_359 = arith.constant 42 : i32
        %add3A_360 = vector.broadcast %add3A_359 : i32 to vector<16xi32>
        %add3A_361 = arith.addi %mul3A_57, %add3A_360 : vector<16xi32>
        %gather3A_362 = tpu.vector_load_idx %arg5[%add3A_361] : memref<32768xf32, #tpu.memory_space<vmem>>[vector<16xi32>], vector<16xf32>,
        %add3A_363 = arith.constant 42 : i32
        %add3A_364 = vector.broadcast %add3A_363 : i32 to vector<16xi32>
        %add3A_365 = arith.addi %mul3A_64, %add3A_364 : vector<16xi32>
        tpu.vector_store_idx %arg7[%add3A_365], %gather3A_362 : memref<14336xf32, #tpu.memory_space<vmem>>[vector<16xi32>], vector<16xf32>,
        %add3A_366 = arith.constant 43 : i32
        %add3A_367 = vector.broadcast %add3A_366 : i32 to vector<16xi32>
        %add3A_368 = arith.addi %mul3A_57, %add3A_367 : vector<16xi32>
        %gather3A_369 = tpu.vector_load_idx %arg5[%add3A_368] : memref<32768xf32, #tpu.memory_space<vmem>>[vector<16xi32>], vector<16xf32>,
        %add3A_370 = arith.constant 43 : i32
        %add3A_371 = vector.broadcast %add3A_370 : i32 to vector<16xi32>
        %add3A_372 = arith.addi %mul3A_64, %add3A_371 : vector<16xi32>
        tpu.vector_store_idx %arg7[%add3A_372], %gather3A_369 : memref<14336xf32, #tpu.memory_space<vmem>>[vector<16xi32>], vector<16xf32>,
        %add3A_373 = arith.constant 44 : i32
        %add3A_374 = vector.broadcast %add3A_373 : i32 to vector<16xi32>
        %add3A_375 = arith.addi %mul3A_57, %add3A_374 : vector<16xi32>
        %gather3A_376 = tpu.vector_load_idx %arg5[%add3A_375] : memref<32768xf32, #tpu.memory_space<vmem>>[vector<16xi32>], vector<16xf32>,
        %add3A_377 = arith.constant 44 : i32
        %add3A_378 = vector.broadcast %add3A_377 : i32 to vector<16xi32>
        %add3A_379 = arith.addi %mul3A_64, %add3A_378 : vector<16xi32>
        tpu.vector_store_idx %arg7[%add3A_379], %gather3A_376 : memref<14336xf32, #tpu.memory_space<vmem>>[vector<16xi32>], vector<16xf32>,
        %add3A_380 = arith.constant 45 : i32
        %add3A_381 = vector.broadcast %add3A_380 : i32 to vector<16xi32>
        %add3A_382 = arith.addi %mul3A_57, %add3A_381 : vector<16xi32>
        %gather3A_383 = tpu.vector_load_idx %arg5[%add3A_382] : memref<32768xf32, #tpu.memory_space<vmem>>[vector<16xi32>], vector<16xf32>,
        %add3A_384 = arith.constant 45 : i32
        %add3A_385 = vector.broadcast %add3A_384 : i32 to vector<16xi32>
        %add3A_386 = arith.addi %mul3A_64, %add3A_385 : vector<16xi32>
        tpu.vector_store_idx %arg7[%add3A_386], %gather3A_383 : memref<14336xf32, #tpu.memory_space<vmem>>[vector<16xi32>], vector<16xf32>,
        %add3A_387 = arith.constant 46 : i32
        %add3A_388 = vector.broadcast %add3A_387 : i32 to vector<16xi32>
        %add3A_389 = arith.addi %mul3A_57, %add3A_388 : vector<16xi32>
        %gather3A_390 = tpu.vector_load_idx %arg5[%add3A_389] : memref<32768xf32, #tpu.memory_space<vmem>>[vector<16xi32>], vector<16xf32>,
        %add3A_391 = arith.constant 46 : i32
        %add3A_392 = vector.broadcast %add3A_391 : i32 to vector<16xi32>
        %add3A_393 = arith.addi %mul3A_64, %add3A_392 : vector<16xi32>
        tpu.vector_store_idx %arg7[%add3A_393], %gather3A_390 : memref<14336xf32, #tpu.memory_space<vmem>>[vector<16xi32>], vector<16xf32>,
        %add3A_394 = arith.constant 47 : i32
        %add3A_395 = vector.broadcast %add3A_394 : i32 to vector<16xi32>
        %add3A_396 = arith.addi %mul3A_57, %add3A_395 : vector<16xi32>
        %gather3A_397 = tpu.vector_load_idx %arg5[%add3A_396] : memref<32768xf32, #tpu.memory_space<vmem>>[vector<16xi32>], vector<16xf32>,
        %add3A_398 = arith.constant 47 : i32
        %add3A_399 = vector.broadcast %add3A_398 : i32 to vector<16xi32>
        %add3A_400 = arith.addi %mul3A_64, %add3A_399 : vector<16xi32>
        tpu.vector_store_idx %arg7[%add3A_400], %gather3A_397 : memref<14336xf32, #tpu.memory_space<vmem>>[vector<16xi32>], vector<16xf32>,
        %add3A_401 = arith.constant 48 : i32
        %add3A_402 = vector.broadcast %add3A_401 : i32 to vector<16xi32>
        %add3A_403 = arith.addi %mul3A_57, %add3A_402 : vector<16xi32>
        %gather3A_404 = tpu.vector_load_idx %arg5[%add3A_403] : memref<32768xf32, #tpu.memory_space<vmem>>[vector<16xi32>], vector<16xf32>,
        %add3A_405 = arith.constant 48 : i32
        %add3A_406 = vector.broadcast %add3A_405 : i32 to vector<16xi32>
        %add3A_407 = arith.addi %mul3A_64, %add3A_406 : vector<16xi32>
        tpu.vector_store_idx %arg7[%add3A_407], %gather3A_404 : memref<14336xf32, #tpu.memory_space<vmem>>[vector<16xi32>], vector<16xf32>,
        %add3A_408 = arith.constant 49 : i32
        %add3A_409 = vector.broadcast %add3A_408 : i32 to vector<16xi32>
        %add3A_410 = arith.addi %mul3A_57, %add3A_409 : vector<16xi32>
        %gather3A_411 = tpu.vector_load_idx %arg5[%add3A_410] : memref<32768xf32, #tpu.memory_space<vmem>>[vector<16xi32>], vector<16xf32>,
        %add3A_412 = arith.constant 49 : i32
        %add3A_413 = vector.broadcast %add3A_412 : i32 to vector<16xi32>
        %add3A_414 = arith.addi %mul3A_64, %add3A_413 : vector<16xi32>
        tpu.vector_store_idx %arg7[%add3A_414], %gather3A_411 : memref<14336xf32, #tpu.memory_space<vmem>>[vector<16xi32>], vector<16xf32>,
        %add3A_415 = arith.constant 50 : i32
        %add3A_416 = vector.broadcast %add3A_415 : i32 to vector<16xi32>
        %add3A_417 = arith.addi %mul3A_57, %add3A_416 : vector<16xi32>
        %gather3A_418 = tpu.vector_load_idx %arg5[%add3A_417] : memref<32768xf32, #tpu.memory_space<vmem>>[vector<16xi32>], vector<16xf32>,
        %add3A_419 = arith.constant 50 : i32
        %add3A_420 = vector.broadcast %add3A_419 : i32 to vector<16xi32>
        %add3A_421 = arith.addi %mul3A_64, %add3A_420 : vector<16xi32>
        tpu.vector_store_idx %arg7[%add3A_421], %gather3A_418 : memref<14336xf32, #tpu.memory_space<vmem>>[vector<16xi32>], vector<16xf32>,
        %add3A_422 = arith.constant 51 : i32
        %add3A_423 = vector.broadcast %add3A_422 : i32 to vector<16xi32>
        %add3A_424 = arith.addi %mul3A_57, %add3A_423 : vector<16xi32>
        %gather3A_425 = tpu.vector_load_idx %arg5[%add3A_424] : memref<32768xf32, #tpu.memory_space<vmem>>[vector<16xi32>], vector<16xf32>,
        %add3A_426 = arith.constant 51 : i32
        %add3A_427 = vector.broadcast %add3A_426 : i32 to vector<16xi32>
        %add3A_428 = arith.addi %mul3A_64, %add3A_427 : vector<16xi32>
        tpu.vector_store_idx %arg7[%add3A_428], %gather3A_425 : memref<14336xf32, #tpu.memory_space<vmem>>[vector<16xi32>], vector<16xf32>,
        %add3A_429 = arith.constant 52 : i32
        %add3A_430 = vector.broadcast %add3A_429 : i32 to vector<16xi32>
        %add3A_431 = arith.addi %mul3A_57, %add3A_430 : vector<16xi32>
        %gather3A_432 = tpu.vector_load_idx %arg5[%add3A_431] : memref<32768xf32, #tpu.memory_space<vmem>>[vector<16xi32>], vector<16xf32>,
        %add3A_433 = arith.constant 52 : i32
        %add3A_434 = vector.broadcast %add3A_433 : i32 to vector<16xi32>
        %add3A_435 = arith.addi %mul3A_64, %add3A_434 : vector<16xi32>
        tpu.vector_store_idx %arg7[%add3A_435], %gather3A_432 : memref<14336xf32, #tpu.memory_space<vmem>>[vector<16xi32>], vector<16xf32>,
        %add3A_436 = arith.constant 53 : i32
        %add3A_437 = vector.broadcast %add3A_436 : i32 to vector<16xi32>
        %add3A_438 = arith.addi %mul3A_57, %add3A_437 : vector<16xi32>
        %gather3A_439 = tpu.vector_load_idx %arg5[%add3A_438] : memref<32768xf32, #tpu.memory_space<vmem>>[vector<16xi32>], vector<16xf32>,
        %add3A_440 = arith.constant 53 : i32
        %add3A_441 = vector.broadcast %add3A_440 : i32 to vector<16xi32>
        %add3A_442 = arith.addi %mul3A_64, %add3A_441 : vector<16xi32>
        tpu.vector_store_idx %arg7[%add3A_442], %gather3A_439 : memref<14336xf32, #tpu.memory_space<vmem>>[vector<16xi32>], vector<16xf32>,
        %add3A_443 = arith.constant 54 : i32
        %add3A_444 = vector.broadcast %add3A_443 : i32 to vector<16xi32>
        %add3A_445 = arith.addi %mul3A_57, %add3A_444 : vector<16xi32>
        %gather3A_446 = tpu.vector_load_idx %arg5[%add3A_445] : memref<32768xf32, #tpu.memory_space<vmem>>[vector<16xi32>], vector<16xf32>,
        %add3A_447 = arith.constant 54 : i32
        %add3A_448 = vector.broadcast %add3A_447 : i32 to vector<16xi32>
        %add3A_449 = arith.addi %mul3A_64, %add3A_448 : vector<16xi32>
        tpu.vector_store_idx %arg7[%add3A_449], %gather3A_446 : memref<14336xf32, #tpu.memory_space<vmem>>[vector<16xi32>], vector<16xf32>,
        %add3A_450 = arith.constant 55 : i32
        %add3A_451 = vector.broadcast %add3A_450 : i32 to vector<16xi32>
        %add3A_452 = arith.addi %mul3A_57, %add3A_451 : vector<16xi32>
        %gather3A_453 = tpu.vector_load_idx %arg5[%add3A_452] : memref<32768xf32, #tpu.memory_space<vmem>>[vector<16xi32>], vector<16xf32>,
        %add3A_454 = arith.constant 55 : i32
        %add3A_455 = vector.broadcast %add3A_454 : i32 to vector<16xi32>
        %add3A_456 = arith.addi %mul3A_64, %add3A_455 : vector<16xi32>
        tpu.vector_store_idx %arg7[%add3A_456], %gather3A_453 : memref<14336xf32, #tpu.memory_space<vmem>>[vector<16xi32>], vector<16xf32>,
        %add3A_457 = arith.constant 56 : i32
        %add3A_458 = vector.broadcast %add3A_457 : i32 to vector<16xi32>
        %add3A_459 = arith.addi %mul3A_57, %add3A_458 : vector<16xi32>
        %gather3A_460 = tpu.vector_load_idx %arg5[%add3A_459] : memref<32768xf32, #tpu.memory_space<vmem>>[vector<16xi32>], vector<16xf32>,
        %add3A_461 = arith.constant 56 : i32
        %add3A_462 = vector.broadcast %add3A_461 : i32 to vector<16xi32>
        %add3A_463 = arith.addi %mul3A_64, %add3A_462 : vector<16xi32>
        tpu.vector_store_idx %arg7[%add3A_463], %gather3A_460 : memref<14336xf32, #tpu.memory_space<vmem>>[vector<16xi32>], vector<16xf32>,
        %add3A_464 = arith.constant 57 : i32
        %add3A_465 = vector.broadcast %add3A_464 : i32 to vector<16xi32>
        %add3A_466 = arith.addi %mul3A_57, %add3A_465 : vector<16xi32>
        %gather3A_467 = tpu.vector_load_idx %arg5[%add3A_466] : memref<32768xf32, #tpu.memory_space<vmem>>[vector<16xi32>], vector<16xf32>,
        %add3A_468 = arith.constant 57 : i32
        %add3A_469 = vector.broadcast %add3A_468 : i32 to vector<16xi32>
        %add3A_470 = arith.addi %mul3A_64, %add3A_469 : vector<16xi32>
        tpu.vector_store_idx %arg7[%add3A_470], %gather3A_467 : memref<14336xf32, #tpu.memory_space<vmem>>[vector<16xi32>], vector<16xf32>,
        %add3A_471 = arith.constant 58 : i32
        %add3A_472 = vector.broadcast %add3A_471 : i32 to vector<16xi32>
        %add3A_473 = arith.addi %mul3A_57, %add3A_472 : vector<16xi32>
        %gather3A_474 = tpu.vector_load_idx %arg5[%add3A_473] : memref<32768xf32, #tpu.memory_space<vmem>>[vector<16xi32>], vector<16xf32>,
        %add3A_475 = arith.constant 58 : i32
        %add3A_476 = vector.broadcast %add3A_475 : i32 to vector<16xi32>
        %add3A_477 = arith.addi %mul3A_64, %add3A_476 : vector<16xi32>
        tpu.vector_store_idx %arg7[%add3A_477], %gather3A_474 : memref<14336xf32, #tpu.memory_space<vmem>>[vector<16xi32>], vector<16xf32>,
        %add3A_478 = arith.constant 59 : i32
        %add3A_479 = vector.broadcast %add3A_478 : i32 to vector<16xi32>
        %add3A_480 = arith.addi %mul3A_57, %add3A_479 : vector<16xi32>
        %gather3A_481 = tpu.vector_load_idx %arg5[%add3A_480] : memref<32768xf32, #tpu.memory_space<vmem>>[vector<16xi32>], vector<16xf32>,
        %add3A_482 = arith.constant 59 : i32
        %add3A_483 = vector.broadcast %add3A_482 : i32 to vector<16xi32>
        %add3A_484 = arith.addi %mul3A_64, %add3A_483 : vector<16xi32>
        tpu.vector_store_idx %arg7[%add3A_484], %gather3A_481 : memref<14336xf32, #tpu.memory_space<vmem>>[vector<16xi32>], vector<16xf32>,
        %add3A_485 = arith.constant 60 : i32
        %add3A_486 = vector.broadcast %add3A_485 : i32 to vector<16xi32>
        %add3A_487 = arith.addi %mul3A_57, %add3A_486 : vector<16xi32>
        %gather3A_488 = tpu.vector_load_idx %arg5[%add3A_487] : memref<32768xf32, #tpu.memory_space<vmem>>[vector<16xi32>], vector<16xf32>,
        %add3A_489 = arith.constant 60 : i32
        %add3A_490 = vector.broadcast %add3A_489 : i32 to vector<16xi32>
        %add3A_491 = arith.addi %mul3A_64, %add3A_490 : vector<16xi32>
        tpu.vector_store_idx %arg7[%add3A_491], %gather3A_488 : memref<14336xf32, #tpu.memory_space<vmem>>[vector<16xi32>], vector<16xf32>,
        %add3A_492 = arith.constant 61 : i32
        %add3A_493 = vector.broadcast %add3A_492 : i32 to vector<16xi32>
        %add3A_494 = arith.addi %mul3A_57, %add3A_493 : vector<16xi32>
        %gather3A_495 = tpu.vector_load_idx %arg5[%add3A_494] : memref<32768xf32, #tpu.memory_space<vmem>>[vector<16xi32>], vector<16xf32>,
        %add3A_496 = arith.constant 61 : i32
        %add3A_497 = vector.broadcast %add3A_496 : i32 to vector<16xi32>
        %add3A_498 = arith.addi %mul3A_64, %add3A_497 : vector<16xi32>
        tpu.vector_store_idx %arg7[%add3A_498], %gather3A_495 : memref<14336xf32, #tpu.memory_space<vmem>>[vector<16xi32>], vector<16xf32>,
        %add3A_499 = arith.constant 62 : i32
        %add3A_500 = vector.broadcast %add3A_499 : i32 to vector<16xi32>
        %add3A_501 = arith.addi %mul3A_57, %add3A_500 : vector<16xi32>
        %gather3A_502 = tpu.vector_load_idx %arg5[%add3A_501] : memref<32768xf32, #tpu.memory_space<vmem>>[vector<16xi32>], vector<16xf32>,
        %add3A_503 = arith.constant 62 : i32
        %add3A_504 = vector.broadcast %add3A_503 : i32 to vector<16xi32>
        %add3A_505 = arith.addi %mul3A_64, %add3A_504 : vector<16xi32>
        tpu.vector_store_idx %arg7[%add3A_505], %gather3A_502 : memref<14336xf32, #tpu.memory_space<vmem>>[vector<16xi32>], vector<16xf32>,
        %add3A_506 = arith.constant 63 : i32
        %add3A_507 = vector.broadcast %add3A_506 : i32 to vector<16xi32>
        %add3A_508 = arith.addi %mul3A_57, %add3A_507 : vector<16xi32>
        %gather3A_509 = tpu.vector_load_idx %arg5[%add3A_508] : memref<32768xf32, #tpu.memory_space<vmem>>[vector<16xi32>], vector<16xf32>,
        %add3A_510 = arith.constant 63 : i32
        %add3A_511 = vector.broadcast %add3A_510 : i32 to vector<16xi32>
        %add3A_512 = arith.addi %mul3A_64, %add3A_511 : vector<16xi32>
        tpu.vector_store_idx %arg7[%add3A_512], %gather3A_509 : memref<14336xf32, #tpu.memory_space<vmem>>[vector<16xi32>], vector<16xf32>,
        %scan3A_513 = arith.constant 0 : i32
        scf.yield %scan3A_513 : i32
      }
      %scan3A_21 = arith.constant 7 : i32
      %mul3A_22 = arith.constant 112 : i32
      %mul3A_23 = arith.muli %add3A_14, %mul3A_22 : i32
      %add3A_24 = arith.addi %mul3A_2, %mul3A_23 : i32
      %mul3A_25 = arith.constant 128 : i32
      %mul3A_26 = arith.muli %add3A_24, %mul3A_25 : i32
      %multiple_of3A_27 = tpu.assume_multiple %mul3A_26, 8 : i32
      "tpu.region"() ({
        %run_scoped3A = tpu.sem_alloc : memref<!tpu.dma_semaphore, #tpu.memory_space<semaphore_mem>>
        %dma_start3A = tpu.memref_slice %arg4[%multiple_of3A_27] : memref<12845056xf32, #tpu.memory_space<hbm>> -> memref<14336xf32, #tpu.memory_space<hbm>>
        %dma_start3A_46 = tpu.memref_slice %arg4[%multiple_of3A_27] : memref<12845056xf32, #tpu.memory_space<hbm>> -> memref<14336xf32, #tpu.memory_space<hbm>>
        tpu.enqueue_dma source(%arg7 : memref<14336xf32, #tpu.memory_space<vmem>>) target(%dma_start3A_46 : memref<14336xf32, #tpu.memory_space<hbm>>) target_semaphore(%run_scoped3A : memref<!tpu.dma_semaphore, #tpu.memory_space<semaphore_mem>>)
        %dma_wait3A = tpu.memref_slice %arg4[%multiple_of3A_27] : memref<12845056xf32, #tpu.memory_space<hbm>> -> memref<14336xf32, #tpu.memory_space<hbm>>
        %dma_wait3A_47 = tpu.memref_slice %arg4[%multiple_of3A_27] : memref<12845056xf32, #tpu.memory_space<hbm>> -> memref<14336xf32, #tpu.memory_space<hbm>>
        tpu.wait_dma2 semaphore(%run_scoped3A : memref<!tpu.dma_semaphore, #tpu.memory_space<semaphore_mem>>) src(%arg7 : memref<14336xf32, #tpu.memory_space<vmem>>) dst(%dma_wait3A_47 : memref<14336xf32, #tpu.memory_space<hbm>>)
        tpu.yield
      }) : () -> ()
      %mul3A_28 = arith.constant 2 : i32
      %mul3A_29 = arith.muli %scan3A_9, %mul3A_28 : i32
      %add3A_30 = arith.constant 1 : i32
      %add3A_31 = arith.addi %mul3A_29, %add3A_30 : i32
      %scan3A_32 = arith.constant 0 : i32
      %scan3A_33 = arith.constant 0 : i32
      %scan3A_34 = arith.constant 7 : i32
      %scan3A_35 = arith.addi %scan3A_33, %scan3A_34 : i32
      %scan3A_36 = arith.constant 1 : i32
      %scan3A_37 = scf.for %scan3A_46 = %scan3A_33 to %scan3A_35 step %scan3A_36 iter_args(%scan3A_47 = %scan3A_32) -> (i32)  : i32 {
        %mul3A_48 = arith.constant 112 : i32
        %mul3A_49 = arith.muli %add3A_31, %mul3A_48 : i32
        %mul3A_50 = arith.constant 16 : i32
        %mul3A_51 = arith.muli %scan3A_46, %mul3A_50 : i32
        %add3A_52 = arith.addi %mul3A_49, %mul3A_51 : i32
        %add3A_53 = vector.broadcast %add3A_52 : i32 to vector<16xi32>
        %add3A_54 = arith.addi %add3A_53, %iota3A : vector<16xi32>
        %gather3A = tpu.vector_load_idx %arg6[%add3A_54] : memref<3136xi32, #tpu.memory_space<vmem>>[vector<16xi32>], vector<16xi32>,
        %mul3A_55 = arith.constant 64 : i32
        %mul3A_56 = vector.broadcast %mul3A_55 : i32 to vector<16xi32>
        %mul3A_57 = arith.muli %gather3A, %mul3A_56 : vector<16xi32>
        %mul3A_58 = arith.constant 16 : i32
        %mul3A_59 = arith.muli %scan3A_46, %mul3A_58 : i32
        %add3A_60 = vector.broadcast %mul3A_59 : i32 to vector<16xi32>
        %add3A_61 = arith.addi %add3A_60, %iota3A : vector<16xi32>
        %mul3A_62 = arith.constant 128 : i32
        %mul3A_63 = vector.broadcast %mul3A_62 : i32 to vector<16xi32>
        %mul3A_64 = arith.muli %add3A_61, %mul3A_63 : vector<16xi32>
        %add3A_65 = arith.constant 0 : i32
        %add3A_66 = vector.broadcast %add3A_65 : i32 to vector<16xi32>
        %add3A_67 = arith.addi %mul3A_57, %add3A_66 : vector<16xi32>
        %gather3A_68 = tpu.vector_load_idx %arg5[%add3A_67] : memref<32768xf32, #tpu.memory_space<vmem>>[vector<16xi32>], vector<16xf32>,
        %add3A_69 = arith.constant 0 : i32
        %add3A_70 = vector.broadcast %add3A_69 : i32 to vector<16xi32>
        %add3A_71 = arith.addi %mul3A_64, %add3A_70 : vector<16xi32>
        tpu.vector_store_idx %arg8[%add3A_71], %gather3A_68 : memref<14336xf32, #tpu.memory_space<vmem>>[vector<16xi32>], vector<16xf32>,
        %add3A_72 = arith.constant 1 : i32
        %add3A_73 = vector.broadcast %add3A_72 : i32 to vector<16xi32>
        %add3A_74 = arith.addi %mul3A_57, %add3A_73 : vector<16xi32>
        %gather3A_75 = tpu.vector_load_idx %arg5[%add3A_74] : memref<32768xf32, #tpu.memory_space<vmem>>[vector<16xi32>], vector<16xf32>,
        %add3A_76 = arith.constant 1 : i32
        %add3A_77 = vector.broadcast %add3A_76 : i32 to vector<16xi32>
        %add3A_78 = arith.addi %mul3A_64, %add3A_77 : vector<16xi32>
        tpu.vector_store_idx %arg8[%add3A_78], %gather3A_75 : memref<14336xf32, #tpu.memory_space<vmem>>[vector<16xi32>], vector<16xf32>,
        %add3A_79 = arith.constant 2 : i32
        %add3A_80 = vector.broadcast %add3A_79 : i32 to vector<16xi32>
        %add3A_81 = arith.addi %mul3A_57, %add3A_80 : vector<16xi32>
        %gather3A_82 = tpu.vector_load_idx %arg5[%add3A_81] : memref<32768xf32, #tpu.memory_space<vmem>>[vector<16xi32>], vector<16xf32>,
        %add3A_83 = arith.constant 2 : i32
        %add3A_84 = vector.broadcast %add3A_83 : i32 to vector<16xi32>
        %add3A_85 = arith.addi %mul3A_64, %add3A_84 : vector<16xi32>
        tpu.vector_store_idx %arg8[%add3A_85], %gather3A_82 : memref<14336xf32, #tpu.memory_space<vmem>>[vector<16xi32>], vector<16xf32>,
        %add3A_86 = arith.constant 3 : i32
        %add3A_87 = vector.broadcast %add3A_86 : i32 to vector<16xi32>
        %add3A_88 = arith.addi %mul3A_57, %add3A_87 : vector<16xi32>
        %gather3A_89 = tpu.vector_load_idx %arg5[%add3A_88] : memref<32768xf32, #tpu.memory_space<vmem>>[vector<16xi32>], vector<16xf32>,
        %add3A_90 = arith.constant 3 : i32
        %add3A_91 = vector.broadcast %add3A_90 : i32 to vector<16xi32>
        %add3A_92 = arith.addi %mul3A_64, %add3A_91 : vector<16xi32>
        tpu.vector_store_idx %arg8[%add3A_92], %gather3A_89 : memref<14336xf32, #tpu.memory_space<vmem>>[vector<16xi32>], vector<16xf32>,
        %add3A_93 = arith.constant 4 : i32
        %add3A_94 = vector.broadcast %add3A_93 : i32 to vector<16xi32>
        %add3A_95 = arith.addi %mul3A_57, %add3A_94 : vector<16xi32>
        %gather3A_96 = tpu.vector_load_idx %arg5[%add3A_95] : memref<32768xf32, #tpu.memory_space<vmem>>[vector<16xi32>], vector<16xf32>,
        %add3A_97 = arith.constant 4 : i32
        %add3A_98 = vector.broadcast %add3A_97 : i32 to vector<16xi32>
        %add3A_99 = arith.addi %mul3A_64, %add3A_98 : vector<16xi32>
        tpu.vector_store_idx %arg8[%add3A_99], %gather3A_96 : memref<14336xf32, #tpu.memory_space<vmem>>[vector<16xi32>], vector<16xf32>,
        %add3A_100 = arith.constant 5 : i32
        %add3A_101 = vector.broadcast %add3A_100 : i32 to vector<16xi32>
        %add3A_102 = arith.addi %mul3A_57, %add3A_101 : vector<16xi32>
        %gather3A_103 = tpu.vector_load_idx %arg5[%add3A_102] : memref<32768xf32, #tpu.memory_space<vmem>>[vector<16xi32>], vector<16xf32>,
        %add3A_104 = arith.constant 5 : i32
        %add3A_105 = vector.broadcast %add3A_104 : i32 to vector<16xi32>
        %add3A_106 = arith.addi %mul3A_64, %add3A_105 : vector<16xi32>
        tpu.vector_store_idx %arg8[%add3A_106], %gather3A_103 : memref<14336xf32, #tpu.memory_space<vmem>>[vector<16xi32>], vector<16xf32>,
        %add3A_107 = arith.constant 6 : i32
        %add3A_108 = vector.broadcast %add3A_107 : i32 to vector<16xi32>
        %add3A_109 = arith.addi %mul3A_57, %add3A_108 : vector<16xi32>
        %gather3A_110 = tpu.vector_load_idx %arg5[%add3A_109] : memref<32768xf32, #tpu.memory_space<vmem>>[vector<16xi32>], vector<16xf32>,
        %add3A_111 = arith.constant 6 : i32
        %add3A_112 = vector.broadcast %add3A_111 : i32 to vector<16xi32>
        %add3A_113 = arith.addi %mul3A_64, %add3A_112 : vector<16xi32>
        tpu.vector_store_idx %arg8[%add3A_113], %gather3A_110 : memref<14336xf32, #tpu.memory_space<vmem>>[vector<16xi32>], vector<16xf32>,
        %add3A_114 = arith.constant 7 : i32
        %add3A_115 = vector.broadcast %add3A_114 : i32 to vector<16xi32>
        %add3A_116 = arith.addi %mul3A_57, %add3A_115 : vector<16xi32>
        %gather3A_117 = tpu.vector_load_idx %arg5[%add3A_116] : memref<32768xf32, #tpu.memory_space<vmem>>[vector<16xi32>], vector<16xf32>,
        %add3A_118 = arith.constant 7 : i32
        %add3A_119 = vector.broadcast %add3A_118 : i32 to vector<16xi32>
        %add3A_120 = arith.addi %mul3A_64, %add3A_119 : vector<16xi32>
        tpu.vector_store_idx %arg8[%add3A_120], %gather3A_117 : memref<14336xf32, #tpu.memory_space<vmem>>[vector<16xi32>], vector<16xf32>,
        %add3A_121 = arith.constant 8 : i32
        %add3A_122 = vector.broadcast %add3A_121 : i32 to vector<16xi32>
        %add3A_123 = arith.addi %mul3A_57, %add3A_122 : vector<16xi32>
        %gather3A_124 = tpu.vector_load_idx %arg5[%add3A_123] : memref<32768xf32, #tpu.memory_space<vmem>>[vector<16xi32>], vector<16xf32>,
        %add3A_125 = arith.constant 8 : i32
        %add3A_126 = vector.broadcast %add3A_125 : i32 to vector<16xi32>
        %add3A_127 = arith.addi %mul3A_64, %add3A_126 : vector<16xi32>
        tpu.vector_store_idx %arg8[%add3A_127], %gather3A_124 : memref<14336xf32, #tpu.memory_space<vmem>>[vector<16xi32>], vector<16xf32>,
        %add3A_128 = arith.constant 9 : i32
        %add3A_129 = vector.broadcast %add3A_128 : i32 to vector<16xi32>
        %add3A_130 = arith.addi %mul3A_57, %add3A_129 : vector<16xi32>
        %gather3A_131 = tpu.vector_load_idx %arg5[%add3A_130] : memref<32768xf32, #tpu.memory_space<vmem>>[vector<16xi32>], vector<16xf32>,
        %add3A_132 = arith.constant 9 : i32
        %add3A_133 = vector.broadcast %add3A_132 : i32 to vector<16xi32>
        %add3A_134 = arith.addi %mul3A_64, %add3A_133 : vector<16xi32>
        tpu.vector_store_idx %arg8[%add3A_134], %gather3A_131 : memref<14336xf32, #tpu.memory_space<vmem>>[vector<16xi32>], vector<16xf32>,
        %add3A_135 = arith.constant 10 : i32
        %add3A_136 = vector.broadcast %add3A_135 : i32 to vector<16xi32>
        %add3A_137 = arith.addi %mul3A_57, %add3A_136 : vector<16xi32>
        %gather3A_138 = tpu.vector_load_idx %arg5[%add3A_137] : memref<32768xf32, #tpu.memory_space<vmem>>[vector<16xi32>], vector<16xf32>,
        %add3A_139 = arith.constant 10 : i32
        %add3A_140 = vector.broadcast %add3A_139 : i32 to vector<16xi32>
        %add3A_141 = arith.addi %mul3A_64, %add3A_140 : vector<16xi32>
        tpu.vector_store_idx %arg8[%add3A_141], %gather3A_138 : memref<14336xf32, #tpu.memory_space<vmem>>[vector<16xi32>], vector<16xf32>,
        %add3A_142 = arith.constant 11 : i32
        %add3A_143 = vector.broadcast %add3A_142 : i32 to vector<16xi32>
        %add3A_144 = arith.addi %mul3A_57, %add3A_143 : vector<16xi32>
        %gather3A_145 = tpu.vector_load_idx %arg5[%add3A_144] : memref<32768xf32, #tpu.memory_space<vmem>>[vector<16xi32>], vector<16xf32>,
        %add3A_146 = arith.constant 11 : i32
        %add3A_147 = vector.broadcast %add3A_146 : i32 to vector<16xi32>
        %add3A_148 = arith.addi %mul3A_64, %add3A_147 : vector<16xi32>
        tpu.vector_store_idx %arg8[%add3A_148], %gather3A_145 : memref<14336xf32, #tpu.memory_space<vmem>>[vector<16xi32>], vector<16xf32>,
        %add3A_149 = arith.constant 12 : i32
        %add3A_150 = vector.broadcast %add3A_149 : i32 to vector<16xi32>
        %add3A_151 = arith.addi %mul3A_57, %add3A_150 : vector<16xi32>
        %gather3A_152 = tpu.vector_load_idx %arg5[%add3A_151] : memref<32768xf32, #tpu.memory_space<vmem>>[vector<16xi32>], vector<16xf32>,
        %add3A_153 = arith.constant 12 : i32
        %add3A_154 = vector.broadcast %add3A_153 : i32 to vector<16xi32>
        %add3A_155 = arith.addi %mul3A_64, %add3A_154 : vector<16xi32>
        tpu.vector_store_idx %arg8[%add3A_155], %gather3A_152 : memref<14336xf32, #tpu.memory_space<vmem>>[vector<16xi32>], vector<16xf32>,
        %add3A_156 = arith.constant 13 : i32
        %add3A_157 = vector.broadcast %add3A_156 : i32 to vector<16xi32>
        %add3A_158 = arith.addi %mul3A_57, %add3A_157 : vector<16xi32>
        %gather3A_159 = tpu.vector_load_idx %arg5[%add3A_158] : memref<32768xf32, #tpu.memory_space<vmem>>[vector<16xi32>], vector<16xf32>,
        %add3A_160 = arith.constant 13 : i32
        %add3A_161 = vector.broadcast %add3A_160 : i32 to vector<16xi32>
        %add3A_162 = arith.addi %mul3A_64, %add3A_161 : vector<16xi32>
        tpu.vector_store_idx %arg8[%add3A_162], %gather3A_159 : memref<14336xf32, #tpu.memory_space<vmem>>[vector<16xi32>], vector<16xf32>,
        %add3A_163 = arith.constant 14 : i32
        %add3A_164 = vector.broadcast %add3A_163 : i32 to vector<16xi32>
        %add3A_165 = arith.addi %mul3A_57, %add3A_164 : vector<16xi32>
        %gather3A_166 = tpu.vector_load_idx %arg5[%add3A_165] : memref<32768xf32, #tpu.memory_space<vmem>>[vector<16xi32>], vector<16xf32>,
        %add3A_167 = arith.constant 14 : i32
        %add3A_168 = vector.broadcast %add3A_167 : i32 to vector<16xi32>
        %add3A_169 = arith.addi %mul3A_64, %add3A_168 : vector<16xi32>
        tpu.vector_store_idx %arg8[%add3A_169], %gather3A_166 : memref<14336xf32, #tpu.memory_space<vmem>>[vector<16xi32>], vector<16xf32>,
        %add3A_170 = arith.constant 15 : i32
        %add3A_171 = vector.broadcast %add3A_170 : i32 to vector<16xi32>
        %add3A_172 = arith.addi %mul3A_57, %add3A_171 : vector<16xi32>
        %gather3A_173 = tpu.vector_load_idx %arg5[%add3A_172] : memref<32768xf32, #tpu.memory_space<vmem>>[vector<16xi32>], vector<16xf32>,
        %add3A_174 = arith.constant 15 : i32
        %add3A_175 = vector.broadcast %add3A_174 : i32 to vector<16xi32>
        %add3A_176 = arith.addi %mul3A_64, %add3A_175 : vector<16xi32>
        tpu.vector_store_idx %arg8[%add3A_176], %gather3A_173 : memref<14336xf32, #tpu.memory_space<vmem>>[vector<16xi32>], vector<16xf32>,
        %add3A_177 = arith.constant 16 : i32
        %add3A_178 = vector.broadcast %add3A_177 : i32 to vector<16xi32>
        %add3A_179 = arith.addi %mul3A_57, %add3A_178 : vector<16xi32>
        %gather3A_180 = tpu.vector_load_idx %arg5[%add3A_179] : memref<32768xf32, #tpu.memory_space<vmem>>[vector<16xi32>], vector<16xf32>,
        %add3A_181 = arith.constant 16 : i32
        %add3A_182 = vector.broadcast %add3A_181 : i32 to vector<16xi32>
        %add3A_183 = arith.addi %mul3A_64, %add3A_182 : vector<16xi32>
        tpu.vector_store_idx %arg8[%add3A_183], %gather3A_180 : memref<14336xf32, #tpu.memory_space<vmem>>[vector<16xi32>], vector<16xf32>,
        %add3A_184 = arith.constant 17 : i32
        %add3A_185 = vector.broadcast %add3A_184 : i32 to vector<16xi32>
        %add3A_186 = arith.addi %mul3A_57, %add3A_185 : vector<16xi32>
        %gather3A_187 = tpu.vector_load_idx %arg5[%add3A_186] : memref<32768xf32, #tpu.memory_space<vmem>>[vector<16xi32>], vector<16xf32>,
        %add3A_188 = arith.constant 17 : i32
        %add3A_189 = vector.broadcast %add3A_188 : i32 to vector<16xi32>
        %add3A_190 = arith.addi %mul3A_64, %add3A_189 : vector<16xi32>
        tpu.vector_store_idx %arg8[%add3A_190], %gather3A_187 : memref<14336xf32, #tpu.memory_space<vmem>>[vector<16xi32>], vector<16xf32>,
        %add3A_191 = arith.constant 18 : i32
        %add3A_192 = vector.broadcast %add3A_191 : i32 to vector<16xi32>
        %add3A_193 = arith.addi %mul3A_57, %add3A_192 : vector<16xi32>
        %gather3A_194 = tpu.vector_load_idx %arg5[%add3A_193] : memref<32768xf32, #tpu.memory_space<vmem>>[vector<16xi32>], vector<16xf32>,
        %add3A_195 = arith.constant 18 : i32
        %add3A_196 = vector.broadcast %add3A_195 : i32 to vector<16xi32>
        %add3A_197 = arith.addi %mul3A_64, %add3A_196 : vector<16xi32>
        tpu.vector_store_idx %arg8[%add3A_197], %gather3A_194 : memref<14336xf32, #tpu.memory_space<vmem>>[vector<16xi32>], vector<16xf32>,
        %add3A_198 = arith.constant 19 : i32
        %add3A_199 = vector.broadcast %add3A_198 : i32 to vector<16xi32>
        %add3A_200 = arith.addi %mul3A_57, %add3A_199 : vector<16xi32>
        %gather3A_201 = tpu.vector_load_idx %arg5[%add3A_200] : memref<32768xf32, #tpu.memory_space<vmem>>[vector<16xi32>], vector<16xf32>,
        %add3A_202 = arith.constant 19 : i32
        %add3A_203 = vector.broadcast %add3A_202 : i32 to vector<16xi32>
        %add3A_204 = arith.addi %mul3A_64, %add3A_203 : vector<16xi32>
        tpu.vector_store_idx %arg8[%add3A_204], %gather3A_201 : memref<14336xf32, #tpu.memory_space<vmem>>[vector<16xi32>], vector<16xf32>,
        %add3A_205 = arith.constant 20 : i32
        %add3A_206 = vector.broadcast %add3A_205 : i32 to vector<16xi32>
        %add3A_207 = arith.addi %mul3A_57, %add3A_206 : vector<16xi32>
        %gather3A_208 = tpu.vector_load_idx %arg5[%add3A_207] : memref<32768xf32, #tpu.memory_space<vmem>>[vector<16xi32>], vector<16xf32>,
        %add3A_209 = arith.constant 20 : i32
        %add3A_210 = vector.broadcast %add3A_209 : i32 to vector<16xi32>
        %add3A_211 = arith.addi %mul3A_64, %add3A_210 : vector<16xi32>
        tpu.vector_store_idx %arg8[%add3A_211], %gather3A_208 : memref<14336xf32, #tpu.memory_space<vmem>>[vector<16xi32>], vector<16xf32>,
        %add3A_212 = arith.constant 21 : i32
        %add3A_213 = vector.broadcast %add3A_212 : i32 to vector<16xi32>
        %add3A_214 = arith.addi %mul3A_57, %add3A_213 : vector<16xi32>
        %gather3A_215 = tpu.vector_load_idx %arg5[%add3A_214] : memref<32768xf32, #tpu.memory_space<vmem>>[vector<16xi32>], vector<16xf32>,
        %add3A_216 = arith.constant 21 : i32
        %add3A_217 = vector.broadcast %add3A_216 : i32 to vector<16xi32>
        %add3A_218 = arith.addi %mul3A_64, %add3A_217 : vector<16xi32>
        tpu.vector_store_idx %arg8[%add3A_218], %gather3A_215 : memref<14336xf32, #tpu.memory_space<vmem>>[vector<16xi32>], vector<16xf32>,
        %add3A_219 = arith.constant 22 : i32
        %add3A_220 = vector.broadcast %add3A_219 : i32 to vector<16xi32>
        %add3A_221 = arith.addi %mul3A_57, %add3A_220 : vector<16xi32>
        %gather3A_222 = tpu.vector_load_idx %arg5[%add3A_221] : memref<32768xf32, #tpu.memory_space<vmem>>[vector<16xi32>], vector<16xf32>,
        %add3A_223 = arith.constant 22 : i32
        %add3A_224 = vector.broadcast %add3A_223 : i32 to vector<16xi32>
        %add3A_225 = arith.addi %mul3A_64, %add3A_224 : vector<16xi32>
        tpu.vector_store_idx %arg8[%add3A_225], %gather3A_222 : memref<14336xf32, #tpu.memory_space<vmem>>[vector<16xi32>], vector<16xf32>,
        %add3A_226 = arith.constant 23 : i32
        %add3A_227 = vector.broadcast %add3A_226 : i32 to vector<16xi32>
        %add3A_228 = arith.addi %mul3A_57, %add3A_227 : vector<16xi32>
        %gather3A_229 = tpu.vector_load_idx %arg5[%add3A_228] : memref<32768xf32, #tpu.memory_space<vmem>>[vector<16xi32>], vector<16xf32>,
        %add3A_230 = arith.constant 23 : i32
        %add3A_231 = vector.broadcast %add3A_230 : i32 to vector<16xi32>
        %add3A_232 = arith.addi %mul3A_64, %add3A_231 : vector<16xi32>
        tpu.vector_store_idx %arg8[%add3A_232], %gather3A_229 : memref<14336xf32, #tpu.memory_space<vmem>>[vector<16xi32>], vector<16xf32>,
        %add3A_233 = arith.constant 24 : i32
        %add3A_234 = vector.broadcast %add3A_233 : i32 to vector<16xi32>
        %add3A_235 = arith.addi %mul3A_57, %add3A_234 : vector<16xi32>
        %gather3A_236 = tpu.vector_load_idx %arg5[%add3A_235] : memref<32768xf32, #tpu.memory_space<vmem>>[vector<16xi32>], vector<16xf32>,
        %add3A_237 = arith.constant 24 : i32
        %add3A_238 = vector.broadcast %add3A_237 : i32 to vector<16xi32>
        %add3A_239 = arith.addi %mul3A_64, %add3A_238 : vector<16xi32>
        tpu.vector_store_idx %arg8[%add3A_239], %gather3A_236 : memref<14336xf32, #tpu.memory_space<vmem>>[vector<16xi32>], vector<16xf32>,
        %add3A_240 = arith.constant 25 : i32
        %add3A_241 = vector.broadcast %add3A_240 : i32 to vector<16xi32>
        %add3A_242 = arith.addi %mul3A_57, %add3A_241 : vector<16xi32>
        %gather3A_243 = tpu.vector_load_idx %arg5[%add3A_242] : memref<32768xf32, #tpu.memory_space<vmem>>[vector<16xi32>], vector<16xf32>,
        %add3A_244 = arith.constant 25 : i32
        %add3A_245 = vector.broadcast %add3A_244 : i32 to vector<16xi32>
        %add3A_246 = arith.addi %mul3A_64, %add3A_245 : vector<16xi32>
        tpu.vector_store_idx %arg8[%add3A_246], %gather3A_243 : memref<14336xf32, #tpu.memory_space<vmem>>[vector<16xi32>], vector<16xf32>,
        %add3A_247 = arith.constant 26 : i32
        %add3A_248 = vector.broadcast %add3A_247 : i32 to vector<16xi32>
        %add3A_249 = arith.addi %mul3A_57, %add3A_248 : vector<16xi32>
        %gather3A_250 = tpu.vector_load_idx %arg5[%add3A_249] : memref<32768xf32, #tpu.memory_space<vmem>>[vector<16xi32>], vector<16xf32>,
        %add3A_251 = arith.constant 26 : i32
        %add3A_252 = vector.broadcast %add3A_251 : i32 to vector<16xi32>
        %add3A_253 = arith.addi %mul3A_64, %add3A_252 : vector<16xi32>
        tpu.vector_store_idx %arg8[%add3A_253], %gather3A_250 : memref<14336xf32, #tpu.memory_space<vmem>>[vector<16xi32>], vector<16xf32>,
        %add3A_254 = arith.constant 27 : i32
        %add3A_255 = vector.broadcast %add3A_254 : i32 to vector<16xi32>
        %add3A_256 = arith.addi %mul3A_57, %add3A_255 : vector<16xi32>
        %gather3A_257 = tpu.vector_load_idx %arg5[%add3A_256] : memref<32768xf32, #tpu.memory_space<vmem>>[vector<16xi32>], vector<16xf32>,
        %add3A_258 = arith.constant 27 : i32
        %add3A_259 = vector.broadcast %add3A_258 : i32 to vector<16xi32>
        %add3A_260 = arith.addi %mul3A_64, %add3A_259 : vector<16xi32>
        tpu.vector_store_idx %arg8[%add3A_260], %gather3A_257 : memref<14336xf32, #tpu.memory_space<vmem>>[vector<16xi32>], vector<16xf32>,
        %add3A_261 = arith.constant 28 : i32
        %add3A_262 = vector.broadcast %add3A_261 : i32 to vector<16xi32>
        %add3A_263 = arith.addi %mul3A_57, %add3A_262 : vector<16xi32>
        %gather3A_264 = tpu.vector_load_idx %arg5[%add3A_263] : memref<32768xf32, #tpu.memory_space<vmem>>[vector<16xi32>], vector<16xf32>,
        %add3A_265 = arith.constant 28 : i32
        %add3A_266 = vector.broadcast %add3A_265 : i32 to vector<16xi32>
        %add3A_267 = arith.addi %mul3A_64, %add3A_266 : vector<16xi32>
        tpu.vector_store_idx %arg8[%add3A_267], %gather3A_264 : memref<14336xf32, #tpu.memory_space<vmem>>[vector<16xi32>], vector<16xf32>,
        %add3A_268 = arith.constant 29 : i32
        %add3A_269 = vector.broadcast %add3A_268 : i32 to vector<16xi32>
        %add3A_270 = arith.addi %mul3A_57, %add3A_269 : vector<16xi32>
        %gather3A_271 = tpu.vector_load_idx %arg5[%add3A_270] : memref<32768xf32, #tpu.memory_space<vmem>>[vector<16xi32>], vector<16xf32>,
        %add3A_272 = arith.constant 29 : i32
        %add3A_273 = vector.broadcast %add3A_272 : i32 to vector<16xi32>
        %add3A_274 = arith.addi %mul3A_64, %add3A_273 : vector<16xi32>
        tpu.vector_store_idx %arg8[%add3A_274], %gather3A_271 : memref<14336xf32, #tpu.memory_space<vmem>>[vector<16xi32>], vector<16xf32>,
        %add3A_275 = arith.constant 30 : i32
        %add3A_276 = vector.broadcast %add3A_275 : i32 to vector<16xi32>
        %add3A_277 = arith.addi %mul3A_57, %add3A_276 : vector<16xi32>
        %gather3A_278 = tpu.vector_load_idx %arg5[%add3A_277] : memref<32768xf32, #tpu.memory_space<vmem>>[vector<16xi32>], vector<16xf32>,
        %add3A_279 = arith.constant 30 : i32
        %add3A_280 = vector.broadcast %add3A_279 : i32 to vector<16xi32>
        %add3A_281 = arith.addi %mul3A_64, %add3A_280 : vector<16xi32>
        tpu.vector_store_idx %arg8[%add3A_281], %gather3A_278 : memref<14336xf32, #tpu.memory_space<vmem>>[vector<16xi32>], vector<16xf32>,
        %add3A_282 = arith.constant 31 : i32
        %add3A_283 = vector.broadcast %add3A_282 : i32 to vector<16xi32>
        %add3A_284 = arith.addi %mul3A_57, %add3A_283 : vector<16xi32>
        %gather3A_285 = tpu.vector_load_idx %arg5[%add3A_284] : memref<32768xf32, #tpu.memory_space<vmem>>[vector<16xi32>], vector<16xf32>,
        %add3A_286 = arith.constant 31 : i32
        %add3A_287 = vector.broadcast %add3A_286 : i32 to vector<16xi32>
        %add3A_288 = arith.addi %mul3A_64, %add3A_287 : vector<16xi32>
        tpu.vector_store_idx %arg8[%add3A_288], %gather3A_285 : memref<14336xf32, #tpu.memory_space<vmem>>[vector<16xi32>], vector<16xf32>,
        %add3A_289 = arith.constant 32 : i32
        %add3A_290 = vector.broadcast %add3A_289 : i32 to vector<16xi32>
        %add3A_291 = arith.addi %mul3A_57, %add3A_290 : vector<16xi32>
        %gather3A_292 = tpu.vector_load_idx %arg5[%add3A_291] : memref<32768xf32, #tpu.memory_space<vmem>>[vector<16xi32>], vector<16xf32>,
        %add3A_293 = arith.constant 32 : i32
        %add3A_294 = vector.broadcast %add3A_293 : i32 to vector<16xi32>
        %add3A_295 = arith.addi %mul3A_64, %add3A_294 : vector<16xi32>
        tpu.vector_store_idx %arg8[%add3A_295], %gather3A_292 : memref<14336xf32, #tpu.memory_space<vmem>>[vector<16xi32>], vector<16xf32>,
        %add3A_296 = arith.constant 33 : i32
        %add3A_297 = vector.broadcast %add3A_296 : i32 to vector<16xi32>
        %add3A_298 = arith.addi %mul3A_57, %add3A_297 : vector<16xi32>
        %gather3A_299 = tpu.vector_load_idx %arg5[%add3A_298] : memref<32768xf32, #tpu.memory_space<vmem>>[vector<16xi32>], vector<16xf32>,
        %add3A_300 = arith.constant 33 : i32
        %add3A_301 = vector.broadcast %add3A_300 : i32 to vector<16xi32>
        %add3A_302 = arith.addi %mul3A_64, %add3A_301 : vector<16xi32>
        tpu.vector_store_idx %arg8[%add3A_302], %gather3A_299 : memref<14336xf32, #tpu.memory_space<vmem>>[vector<16xi32>], vector<16xf32>,
        %add3A_303 = arith.constant 34 : i32
        %add3A_304 = vector.broadcast %add3A_303 : i32 to vector<16xi32>
        %add3A_305 = arith.addi %mul3A_57, %add3A_304 : vector<16xi32>
        %gather3A_306 = tpu.vector_load_idx %arg5[%add3A_305] : memref<32768xf32, #tpu.memory_space<vmem>>[vector<16xi32>], vector<16xf32>,
        %add3A_307 = arith.constant 34 : i32
        %add3A_308 = vector.broadcast %add3A_307 : i32 to vector<16xi32>
        %add3A_309 = arith.addi %mul3A_64, %add3A_308 : vector<16xi32>
        tpu.vector_store_idx %arg8[%add3A_309], %gather3A_306 : memref<14336xf32, #tpu.memory_space<vmem>>[vector<16xi32>], vector<16xf32>,
        %add3A_310 = arith.constant 35 : i32
        %add3A_311 = vector.broadcast %add3A_310 : i32 to vector<16xi32>
        %add3A_312 = arith.addi %mul3A_57, %add3A_311 : vector<16xi32>
        %gather3A_313 = tpu.vector_load_idx %arg5[%add3A_312] : memref<32768xf32, #tpu.memory_space<vmem>>[vector<16xi32>], vector<16xf32>,
        %add3A_314 = arith.constant 35 : i32
        %add3A_315 = vector.broadcast %add3A_314 : i32 to vector<16xi32>
        %add3A_316 = arith.addi %mul3A_64, %add3A_315 : vector<16xi32>
        tpu.vector_store_idx %arg8[%add3A_316], %gather3A_313 : memref<14336xf32, #tpu.memory_space<vmem>>[vector<16xi32>], vector<16xf32>,
        %add3A_317 = arith.constant 36 : i32
        %add3A_318 = vector.broadcast %add3A_317 : i32 to vector<16xi32>
        %add3A_319 = arith.addi %mul3A_57, %add3A_318 : vector<16xi32>
        %gather3A_320 = tpu.vector_load_idx %arg5[%add3A_319] : memref<32768xf32, #tpu.memory_space<vmem>>[vector<16xi32>], vector<16xf32>,
        %add3A_321 = arith.constant 36 : i32
        %add3A_322 = vector.broadcast %add3A_321 : i32 to vector<16xi32>
        %add3A_323 = arith.addi %mul3A_64, %add3A_322 : vector<16xi32>
        tpu.vector_store_idx %arg8[%add3A_323], %gather3A_320 : memref<14336xf32, #tpu.memory_space<vmem>>[vector<16xi32>], vector<16xf32>,
        %add3A_324 = arith.constant 37 : i32
        %add3A_325 = vector.broadcast %add3A_324 : i32 to vector<16xi32>
        %add3A_326 = arith.addi %mul3A_57, %add3A_325 : vector<16xi32>
        %gather3A_327 = tpu.vector_load_idx %arg5[%add3A_326] : memref<32768xf32, #tpu.memory_space<vmem>>[vector<16xi32>], vector<16xf32>,
        %add3A_328 = arith.constant 37 : i32
        %add3A_329 = vector.broadcast %add3A_328 : i32 to vector<16xi32>
        %add3A_330 = arith.addi %mul3A_64, %add3A_329 : vector<16xi32>
        tpu.vector_store_idx %arg8[%add3A_330], %gather3A_327 : memref<14336xf32, #tpu.memory_space<vmem>>[vector<16xi32>], vector<16xf32>,
        %add3A_331 = arith.constant 38 : i32
        %add3A_332 = vector.broadcast %add3A_331 : i32 to vector<16xi32>
        %add3A_333 = arith.addi %mul3A_57, %add3A_332 : vector<16xi32>
        %gather3A_334 = tpu.vector_load_idx %arg5[%add3A_333] : memref<32768xf32, #tpu.memory_space<vmem>>[vector<16xi32>], vector<16xf32>,
        %add3A_335 = arith.constant 38 : i32
        %add3A_336 = vector.broadcast %add3A_335 : i32 to vector<16xi32>
        %add3A_337 = arith.addi %mul3A_64, %add3A_336 : vector<16xi32>
        tpu.vector_store_idx %arg8[%add3A_337], %gather3A_334 : memref<14336xf32, #tpu.memory_space<vmem>>[vector<16xi32>], vector<16xf32>,
        %add3A_338 = arith.constant 39 : i32
        %add3A_339 = vector.broadcast %add3A_338 : i32 to vector<16xi32>
        %add3A_340 = arith.addi %mul3A_57, %add3A_339 : vector<16xi32>
        %gather3A_341 = tpu.vector_load_idx %arg5[%add3A_340] : memref<32768xf32, #tpu.memory_space<vmem>>[vector<16xi32>], vector<16xf32>,
        %add3A_342 = arith.constant 39 : i32
        %add3A_343 = vector.broadcast %add3A_342 : i32 to vector<16xi32>
        %add3A_344 = arith.addi %mul3A_64, %add3A_343 : vector<16xi32>
        tpu.vector_store_idx %arg8[%add3A_344], %gather3A_341 : memref<14336xf32, #tpu.memory_space<vmem>>[vector<16xi32>], vector<16xf32>,
        %add3A_345 = arith.constant 40 : i32
        %add3A_346 = vector.broadcast %add3A_345 : i32 to vector<16xi32>
        %add3A_347 = arith.addi %mul3A_57, %add3A_346 : vector<16xi32>
        %gather3A_348 = tpu.vector_load_idx %arg5[%add3A_347] : memref<32768xf32, #tpu.memory_space<vmem>>[vector<16xi32>], vector<16xf32>,
        %add3A_349 = arith.constant 40 : i32
        %add3A_350 = vector.broadcast %add3A_349 : i32 to vector<16xi32>
        %add3A_351 = arith.addi %mul3A_64, %add3A_350 : vector<16xi32>
        tpu.vector_store_idx %arg8[%add3A_351], %gather3A_348 : memref<14336xf32, #tpu.memory_space<vmem>>[vector<16xi32>], vector<16xf32>,
        %add3A_352 = arith.constant 41 : i32
        %add3A_353 = vector.broadcast %add3A_352 : i32 to vector<16xi32>
        %add3A_354 = arith.addi %mul3A_57, %add3A_353 : vector<16xi32>
        %gather3A_355 = tpu.vector_load_idx %arg5[%add3A_354] : memref<32768xf32, #tpu.memory_space<vmem>>[vector<16xi32>], vector<16xf32>,
        %add3A_356 = arith.constant 41 : i32
        %add3A_357 = vector.broadcast %add3A_356 : i32 to vector<16xi32>
        %add3A_358 = arith.addi %mul3A_64, %add3A_357 : vector<16xi32>
        tpu.vector_store_idx %arg8[%add3A_358], %gather3A_355 : memref<14336xf32, #tpu.memory_space<vmem>>[vector<16xi32>], vector<16xf32>,
        %add3A_359 = arith.constant 42 : i32
        %add3A_360 = vector.broadcast %add3A_359 : i32 to vector<16xi32>
        %add3A_361 = arith.addi %mul3A_57, %add3A_360 : vector<16xi32>
        %gather3A_362 = tpu.vector_load_idx %arg5[%add3A_361] : memref<32768xf32, #tpu.memory_space<vmem>>[vector<16xi32>], vector<16xf32>,
        %add3A_363 = arith.constant 42 : i32
        %add3A_364 = vector.broadcast %add3A_363 : i32 to vector<16xi32>
        %add3A_365 = arith.addi %mul3A_64, %add3A_364 : vector<16xi32>
        tpu.vector_store_idx %arg8[%add3A_365], %gather3A_362 : memref<14336xf32, #tpu.memory_space<vmem>>[vector<16xi32>], vector<16xf32>,
        %add3A_366 = arith.constant 43 : i32
        %add3A_367 = vector.broadcast %add3A_366 : i32 to vector<16xi32>
        %add3A_368 = arith.addi %mul3A_57, %add3A_367 : vector<16xi32>
        %gather3A_369 = tpu.vector_load_idx %arg5[%add3A_368] : memref<32768xf32, #tpu.memory_space<vmem>>[vector<16xi32>], vector<16xf32>,
        %add3A_370 = arith.constant 43 : i32
        %add3A_371 = vector.broadcast %add3A_370 : i32 to vector<16xi32>
        %add3A_372 = arith.addi %mul3A_64, %add3A_371 : vector<16xi32>
        tpu.vector_store_idx %arg8[%add3A_372], %gather3A_369 : memref<14336xf32, #tpu.memory_space<vmem>>[vector<16xi32>], vector<16xf32>,
        %add3A_373 = arith.constant 44 : i32
        %add3A_374 = vector.broadcast %add3A_373 : i32 to vector<16xi32>
        %add3A_375 = arith.addi %mul3A_57, %add3A_374 : vector<16xi32>
        %gather3A_376 = tpu.vector_load_idx %arg5[%add3A_375] : memref<32768xf32, #tpu.memory_space<vmem>>[vector<16xi32>], vector<16xf32>,
        %add3A_377 = arith.constant 44 : i32
        %add3A_378 = vector.broadcast %add3A_377 : i32 to vector<16xi32>
        %add3A_379 = arith.addi %mul3A_64, %add3A_378 : vector<16xi32>
        tpu.vector_store_idx %arg8[%add3A_379], %gather3A_376 : memref<14336xf32, #tpu.memory_space<vmem>>[vector<16xi32>], vector<16xf32>,
        %add3A_380 = arith.constant 45 : i32
        %add3A_381 = vector.broadcast %add3A_380 : i32 to vector<16xi32>
        %add3A_382 = arith.addi %mul3A_57, %add3A_381 : vector<16xi32>
        %gather3A_383 = tpu.vector_load_idx %arg5[%add3A_382] : memref<32768xf32, #tpu.memory_space<vmem>>[vector<16xi32>], vector<16xf32>,
        %add3A_384 = arith.constant 45 : i32
        %add3A_385 = vector.broadcast %add3A_384 : i32 to vector<16xi32>
        %add3A_386 = arith.addi %mul3A_64, %add3A_385 : vector<16xi32>
        tpu.vector_store_idx %arg8[%add3A_386], %gather3A_383 : memref<14336xf32, #tpu.memory_space<vmem>>[vector<16xi32>], vector<16xf32>,
        %add3A_387 = arith.constant 46 : i32
        %add3A_388 = vector.broadcast %add3A_387 : i32 to vector<16xi32>
        %add3A_389 = arith.addi %mul3A_57, %add3A_388 : vector<16xi32>
        %gather3A_390 = tpu.vector_load_idx %arg5[%add3A_389] : memref<32768xf32, #tpu.memory_space<vmem>>[vector<16xi32>], vector<16xf32>,
        %add3A_391 = arith.constant 46 : i32
        %add3A_392 = vector.broadcast %add3A_391 : i32 to vector<16xi32>
        %add3A_393 = arith.addi %mul3A_64, %add3A_392 : vector<16xi32>
        tpu.vector_store_idx %arg8[%add3A_393], %gather3A_390 : memref<14336xf32, #tpu.memory_space<vmem>>[vector<16xi32>], vector<16xf32>,
        %add3A_394 = arith.constant 47 : i32
        %add3A_395 = vector.broadcast %add3A_394 : i32 to vector<16xi32>
        %add3A_396 = arith.addi %mul3A_57, %add3A_395 : vector<16xi32>
        %gather3A_397 = tpu.vector_load_idx %arg5[%add3A_396] : memref<32768xf32, #tpu.memory_space<vmem>>[vector<16xi32>], vector<16xf32>,
        %add3A_398 = arith.constant 47 : i32
        %add3A_399 = vector.broadcast %add3A_398 : i32 to vector<16xi32>
        %add3A_400 = arith.addi %mul3A_64, %add3A_399 : vector<16xi32>
        tpu.vector_store_idx %arg8[%add3A_400], %gather3A_397 : memref<14336xf32, #tpu.memory_space<vmem>>[vector<16xi32>], vector<16xf32>,
        %add3A_401 = arith.constant 48 : i32
        %add3A_402 = vector.broadcast %add3A_401 : i32 to vector<16xi32>
        %add3A_403 = arith.addi %mul3A_57, %add3A_402 : vector<16xi32>
        %gather3A_404 = tpu.vector_load_idx %arg5[%add3A_403] : memref<32768xf32, #tpu.memory_space<vmem>>[vector<16xi32>], vector<16xf32>,
        %add3A_405 = arith.constant 48 : i32
        %add3A_406 = vector.broadcast %add3A_405 : i32 to vector<16xi32>
        %add3A_407 = arith.addi %mul3A_64, %add3A_406 : vector<16xi32>
        tpu.vector_store_idx %arg8[%add3A_407], %gather3A_404 : memref<14336xf32, #tpu.memory_space<vmem>>[vector<16xi32>], vector<16xf32>,
        %add3A_408 = arith.constant 49 : i32
        %add3A_409 = vector.broadcast %add3A_408 : i32 to vector<16xi32>
        %add3A_410 = arith.addi %mul3A_57, %add3A_409 : vector<16xi32>
        %gather3A_411 = tpu.vector_load_idx %arg5[%add3A_410] : memref<32768xf32, #tpu.memory_space<vmem>>[vector<16xi32>], vector<16xf32>,
        %add3A_412 = arith.constant 49 : i32
        %add3A_413 = vector.broadcast %add3A_412 : i32 to vector<16xi32>
        %add3A_414 = arith.addi %mul3A_64, %add3A_413 : vector<16xi32>
        tpu.vector_store_idx %arg8[%add3A_414], %gather3A_411 : memref<14336xf32, #tpu.memory_space<vmem>>[vector<16xi32>], vector<16xf32>,
        %add3A_415 = arith.constant 50 : i32
        %add3A_416 = vector.broadcast %add3A_415 : i32 to vector<16xi32>
        %add3A_417 = arith.addi %mul3A_57, %add3A_416 : vector<16xi32>
        %gather3A_418 = tpu.vector_load_idx %arg5[%add3A_417] : memref<32768xf32, #tpu.memory_space<vmem>>[vector<16xi32>], vector<16xf32>,
        %add3A_419 = arith.constant 50 : i32
        %add3A_420 = vector.broadcast %add3A_419 : i32 to vector<16xi32>
        %add3A_421 = arith.addi %mul3A_64, %add3A_420 : vector<16xi32>
        tpu.vector_store_idx %arg8[%add3A_421], %gather3A_418 : memref<14336xf32, #tpu.memory_space<vmem>>[vector<16xi32>], vector<16xf32>,
        %add3A_422 = arith.constant 51 : i32
        %add3A_423 = vector.broadcast %add3A_422 : i32 to vector<16xi32>
        %add3A_424 = arith.addi %mul3A_57, %add3A_423 : vector<16xi32>
        %gather3A_425 = tpu.vector_load_idx %arg5[%add3A_424] : memref<32768xf32, #tpu.memory_space<vmem>>[vector<16xi32>], vector<16xf32>,
        %add3A_426 = arith.constant 51 : i32
        %add3A_427 = vector.broadcast %add3A_426 : i32 to vector<16xi32>
        %add3A_428 = arith.addi %mul3A_64, %add3A_427 : vector<16xi32>
        tpu.vector_store_idx %arg8[%add3A_428], %gather3A_425 : memref<14336xf32, #tpu.memory_space<vmem>>[vector<16xi32>], vector<16xf32>,
        %add3A_429 = arith.constant 52 : i32
        %add3A_430 = vector.broadcast %add3A_429 : i32 to vector<16xi32>
        %add3A_431 = arith.addi %mul3A_57, %add3A_430 : vector<16xi32>
        %gather3A_432 = tpu.vector_load_idx %arg5[%add3A_431] : memref<32768xf32, #tpu.memory_space<vmem>>[vector<16xi32>], vector<16xf32>,
        %add3A_433 = arith.constant 52 : i32
        %add3A_434 = vector.broadcast %add3A_433 : i32 to vector<16xi32>
        %add3A_435 = arith.addi %mul3A_64, %add3A_434 : vector<16xi32>
        tpu.vector_store_idx %arg8[%add3A_435], %gather3A_432 : memref<14336xf32, #tpu.memory_space<vmem>>[vector<16xi32>], vector<16xf32>,
        %add3A_436 = arith.constant 53 : i32
        %add3A_437 = vector.broadcast %add3A_436 : i32 to vector<16xi32>
        %add3A_438 = arith.addi %mul3A_57, %add3A_437 : vector<16xi32>
        %gather3A_439 = tpu.vector_load_idx %arg5[%add3A_438] : memref<32768xf32, #tpu.memory_space<vmem>>[vector<16xi32>], vector<16xf32>,
        %add3A_440 = arith.constant 53 : i32
        %add3A_441 = vector.broadcast %add3A_440 : i32 to vector<16xi32>
        %add3A_442 = arith.addi %mul3A_64, %add3A_441 : vector<16xi32>
        tpu.vector_store_idx %arg8[%add3A_442], %gather3A_439 : memref<14336xf32, #tpu.memory_space<vmem>>[vector<16xi32>], vector<16xf32>,
        %add3A_443 = arith.constant 54 : i32
        %add3A_444 = vector.broadcast %add3A_443 : i32 to vector<16xi32>
        %add3A_445 = arith.addi %mul3A_57, %add3A_444 : vector<16xi32>
        %gather3A_446 = tpu.vector_load_idx %arg5[%add3A_445] : memref<32768xf32, #tpu.memory_space<vmem>>[vector<16xi32>], vector<16xf32>,
        %add3A_447 = arith.constant 54 : i32
        %add3A_448 = vector.broadcast %add3A_447 : i32 to vector<16xi32>
        %add3A_449 = arith.addi %mul3A_64, %add3A_448 : vector<16xi32>
        tpu.vector_store_idx %arg8[%add3A_449], %gather3A_446 : memref<14336xf32, #tpu.memory_space<vmem>>[vector<16xi32>], vector<16xf32>,
        %add3A_450 = arith.constant 55 : i32
        %add3A_451 = vector.broadcast %add3A_450 : i32 to vector<16xi32>
        %add3A_452 = arith.addi %mul3A_57, %add3A_451 : vector<16xi32>
        %gather3A_453 = tpu.vector_load_idx %arg5[%add3A_452] : memref<32768xf32, #tpu.memory_space<vmem>>[vector<16xi32>], vector<16xf32>,
        %add3A_454 = arith.constant 55 : i32
        %add3A_455 = vector.broadcast %add3A_454 : i32 to vector<16xi32>
        %add3A_456 = arith.addi %mul3A_64, %add3A_455 : vector<16xi32>
        tpu.vector_store_idx %arg8[%add3A_456], %gather3A_453 : memref<14336xf32, #tpu.memory_space<vmem>>[vector<16xi32>], vector<16xf32>,
        %add3A_457 = arith.constant 56 : i32
        %add3A_458 = vector.broadcast %add3A_457 : i32 to vector<16xi32>
        %add3A_459 = arith.addi %mul3A_57, %add3A_458 : vector<16xi32>
        %gather3A_460 = tpu.vector_load_idx %arg5[%add3A_459] : memref<32768xf32, #tpu.memory_space<vmem>>[vector<16xi32>], vector<16xf32>,
        %add3A_461 = arith.constant 56 : i32
        %add3A_462 = vector.broadcast %add3A_461 : i32 to vector<16xi32>
        %add3A_463 = arith.addi %mul3A_64, %add3A_462 : vector<16xi32>
        tpu.vector_store_idx %arg8[%add3A_463], %gather3A_460 : memref<14336xf32, #tpu.memory_space<vmem>>[vector<16xi32>], vector<16xf32>,
        %add3A_464 = arith.constant 57 : i32
        %add3A_465 = vector.broadcast %add3A_464 : i32 to vector<16xi32>
        %add3A_466 = arith.addi %mul3A_57, %add3A_465 : vector<16xi32>
        %gather3A_467 = tpu.vector_load_idx %arg5[%add3A_466] : memref<32768xf32, #tpu.memory_space<vmem>>[vector<16xi32>], vector<16xf32>,
        %add3A_468 = arith.constant 57 : i32
        %add3A_469 = vector.broadcast %add3A_468 : i32 to vector<16xi32>
        %add3A_470 = arith.addi %mul3A_64, %add3A_469 : vector<16xi32>
        tpu.vector_store_idx %arg8[%add3A_470], %gather3A_467 : memref<14336xf32, #tpu.memory_space<vmem>>[vector<16xi32>], vector<16xf32>,
        %add3A_471 = arith.constant 58 : i32
        %add3A_472 = vector.broadcast %add3A_471 : i32 to vector<16xi32>
        %add3A_473 = arith.addi %mul3A_57, %add3A_472 : vector<16xi32>
        %gather3A_474 = tpu.vector_load_idx %arg5[%add3A_473] : memref<32768xf32, #tpu.memory_space<vmem>>[vector<16xi32>], vector<16xf32>,
        %add3A_475 = arith.constant 58 : i32
        %add3A_476 = vector.broadcast %add3A_475 : i32 to vector<16xi32>
        %add3A_477 = arith.addi %mul3A_64, %add3A_476 : vector<16xi32>
        tpu.vector_store_idx %arg8[%add3A_477], %gather3A_474 : memref<14336xf32, #tpu.memory_space<vmem>>[vector<16xi32>], vector<16xf32>,
        %add3A_478 = arith.constant 59 : i32
        %add3A_479 = vector.broadcast %add3A_478 : i32 to vector<16xi32>
        %add3A_480 = arith.addi %mul3A_57, %add3A_479 : vector<16xi32>
        %gather3A_481 = tpu.vector_load_idx %arg5[%add3A_480] : memref<32768xf32, #tpu.memory_space<vmem>>[vector<16xi32>], vector<16xf32>,
        %add3A_482 = arith.constant 59 : i32
        %add3A_483 = vector.broadcast %add3A_482 : i32 to vector<16xi32>
        %add3A_484 = arith.addi %mul3A_64, %add3A_483 : vector<16xi32>
        tpu.vector_store_idx %arg8[%add3A_484], %gather3A_481 : memref<14336xf32, #tpu.memory_space<vmem>>[vector<16xi32>], vector<16xf32>,
        %add3A_485 = arith.constant 60 : i32
        %add3A_486 = vector.broadcast %add3A_485 : i32 to vector<16xi32>
        %add3A_487 = arith.addi %mul3A_57, %add3A_486 : vector<16xi32>
        %gather3A_488 = tpu.vector_load_idx %arg5[%add3A_487] : memref<32768xf32, #tpu.memory_space<vmem>>[vector<16xi32>], vector<16xf32>,
        %add3A_489 = arith.constant 60 : i32
        %add3A_490 = vector.broadcast %add3A_489 : i32 to vector<16xi32>
        %add3A_491 = arith.addi %mul3A_64, %add3A_490 : vector<16xi32>
        tpu.vector_store_idx %arg8[%add3A_491], %gather3A_488 : memref<14336xf32, #tpu.memory_space<vmem>>[vector<16xi32>], vector<16xf32>,
        %add3A_492 = arith.constant 61 : i32
        %add3A_493 = vector.broadcast %add3A_492 : i32 to vector<16xi32>
        %add3A_494 = arith.addi %mul3A_57, %add3A_493 : vector<16xi32>
        %gather3A_495 = tpu.vector_load_idx %arg5[%add3A_494] : memref<32768xf32, #tpu.memory_space<vmem>>[vector<16xi32>], vector<16xf32>,
        %add3A_496 = arith.constant 61 : i32
        %add3A_497 = vector.broadcast %add3A_496 : i32 to vector<16xi32>
        %add3A_498 = arith.addi %mul3A_64, %add3A_497 : vector<16xi32>
        tpu.vector_store_idx %arg8[%add3A_498], %gather3A_495 : memref<14336xf32, #tpu.memory_space<vmem>>[vector<16xi32>], vector<16xf32>,
        %add3A_499 = arith.constant 62 : i32
        %add3A_500 = vector.broadcast %add3A_499 : i32 to vector<16xi32>
        %add3A_501 = arith.addi %mul3A_57, %add3A_500 : vector<16xi32>
        %gather3A_502 = tpu.vector_load_idx %arg5[%add3A_501] : memref<32768xf32, #tpu.memory_space<vmem>>[vector<16xi32>], vector<16xf32>,
        %add3A_503 = arith.constant 62 : i32
        %add3A_504 = vector.broadcast %add3A_503 : i32 to vector<16xi32>
        %add3A_505 = arith.addi %mul3A_64, %add3A_504 : vector<16xi32>
        tpu.vector_store_idx %arg8[%add3A_505], %gather3A_502 : memref<14336xf32, #tpu.memory_space<vmem>>[vector<16xi32>], vector<16xf32>,
        %add3A_506 = arith.constant 63 : i32
        %add3A_507 = vector.broadcast %add3A_506 : i32 to vector<16xi32>
        %add3A_508 = arith.addi %mul3A_57, %add3A_507 : vector<16xi32>
        %gather3A_509 = tpu.vector_load_idx %arg5[%add3A_508] : memref<32768xf32, #tpu.memory_space<vmem>>[vector<16xi32>], vector<16xf32>,
        %add3A_510 = arith.constant 63 : i32
        %add3A_511 = vector.broadcast %add3A_510 : i32 to vector<16xi32>
        %add3A_512 = arith.addi %mul3A_64, %add3A_511 : vector<16xi32>
        tpu.vector_store_idx %arg8[%add3A_512], %gather3A_509 : memref<14336xf32, #tpu.memory_space<vmem>>[vector<16xi32>], vector<16xf32>,
        %scan3A_513 = arith.constant 0 : i32
        scf.yield %scan3A_513 : i32
      }
      %scan3A_38 = arith.constant 7 : i32
      %mul3A_39 = arith.constant 112 : i32
      %mul3A_40 = arith.muli %add3A_31, %mul3A_39 : i32
      %add3A_41 = arith.addi %mul3A_2, %mul3A_40 : i32
      %mul3A_42 = arith.constant 128 : i32
      %mul3A_43 = arith.muli %add3A_41, %mul3A_42 : i32
      %multiple_of3A_44 = tpu.assume_multiple %mul3A_43, 8 : i32
      "tpu.region"() ({
        %run_scoped3A = tpu.sem_alloc : memref<!tpu.dma_semaphore, #tpu.memory_space<semaphore_mem>>
        %dma_start3A = tpu.memref_slice %arg4[%multiple_of3A_44] : memref<12845056xf32, #tpu.memory_space<hbm>> -> memref<14336xf32, #tpu.memory_space<hbm>>
        %dma_start3A_46 = tpu.memref_slice %arg4[%multiple_of3A_44] : memref<12845056xf32, #tpu.memory_space<hbm>> -> memref<14336xf32, #tpu.memory_space<hbm>>
        tpu.enqueue_dma source(%arg8 : memref<14336xf32, #tpu.memory_space<vmem>>) target(%dma_start3A_46 : memref<14336xf32, #tpu.memory_space<hbm>>) target_semaphore(%run_scoped3A : memref<!tpu.dma_semaphore, #tpu.memory_space<semaphore_mem>>)
        %dma_wait3A = tpu.memref_slice %arg4[%multiple_of3A_44] : memref<12845056xf32, #tpu.memory_space<hbm>> -> memref<14336xf32, #tpu.memory_space<hbm>>
        %dma_wait3A_47 = tpu.memref_slice %arg4[%multiple_of3A_44] : memref<12845056xf32, #tpu.memory_space<hbm>> -> memref<14336xf32, #tpu.memory_space<hbm>>
        tpu.wait_dma2 semaphore(%run_scoped3A : memref<!tpu.dma_semaphore, #tpu.memory_space<semaphore_mem>>) src(%arg8 : memref<14336xf32, #tpu.memory_space<vmem>>) dst(%dma_wait3A_47 : memref<14336xf32, #tpu.memory_space<hbm>>)
        tpu.yield
      }) : () -> ()
      %scan3A_45 = arith.constant 0 : i32
      scf.yield %scan3A_45 : i32
    }
    %scan3A_8 = arith.constant 14 : i32
    return
  }
}

module attributes {stable_mosaic.version = 14 : i64} {
  func.func @_k2_body(%arg0: i32, %arg1: i32, %arg2: memref<1x8x224x64xf32, #tpu.memory_space<vmem>>, %arg3: memref<1x32x224x64xf32, #tpu.memory_space<vmem>>, %arg4: memref<1x8x224x64xf32, #tpu.memory_space<vmem>>, %arg5: memref<3x192x64xf32, #tpu.memory_space<vmem>>, %arg6: memref<1x64xf32, #tpu.memory_space<vmem>>, %arg7: memref<64x64xf32, #tpu.memory_space<vmem>>, %arg8: memref<1x64xf32, #tpu.memory_space<vmem>>, %arg9: memref<64x512xf32, #tpu.memory_space<vmem>>, %arg10: memref<7168x64xf32, #tpu.memory_space<vmem>>, %arg11: memref<7168xi32, #tpu.memory_space<vmem>>, %arg12: memref<1x1x512xf32, #tpu.memory_space<vmem>>) attributes {dimension_semantics = [#tpu.dimension_semantics<arbitrary>, #tpu.dimension_semantics<arbitrary>], iteration_bounds = array<i64: 2, 7>, scalar_prefetch = 0 : i64, scratch_operands = 0 : i64, tpu.core_type = #tpu.core_type<tc>, window_params = [{transform_indices = @transform_0, window_bounds = array<i64: 1, 8, 224, 64>}, {transform_indices = @transform_1, window_bounds = array<i64: 1, 32, 224, 64>}, {transform_indices = @transform_2, window_bounds = array<i64: 1, 8, 224, 64>}, {pipeline_mode = #tpu.pipeline_mode<synchronous>, transform_indices = @transform_3, window_bounds = array<i64: 3, 192, 64>}, {pipeline_mode = #tpu.pipeline_mode<synchronous>, transform_indices = @transform_4, window_bounds = array<i64: 1, 64>}, {pipeline_mode = #tpu.pipeline_mode<synchronous>, transform_indices = @transform_5, window_bounds = array<i64: 64, 64>}, {pipeline_mode = #tpu.pipeline_mode<synchronous>, transform_indices = @transform_6, window_bounds = array<i64: 1, 64>}, {pipeline_mode = #tpu.pipeline_mode<synchronous>, transform_indices = @transform_7, window_bounds = array<i64: 64, 512>}, {transform_indices = @transform_8, window_bounds = array<i64: 7168, 64>}, {transform_indices = @transform_9, window_bounds = array<i64: 7168>}, {transform_indices = @transform_10, window_bounds = array<i64: 1, 1, 512>}]} {
    %get3A = arith.constant 0 : index
    %get3A_0 = arith.constant 0 : index
    %get3A_1 = arith.constant 0 : index
    %get3A_2 = arith.constant 0 : index
    %get3A_3 = vector.load %arg2[%get3A, %get3A_0, %get3A_1, %get3A_2] : memref<1x8x224x64xf32, #tpu.memory_space<vmem>>, vector<1x8x224x64xf32>
    %get3A_4 = vector.shape_cast %get3A_3 : vector<1x8x224x64xf32> to vector<8x224x64xf32>
    %get3A_5 = arith.constant 0 : index
    %get3A_6 = arith.constant 0 : index
    %get3A_7 = arith.constant 0 : index
    %get3A_8 = arith.constant 0 : index
    %get3A_9 = vector.load %arg3[%get3A_5, %get3A_6, %get3A_7, %get3A_8] : memref<1x32x224x64xf32, #tpu.memory_space<vmem>>, vector<1x32x224x64xf32>
    %get3A_10 = vector.shape_cast %get3A_9 : vector<1x32x224x64xf32> to vector<32x224x64xf32>
    %get3A_11 = arith.constant 0 : index
    %get3A_12 = arith.constant 0 : index
    %get3A_13 = arith.constant 0 : index
    %get3A_14 = arith.constant 0 : index
    %get3A_15 = vector.load %arg4[%get3A_11, %get3A_12, %get3A_13, %get3A_14] : memref<1x8x224x64xf32, #tpu.memory_space<vmem>>, vector<1x8x224x64xf32>
    %get3A_16 = vector.shape_cast %get3A_15 : vector<1x8x224x64xf32> to vector<8x224x64xf32>
    %slice3A = vector.extract_strided_slice %get3A_4 {offsets = [7, 0, 0], sizes = [1, 224, 64], strides = [1, 1, 1]} : vector<8x224x64xf32> to vector<1x224x64xf32>
    %slice3A_17 = vector.extract_strided_slice %get3A_16 {offsets = [0, 0, 0], sizes = [1, 224, 64], strides = [1, 1, 1]} : vector<8x224x64xf32> to vector<1x224x64xf32>
    %concatenate3A = tpu.concatenate %slice3A, %get3A_10, %slice3A_17 in 0 : vector<1x224x64xf32>, vector<32x224x64xf32>, vector<1x224x64xf32> -> vector<34x224x64xf32>
    %iota3A = tpu.iota {dimensions = array<i32: 0>} : vector<34x1x1xi32>
    %eq3A = arith.constant 0 : i32
    %eq3A_18 = vector.broadcast %eq3A : i32 to vector<34x1x1xi32>
    %eq3A_19 = arith.cmpi eq, %iota3A, %eq3A_18 : vector<34x1x1xi32>
    %eq3A_20 = arith.constant 0 : i32
    %eq3A_21 = arith.cmpi eq, %arg1, %eq3A_20 : i32
    %and3A = vector.broadcast %eq3A_21 : i1 to vector<34x1x1xi1>
    %and3A_22 = arith.andi %eq3A_19, %and3A : vector<34x1x1xi1>
    %eq3A_23 = arith.constant 33 : i32
    %eq3A_24 = vector.broadcast %eq3A_23 : i32 to vector<34x1x1xi32>
    %eq3A_25 = arith.cmpi eq, %iota3A, %eq3A_24 : vector<34x1x1xi32>
    %eq3A_26 = arith.constant 6 : i32
    %eq3A_27 = arith.cmpi eq, %arg1, %eq3A_26 : i32
    %and3A_28 = vector.broadcast %eq3A_27 : i1 to vector<34x1x1xi1>
    %and3A_29 = arith.andi %eq3A_25, %and3A_28 : vector<34x1x1xi1>
    %or3A = arith.ori %and3A_22, %and3A_29 : vector<34x1x1xi1>
    %jit3A = arith.constant 0.000000e+00 : f32
    %broadcast_in_dim3A = vector.shape_cast %or3A : vector<34x1x1xi1> to vector<34x1x1xi1>
    %broadcast_in_dim3A_30 = vector.broadcast %broadcast_in_dim3A : vector<34x1x1xi1> to vector<34x224x64xi1>
    %broadcast_in_dim3A_31 = vector.broadcast %jit3A : f32 to vector<34x224x64xf32>
    %select_n3A = arith.select %broadcast_in_dim3A_30, %broadcast_in_dim3A_31, %concatenate3A : vector<34x224x64xi1>, vector<34x224x64xf32>
    %broadcast_in_dim3A_32 = arith.constant 0.000000e+00 : f32
    %broadcast_in_dim3A_33 = vector.broadcast %broadcast_in_dim3A_32 : f32 to vector<34x1x64xf32>
    %concatenate3A_34 = tpu.concatenate %broadcast_in_dim3A_33, %select_n3A, %broadcast_in_dim3A_33 in 1 : vector<34x1x64xf32>, vector<34x224x64xf32>, vector<34x1x64xf32> -> vector<34x226x64xf32>
    %slice3A_35 = vector.extract_strided_slice %concatenate3A_34 {offsets = [0, 0, 0], sizes = [34, 224, 64], strides = [1, 1, 1]} : vector<34x226x64xf32> to vector<34x224x64xf32>
    %slice3A_36 = vector.extract_strided_slice %concatenate3A_34 {offsets = [0, 1, 0], sizes = [34, 224, 64], strides = [1, 1, 1]} : vector<34x226x64xf32> to vector<34x224x64xf32>
    %slice3A_37 = vector.extract_strided_slice %concatenate3A_34 {offsets = [0, 2, 0], sizes = [34, 224, 64], strides = [1, 1, 1]} : vector<34x226x64xf32> to vector<34x224x64xf32>
    %concatenate3A_38 = tpu.concatenate %slice3A_35, %slice3A_36, %slice3A_37 in 2 : vector<34x224x64xf32>, vector<34x224x64xf32>, vector<34x224x64xf32> -> vector<34x224x192xf32>
    %slice3A_39 = vector.extract_strided_slice %concatenate3A_38 {offsets = [0, 0, 0], sizes = [32, 224, 192], strides = [1, 1, 1]} : vector<34x224x192xf32> to vector<32x224x192xf32>
    %reshape3A = vector.shape_cast %slice3A_39 : vector<32x224x192xf32> to vector<7168x192xf32>
    %get3A_40 = arith.constant 0 : index
    %get3A_41 = arith.constant 0 : index
    %get3A_42 = arith.constant 0 : index
    %get3A_43 = vector.load %arg5[%get3A_40, %get3A_41, %get3A_42] : memref<3x192x64xf32, #tpu.memory_space<vmem>>, vector<1x192x64xf32>
    %get3A_44 = vector.shape_cast %get3A_43 : vector<1x192x64xf32> to vector<192x64xf32>
    %dot_general3A = arith.constant dense<0.000000e+00> : vector<7168x64xf32>
    %dot_general3A_45 = tpu.matmul %reshape3A, %get3A_44, %dot_general3A {dimension_numbers = #tpu.dot_dimension_numbers<[1], [0], [0], [1], [0, 0, 1, 1], [], []>, transpose_lhs_hint = false} : vector<7168x192xf32>, vector<192x64xf32>, vector<7168x64xf32> -> vector<7168x64xf32>
    %slice3A_46 = vector.extract_strided_slice %concatenate3A_38 {offsets = [1, 0, 0], sizes = [32, 224, 192], strides = [1, 1, 1]} : vector<34x224x192xf32> to vector<32x224x192xf32>
    %reshape3A_47 = vector.shape_cast %slice3A_46 : vector<32x224x192xf32> to vector<7168x192xf32>
    %get3A_48 = arith.constant 1 : index
    %get3A_49 = arith.constant 0 : index
    %get3A_50 = arith.constant 0 : index
    %get3A_51 = vector.load %arg5[%get3A_48, %get3A_49, %get3A_50] : memref<3x192x64xf32, #tpu.memory_space<vmem>>, vector<1x192x64xf32>
    %get3A_52 = vector.shape_cast %get3A_51 : vector<1x192x64xf32> to vector<192x64xf32>
    %dot_general3A_53 = arith.constant dense<0.000000e+00> : vector<7168x64xf32>
    %dot_general3A_54 = tpu.matmul %reshape3A_47, %get3A_52, %dot_general3A_53 {dimension_numbers = #tpu.dot_dimension_numbers<[1], [0], [0], [1], [0, 0, 1, 1], [], []>, transpose_lhs_hint = false} : vector<7168x192xf32>, vector<192x64xf32>, vector<7168x64xf32> -> vector<7168x64xf32>
    %add3A = arith.addf %dot_general3A_45, %dot_general3A_54 : vector<7168x64xf32>
    %slice3A_55 = vector.extract_strided_slice %concatenate3A_38 {offsets = [2, 0, 0], sizes = [32, 224, 192], strides = [1, 1, 1]} : vector<34x224x192xf32> to vector<32x224x192xf32>
    %reshape3A_56 = vector.shape_cast %slice3A_55 : vector<32x224x192xf32> to vector<7168x192xf32>
    %get3A_57 = arith.constant 2 : index
    %get3A_58 = arith.constant 0 : index
    %get3A_59 = arith.constant 0 : index
    %get3A_60 = vector.load %arg5[%get3A_57, %get3A_58, %get3A_59] : memref<3x192x64xf32, #tpu.memory_space<vmem>>, vector<1x192x64xf32>
    %get3A_61 = vector.shape_cast %get3A_60 : vector<1x192x64xf32> to vector<192x64xf32>
    %dot_general3A_62 = arith.constant dense<0.000000e+00> : vector<7168x64xf32>
    %dot_general3A_63 = tpu.matmul %reshape3A_56, %get3A_61, %dot_general3A_62 {dimension_numbers = #tpu.dot_dimension_numbers<[1], [0], [0], [1], [0, 0, 1, 1], [], []>, transpose_lhs_hint = false} : vector<7168x192xf32>, vector<192x64xf32>, vector<7168x64xf32> -> vector<7168x64xf32>
    %add3A_64 = arith.addf %add3A, %dot_general3A_63 : vector<7168x64xf32>
    %get3A_65 = arith.constant 0 : index
    %get3A_66 = arith.constant 0 : index
    %get3A_67 = vector.load %arg6[%get3A_65, %get3A_66] : memref<1x64xf32, #tpu.memory_space<vmem>>, vector<1x64xf32>
    %add3A_68 = vector.broadcast %get3A_67 : vector<1x64xf32> to vector<7168x64xf32>
    %add3A_69 = arith.addf %add3A_64, %add3A_68 : vector<7168x64xf32>
    %max3A = arith.constant 0.000000e+00 : f32
    %max3A_70 = vector.broadcast %max3A : f32 to vector<7168x64xf32>
    %max3A_71 = arith.maximumf %add3A_69, %max3A_70 : vector<7168x64xf32>
    %get3A_72 = arith.constant 0 : index
    %get3A_73 = arith.constant 0 : index
    %get3A_74 = vector.load %arg7[%get3A_72, %get3A_73] : memref<64x64xf32, #tpu.memory_space<vmem>>, vector<64x64xf32>
    %dot_general3A_75 = arith.constant dense<0.000000e+00> : vector<7168x64xf32>
    %dot_general3A_76 = tpu.matmul %max3A_71, %get3A_74, %dot_general3A_75 {dimension_numbers = #tpu.dot_dimension_numbers<[1], [0], [0], [1], [0, 0, 1, 1], [], []>, transpose_lhs_hint = false} : vector<7168x64xf32>, vector<64x64xf32>, vector<7168x64xf32> -> vector<7168x64xf32>
    %get3A_77 = arith.constant 0 : index
    %get3A_78 = arith.constant 0 : index
    %get3A_79 = vector.load %arg8[%get3A_77, %get3A_78] : memref<1x64xf32, #tpu.memory_space<vmem>>, vector<1x64xf32>
    %add3A_80 = vector.broadcast %get3A_79 : vector<1x64xf32> to vector<7168x64xf32>
    %add3A_81 = arith.addf %dot_general3A_76, %add3A_80 : vector<7168x64xf32>
    %swap3A = arith.constant 0 : index
    %swap3A_82 = arith.constant 0 : index
    %swap3A_83 = vector.load %arg10[%swap3A, %swap3A_82] : memref<7168x64xf32, #tpu.memory_space<vmem>>, vector<7168x64xf32>
    tpu.vector_store %arg10[%swap3A, %swap3A_82], %add3A_81 {strides = array<i32>} : memref<7168x64xf32, #tpu.memory_space<vmem>>, vector<7168x64xf32>,
    %get3A_84 = arith.constant 0 : index
    %get3A_85 = arith.constant 0 : index
    %get3A_86 = vector.load %arg9[%get3A_84, %get3A_85] : memref<64x512xf32, #tpu.memory_space<vmem>>, vector<64x512xf32>
    %get3A_87 = arith.constant 0 : index
    %get3A_88 = arith.constant 0 : index
    %get3A_89 = vector.load %arg9[%get3A_87, %get3A_88] : memref<64x512xf32, #tpu.memory_space<vmem>>, vector<64x512xf32>
    %mul3A = arith.mulf %get3A_86, %get3A_89 : vector<64x512xf32>
    %reduce_sum3A = arith.constant dense<0.000000e+00> : vector<512xf32>
    %reduce_sum3A_90 = vector.multi_reduction <add>, %mul3A, %reduce_sum3A [0] : vector<64x512xf32> to vector<512xf32>
    %broadcast_in_dim3A_91 = vector.shape_cast %reduce_sum3A_90 : vector<512xf32> to vector<1x512xf32>
    %broadcast_in_dim3A_92 = arith.constant 0.000000e+00 : f32
    %broadcast_in_dim3A_93 = vector.broadcast %broadcast_in_dim3A_92 : f32 to vector<1x512xf32>
    %slice3A_94 = vector.extract_strided_slice %add3A_81 {offsets = [0, 0], sizes = [512, 64], strides = [1, 1]} : vector<7168x64xf32> to vector<512x64xf32>
    %get3A_95 = arith.constant 0 : index
    %get3A_96 = arith.constant 0 : index
    %get3A_97 = vector.load %arg9[%get3A_95, %get3A_96] : memref<64x512xf32, #tpu.memory_space<vmem>>, vector<64x512xf32>
    %dot_general3A_98 = arith.constant dense<0.000000e+00> : vector<512x512xf32>
    %dot_general3A_99 = tpu.matmul %slice3A_94, %get3A_97, %dot_general3A_98 {dimension_numbers = #tpu.dot_dimension_numbers<[1], [0], [0], [1], [0, 0, 1, 1], [], []>, transpose_lhs_hint = false} : vector<512x64xf32>, vector<64x512xf32>, vector<512x512xf32> -> vector<512x512xf32>
    %mul3A_100 = arith.constant 2.000000e+00 : f32
    %mul3A_101 = vector.broadcast %mul3A_100 : f32 to vector<512x512xf32>
    %mul3A_102 = arith.mulf %mul3A_101, %dot_general3A_99 : vector<512x512xf32>
    %sub3A = vector.broadcast %broadcast_in_dim3A_91 : vector<1x512xf32> to vector<512x512xf32>
    %sub3A_103 = arith.subf %sub3A, %mul3A_102 : vector<512x512xf32>
    %reduce_min3A = arith.constant dense<0x7F800000> : vector<512xf32>
    %reduce_min3A_104 = vector.multi_reduction <minimumf>, %sub3A_103, %reduce_min3A [1] : vector<512x512xf32> to vector<512xf32>
    %broadcast_in_dim3A_105 = vector.shape_cast %reduce_min3A_104 : vector<512xf32> to vector<512x1xf32>
    %iota3A_106 = tpu.iota {dimensions = array<i32: 1>} : vector<512x512xi32>
    %convert_element_type3A = arith.sitofp %iota3A_106 : vector<512x512xi32> to vector<512x512xf32>
    %eq3A_107 = vector.broadcast %broadcast_in_dim3A_105 : vector<512x1xf32> to vector<512x512xf32>
    %eq3A_108 = arith.cmpf oeq, %sub3A_103, %eq3A_107 : vector<512x512xf32>
    %jit3A_109 = arith.constant 5.120000e+02 : f32
    %broadcast_in_dim3A_110 = vector.broadcast %jit3A_109 : f32 to vector<512x512xf32>
    %select_n3A_111 = arith.select %eq3A_108, %convert_element_type3A, %broadcast_in_dim3A_110 : vector<512x512xi1>, vector<512x512xf32>
    %reduce_min3A_112 = arith.constant dense<0x7F800000> : vector<512xf32>
    %reduce_min3A_113 = vector.multi_reduction <minimumf>, %select_n3A_111, %reduce_min3A_112 [1] : vector<512x512xf32> to vector<512xf32>
    %broadcast_in_dim3A_114 = vector.shape_cast %reduce_min3A_113 : vector<512xf32> to vector<512x1xf32>
    %eq3A_115 = vector.broadcast %broadcast_in_dim3A_114 : vector<512x1xf32> to vector<512x512xf32>
    %eq3A_116 = arith.cmpf oeq, %convert_element_type3A, %eq3A_115 : vector<512x512xf32>
    %jit3A_117 = arith.constant 1.000000e+00 : f32
    %jit3A_118 = arith.constant 0.000000e+00 : f32
    %broadcast_in_dim3A_119 = vector.broadcast %jit3A_117 : f32 to vector<512x512xf32>
    %broadcast_in_dim3A_120 = vector.broadcast %jit3A_118 : f32 to vector<512x512xf32>
    %select_n3A_121 = arith.select %eq3A_116, %broadcast_in_dim3A_119, %broadcast_in_dim3A_120 : vector<512x512xi1>, vector<512x512xf32>
    %reduce_sum3A_122 = arith.constant dense<0.000000e+00> : vector<512xf32>
    %reduce_sum3A_123 = vector.multi_reduction <add>, %select_n3A_121, %reduce_sum3A_122 [0] : vector<512x512xf32> to vector<512xf32>
    %broadcast_in_dim3A_124 = vector.shape_cast %reduce_sum3A_123 : vector<512xf32> to vector<1x512xf32>
    %add3A_125 = arith.addf %broadcast_in_dim3A_93, %broadcast_in_dim3A_124 : vector<1x512xf32>
    %squeeze3A = vector.shape_cast %broadcast_in_dim3A_114 : vector<512x1xf32> to vector<512xf32>
    %convert_element_type3A_126 = arith.fptosi %squeeze3A : vector<512xf32> to vector<512xi32>
    %swap3A_127 = arith.constant 0 : index
    %swap3A_128 = vector.load %arg11[%swap3A_127] : memref<7168xi32, #tpu.memory_space<vmem>>, vector<512xi32>
    tpu.vector_store %arg11[%swap3A_127], %convert_element_type3A_126 {strides = array<i32>} : memref<7168xi32, #tpu.memory_space<vmem>>, vector<512xi32>,
    %slice3A_129 = vector.extract_strided_slice %add3A_81 {offsets = [512, 0], sizes = [512, 64], strides = [1, 1]} : vector<7168x64xf32> to vector<512x64xf32>
    %get3A_130 = arith.constant 0 : index
    %get3A_131 = arith.constant 0 : index
    %get3A_132 = vector.load %arg9[%get3A_130, %get3A_131] : memref<64x512xf32, #tpu.memory_space<vmem>>, vector<64x512xf32>
    %dot_general3A_133 = arith.constant dense<0.000000e+00> : vector<512x512xf32>
    %dot_general3A_134 = tpu.matmul %slice3A_129, %get3A_132, %dot_general3A_133 {dimension_numbers = #tpu.dot_dimension_numbers<[1], [0], [0], [1], [0, 0, 1, 1], [], []>, transpose_lhs_hint = false} : vector<512x64xf32>, vector<64x512xf32>, vector<512x512xf32> -> vector<512x512xf32>
    %mul3A_135 = arith.constant 2.000000e+00 : f32
    %mul3A_136 = vector.broadcast %mul3A_135 : f32 to vector<512x512xf32>
    %mul3A_137 = arith.mulf %mul3A_136, %dot_general3A_134 : vector<512x512xf32>
    %sub3A_138 = vector.broadcast %broadcast_in_dim3A_91 : vector<1x512xf32> to vector<512x512xf32>
    %sub3A_139 = arith.subf %sub3A_138, %mul3A_137 : vector<512x512xf32>
    %reduce_min3A_140 = arith.constant dense<0x7F800000> : vector<512xf32>
    %reduce_min3A_141 = vector.multi_reduction <minimumf>, %sub3A_139, %reduce_min3A_140 [1] : vector<512x512xf32> to vector<512xf32>
    %broadcast_in_dim3A_142 = vector.shape_cast %reduce_min3A_141 : vector<512xf32> to vector<512x1xf32>
    %iota3A_143 = tpu.iota {dimensions = array<i32: 1>} : vector<512x512xi32>
    %convert_element_type3A_144 = arith.sitofp %iota3A_143 : vector<512x512xi32> to vector<512x512xf32>
    %eq3A_145 = vector.broadcast %broadcast_in_dim3A_142 : vector<512x1xf32> to vector<512x512xf32>
    %eq3A_146 = arith.cmpf oeq, %sub3A_139, %eq3A_145 : vector<512x512xf32>
    %jit3A_147 = arith.constant 5.120000e+02 : f32
    %broadcast_in_dim3A_148 = vector.broadcast %jit3A_147 : f32 to vector<512x512xf32>
    %select_n3A_149 = arith.select %eq3A_146, %convert_element_type3A_144, %broadcast_in_dim3A_148 : vector<512x512xi1>, vector<512x512xf32>
    %reduce_min3A_150 = arith.constant dense<0x7F800000> : vector<512xf32>
    %reduce_min3A_151 = vector.multi_reduction <minimumf>, %select_n3A_149, %reduce_min3A_150 [1] : vector<512x512xf32> to vector<512xf32>
    %broadcast_in_dim3A_152 = vector.shape_cast %reduce_min3A_151 : vector<512xf32> to vector<512x1xf32>
    %eq3A_153 = vector.broadcast %broadcast_in_dim3A_152 : vector<512x1xf32> to vector<512x512xf32>
    %eq3A_154 = arith.cmpf oeq, %convert_element_type3A_144, %eq3A_153 : vector<512x512xf32>
    %jit3A_155 = arith.constant 1.000000e+00 : f32
    %jit3A_156 = arith.constant 0.000000e+00 : f32
    %broadcast_in_dim3A_157 = vector.broadcast %jit3A_155 : f32 to vector<512x512xf32>
    %broadcast_in_dim3A_158 = vector.broadcast %jit3A_156 : f32 to vector<512x512xf32>
    %select_n3A_159 = arith.select %eq3A_154, %broadcast_in_dim3A_157, %broadcast_in_dim3A_158 : vector<512x512xi1>, vector<512x512xf32>
    %reduce_sum3A_160 = arith.constant dense<0.000000e+00> : vector<512xf32>
    %reduce_sum3A_161 = vector.multi_reduction <add>, %select_n3A_159, %reduce_sum3A_160 [0] : vector<512x512xf32> to vector<512xf32>
    %broadcast_in_dim3A_162 = vector.shape_cast %reduce_sum3A_161 : vector<512xf32> to vector<1x512xf32>
    %add3A_163 = arith.addf %add3A_125, %broadcast_in_dim3A_162 : vector<1x512xf32>
    %squeeze3A_164 = vector.shape_cast %broadcast_in_dim3A_152 : vector<512x1xf32> to vector<512xf32>
    %convert_element_type3A_165 = arith.fptosi %squeeze3A_164 : vector<512xf32> to vector<512xi32>
    %swap3A_166 = arith.constant 512 : index
    %swap3A_167 = vector.load %arg11[%swap3A_166] : memref<7168xi32, #tpu.memory_space<vmem>>, vector<512xi32>
    tpu.vector_store %arg11[%swap3A_166], %convert_element_type3A_165 {strides = array<i32>} : memref<7168xi32, #tpu.memory_space<vmem>>, vector<512xi32>,
    %slice3A_168 = vector.extract_strided_slice %add3A_81 {offsets = [1024, 0], sizes = [512, 64], strides = [1, 1]} : vector<7168x64xf32> to vector<512x64xf32>
    %get3A_169 = arith.constant 0 : index
    %get3A_170 = arith.constant 0 : index
    %get3A_171 = vector.load %arg9[%get3A_169, %get3A_170] : memref<64x512xf32, #tpu.memory_space<vmem>>, vector<64x512xf32>
    %dot_general3A_172 = arith.constant dense<0.000000e+00> : vector<512x512xf32>
    %dot_general3A_173 = tpu.matmul %slice3A_168, %get3A_171, %dot_general3A_172 {dimension_numbers = #tpu.dot_dimension_numbers<[1], [0], [0], [1], [0, 0, 1, 1], [], []>, transpose_lhs_hint = false} : vector<512x64xf32>, vector<64x512xf32>, vector<512x512xf32> -> vector<512x512xf32>
    %mul3A_174 = arith.constant 2.000000e+00 : f32
    %mul3A_175 = vector.broadcast %mul3A_174 : f32 to vector<512x512xf32>
    %mul3A_176 = arith.mulf %mul3A_175, %dot_general3A_173 : vector<512x512xf32>
    %sub3A_177 = vector.broadcast %broadcast_in_dim3A_91 : vector<1x512xf32> to vector<512x512xf32>
    %sub3A_178 = arith.subf %sub3A_177, %mul3A_176 : vector<512x512xf32>
    %reduce_min3A_179 = arith.constant dense<0x7F800000> : vector<512xf32>
    %reduce_min3A_180 = vector.multi_reduction <minimumf>, %sub3A_178, %reduce_min3A_179 [1] : vector<512x512xf32> to vector<512xf32>
    %broadcast_in_dim3A_181 = vector.shape_cast %reduce_min3A_180 : vector<512xf32> to vector<512x1xf32>
    %iota3A_182 = tpu.iota {dimensions = array<i32: 1>} : vector<512x512xi32>
    %convert_element_type3A_183 = arith.sitofp %iota3A_182 : vector<512x512xi32> to vector<512x512xf32>
    %eq3A_184 = vector.broadcast %broadcast_in_dim3A_181 : vector<512x1xf32> to vector<512x512xf32>
    %eq3A_185 = arith.cmpf oeq, %sub3A_178, %eq3A_184 : vector<512x512xf32>
    %jit3A_186 = arith.constant 5.120000e+02 : f32
    %broadcast_in_dim3A_187 = vector.broadcast %jit3A_186 : f32 to vector<512x512xf32>
    %select_n3A_188 = arith.select %eq3A_185, %convert_element_type3A_183, %broadcast_in_dim3A_187 : vector<512x512xi1>, vector<512x512xf32>
    %reduce_min3A_189 = arith.constant dense<0x7F800000> : vector<512xf32>
    %reduce_min3A_190 = vector.multi_reduction <minimumf>, %select_n3A_188, %reduce_min3A_189 [1] : vector<512x512xf32> to vector<512xf32>
    %broadcast_in_dim3A_191 = vector.shape_cast %reduce_min3A_190 : vector<512xf32> to vector<512x1xf32>
    %eq3A_192 = vector.broadcast %broadcast_in_dim3A_191 : vector<512x1xf32> to vector<512x512xf32>
    %eq3A_193 = arith.cmpf oeq, %convert_element_type3A_183, %eq3A_192 : vector<512x512xf32>
    %jit3A_194 = arith.constant 1.000000e+00 : f32
    %jit3A_195 = arith.constant 0.000000e+00 : f32
    %broadcast_in_dim3A_196 = vector.broadcast %jit3A_194 : f32 to vector<512x512xf32>
    %broadcast_in_dim3A_197 = vector.broadcast %jit3A_195 : f32 to vector<512x512xf32>
    %select_n3A_198 = arith.select %eq3A_193, %broadcast_in_dim3A_196, %broadcast_in_dim3A_197 : vector<512x512xi1>, vector<512x512xf32>
    %reduce_sum3A_199 = arith.constant dense<0.000000e+00> : vector<512xf32>
    %reduce_sum3A_200 = vector.multi_reduction <add>, %select_n3A_198, %reduce_sum3A_199 [0] : vector<512x512xf32> to vector<512xf32>
    %broadcast_in_dim3A_201 = vector.shape_cast %reduce_sum3A_200 : vector<512xf32> to vector<1x512xf32>
    %add3A_202 = arith.addf %add3A_163, %broadcast_in_dim3A_201 : vector<1x512xf32>
    %squeeze3A_203 = vector.shape_cast %broadcast_in_dim3A_191 : vector<512x1xf32> to vector<512xf32>
    %convert_element_type3A_204 = arith.fptosi %squeeze3A_203 : vector<512xf32> to vector<512xi32>
    %swap3A_205 = arith.constant 1024 : index
    %swap3A_206 = vector.load %arg11[%swap3A_205] : memref<7168xi32, #tpu.memory_space<vmem>>, vector<512xi32>
    tpu.vector_store %arg11[%swap3A_205], %convert_element_type3A_204 {strides = array<i32>} : memref<7168xi32, #tpu.memory_space<vmem>>, vector<512xi32>,
    %slice3A_207 = vector.extract_strided_slice %add3A_81 {offsets = [1536, 0], sizes = [512, 64], strides = [1, 1]} : vector<7168x64xf32> to vector<512x64xf32>
    %get3A_208 = arith.constant 0 : index
    %get3A_209 = arith.constant 0 : index
    %get3A_210 = vector.load %arg9[%get3A_208, %get3A_209] : memref<64x512xf32, #tpu.memory_space<vmem>>, vector<64x512xf32>
    %dot_general3A_211 = arith.constant dense<0.000000e+00> : vector<512x512xf32>
    %dot_general3A_212 = tpu.matmul %slice3A_207, %get3A_210, %dot_general3A_211 {dimension_numbers = #tpu.dot_dimension_numbers<[1], [0], [0], [1], [0, 0, 1, 1], [], []>, transpose_lhs_hint = false} : vector<512x64xf32>, vector<64x512xf32>, vector<512x512xf32> -> vector<512x512xf32>
    %mul3A_213 = arith.constant 2.000000e+00 : f32
    %mul3A_214 = vector.broadcast %mul3A_213 : f32 to vector<512x512xf32>
    %mul3A_215 = arith.mulf %mul3A_214, %dot_general3A_212 : vector<512x512xf32>
    %sub3A_216 = vector.broadcast %broadcast_in_dim3A_91 : vector<1x512xf32> to vector<512x512xf32>
    %sub3A_217 = arith.subf %sub3A_216, %mul3A_215 : vector<512x512xf32>
    %reduce_min3A_218 = arith.constant dense<0x7F800000> : vector<512xf32>
    %reduce_min3A_219 = vector.multi_reduction <minimumf>, %sub3A_217, %reduce_min3A_218 [1] : vector<512x512xf32> to vector<512xf32>
    %broadcast_in_dim3A_220 = vector.shape_cast %reduce_min3A_219 : vector<512xf32> to vector<512x1xf32>
    %iota3A_221 = tpu.iota {dimensions = array<i32: 1>} : vector<512x512xi32>
    %convert_element_type3A_222 = arith.sitofp %iota3A_221 : vector<512x512xi32> to vector<512x512xf32>
    %eq3A_223 = vector.broadcast %broadcast_in_dim3A_220 : vector<512x1xf32> to vector<512x512xf32>
    %eq3A_224 = arith.cmpf oeq, %sub3A_217, %eq3A_223 : vector<512x512xf32>
    %jit3A_225 = arith.constant 5.120000e+02 : f32
    %broadcast_in_dim3A_226 = vector.broadcast %jit3A_225 : f32 to vector<512x512xf32>
    %select_n3A_227 = arith.select %eq3A_224, %convert_element_type3A_222, %broadcast_in_dim3A_226 : vector<512x512xi1>, vector<512x512xf32>
    %reduce_min3A_228 = arith.constant dense<0x7F800000> : vector<512xf32>
    %reduce_min3A_229 = vector.multi_reduction <minimumf>, %select_n3A_227, %reduce_min3A_228 [1] : vector<512x512xf32> to vector<512xf32>
    %broadcast_in_dim3A_230 = vector.shape_cast %reduce_min3A_229 : vector<512xf32> to vector<512x1xf32>
    %eq3A_231 = vector.broadcast %broadcast_in_dim3A_230 : vector<512x1xf32> to vector<512x512xf32>
    %eq3A_232 = arith.cmpf oeq, %convert_element_type3A_222, %eq3A_231 : vector<512x512xf32>
    %jit3A_233 = arith.constant 1.000000e+00 : f32
    %jit3A_234 = arith.constant 0.000000e+00 : f32
    %broadcast_in_dim3A_235 = vector.broadcast %jit3A_233 : f32 to vector<512x512xf32>
    %broadcast_in_dim3A_236 = vector.broadcast %jit3A_234 : f32 to vector<512x512xf32>
    %select_n3A_237 = arith.select %eq3A_232, %broadcast_in_dim3A_235, %broadcast_in_dim3A_236 : vector<512x512xi1>, vector<512x512xf32>
    %reduce_sum3A_238 = arith.constant dense<0.000000e+00> : vector<512xf32>
    %reduce_sum3A_239 = vector.multi_reduction <add>, %select_n3A_237, %reduce_sum3A_238 [0] : vector<512x512xf32> to vector<512xf32>
    %broadcast_in_dim3A_240 = vector.shape_cast %reduce_sum3A_239 : vector<512xf32> to vector<1x512xf32>
    %add3A_241 = arith.addf %add3A_202, %broadcast_in_dim3A_240 : vector<1x512xf32>
    %squeeze3A_242 = vector.shape_cast %broadcast_in_dim3A_230 : vector<512x1xf32> to vector<512xf32>
    %convert_element_type3A_243 = arith.fptosi %squeeze3A_242 : vector<512xf32> to vector<512xi32>
    %swap3A_244 = arith.constant 1536 : index
    %swap3A_245 = vector.load %arg11[%swap3A_244] : memref<7168xi32, #tpu.memory_space<vmem>>, vector<512xi32>
    tpu.vector_store %arg11[%swap3A_244], %convert_element_type3A_243 {strides = array<i32>} : memref<7168xi32, #tpu.memory_space<vmem>>, vector<512xi32>,
    %slice3A_246 = vector.extract_strided_slice %add3A_81 {offsets = [2048, 0], sizes = [512, 64], strides = [1, 1]} : vector<7168x64xf32> to vector<512x64xf32>
    %get3A_247 = arith.constant 0 : index
    %get3A_248 = arith.constant 0 : index
    %get3A_249 = vector.load %arg9[%get3A_247, %get3A_248] : memref<64x512xf32, #tpu.memory_space<vmem>>, vector<64x512xf32>
    %dot_general3A_250 = arith.constant dense<0.000000e+00> : vector<512x512xf32>
    %dot_general3A_251 = tpu.matmul %slice3A_246, %get3A_249, %dot_general3A_250 {dimension_numbers = #tpu.dot_dimension_numbers<[1], [0], [0], [1], [0, 0, 1, 1], [], []>, transpose_lhs_hint = false} : vector<512x64xf32>, vector<64x512xf32>, vector<512x512xf32> -> vector<512x512xf32>
    %mul3A_252 = arith.constant 2.000000e+00 : f32
    %mul3A_253 = vector.broadcast %mul3A_252 : f32 to vector<512x512xf32>
    %mul3A_254 = arith.mulf %mul3A_253, %dot_general3A_251 : vector<512x512xf32>
    %sub3A_255 = vector.broadcast %broadcast_in_dim3A_91 : vector<1x512xf32> to vector<512x512xf32>
    %sub3A_256 = arith.subf %sub3A_255, %mul3A_254 : vector<512x512xf32>
    %reduce_min3A_257 = arith.constant dense<0x7F800000> : vector<512xf32>
    %reduce_min3A_258 = vector.multi_reduction <minimumf>, %sub3A_256, %reduce_min3A_257 [1] : vector<512x512xf32> to vector<512xf32>
    %broadcast_in_dim3A_259 = vector.shape_cast %reduce_min3A_258 : vector<512xf32> to vector<512x1xf32>
    %iota3A_260 = tpu.iota {dimensions = array<i32: 1>} : vector<512x512xi32>
    %convert_element_type3A_261 = arith.sitofp %iota3A_260 : vector<512x512xi32> to vector<512x512xf32>
    %eq3A_262 = vector.broadcast %broadcast_in_dim3A_259 : vector<512x1xf32> to vector<512x512xf32>
    %eq3A_263 = arith.cmpf oeq, %sub3A_256, %eq3A_262 : vector<512x512xf32>
    %jit3A_264 = arith.constant 5.120000e+02 : f32
    %broadcast_in_dim3A_265 = vector.broadcast %jit3A_264 : f32 to vector<512x512xf32>
    %select_n3A_266 = arith.select %eq3A_263, %convert_element_type3A_261, %broadcast_in_dim3A_265 : vector<512x512xi1>, vector<512x512xf32>
    %reduce_min3A_267 = arith.constant dense<0x7F800000> : vector<512xf32>
    %reduce_min3A_268 = vector.multi_reduction <minimumf>, %select_n3A_266, %reduce_min3A_267 [1] : vector<512x512xf32> to vector<512xf32>
    %broadcast_in_dim3A_269 = vector.shape_cast %reduce_min3A_268 : vector<512xf32> to vector<512x1xf32>
    %eq3A_270 = vector.broadcast %broadcast_in_dim3A_269 : vector<512x1xf32> to vector<512x512xf32>
    %eq3A_271 = arith.cmpf oeq, %convert_element_type3A_261, %eq3A_270 : vector<512x512xf32>
    %jit3A_272 = arith.constant 1.000000e+00 : f32
    %jit3A_273 = arith.constant 0.000000e+00 : f32
    %broadcast_in_dim3A_274 = vector.broadcast %jit3A_272 : f32 to vector<512x512xf32>
    %broadcast_in_dim3A_275 = vector.broadcast %jit3A_273 : f32 to vector<512x512xf32>
    %select_n3A_276 = arith.select %eq3A_271, %broadcast_in_dim3A_274, %broadcast_in_dim3A_275 : vector<512x512xi1>, vector<512x512xf32>
    %reduce_sum3A_277 = arith.constant dense<0.000000e+00> : vector<512xf32>
    %reduce_sum3A_278 = vector.multi_reduction <add>, %select_n3A_276, %reduce_sum3A_277 [0] : vector<512x512xf32> to vector<512xf32>
    %broadcast_in_dim3A_279 = vector.shape_cast %reduce_sum3A_278 : vector<512xf32> to vector<1x512xf32>
    %add3A_280 = arith.addf %add3A_241, %broadcast_in_dim3A_279 : vector<1x512xf32>
    %squeeze3A_281 = vector.shape_cast %broadcast_in_dim3A_269 : vector<512x1xf32> to vector<512xf32>
    %convert_element_type3A_282 = arith.fptosi %squeeze3A_281 : vector<512xf32> to vector<512xi32>
    %swap3A_283 = arith.constant 2048 : index
    %swap3A_284 = vector.load %arg11[%swap3A_283] : memref<7168xi32, #tpu.memory_space<vmem>>, vector<512xi32>
    tpu.vector_store %arg11[%swap3A_283], %convert_element_type3A_282 {strides = array<i32>} : memref<7168xi32, #tpu.memory_space<vmem>>, vector<512xi32>,
    %slice3A_285 = vector.extract_strided_slice %add3A_81 {offsets = [2560, 0], sizes = [512, 64], strides = [1, 1]} : vector<7168x64xf32> to vector<512x64xf32>
    %get3A_286 = arith.constant 0 : index
    %get3A_287 = arith.constant 0 : index
    %get3A_288 = vector.load %arg9[%get3A_286, %get3A_287] : memref<64x512xf32, #tpu.memory_space<vmem>>, vector<64x512xf32>
    %dot_general3A_289 = arith.constant dense<0.000000e+00> : vector<512x512xf32>
    %dot_general3A_290 = tpu.matmul %slice3A_285, %get3A_288, %dot_general3A_289 {dimension_numbers = #tpu.dot_dimension_numbers<[1], [0], [0], [1], [0, 0, 1, 1], [], []>, transpose_lhs_hint = false} : vector<512x64xf32>, vector<64x512xf32>, vector<512x512xf32> -> vector<512x512xf32>
    %mul3A_291 = arith.constant 2.000000e+00 : f32
    %mul3A_292 = vector.broadcast %mul3A_291 : f32 to vector<512x512xf32>
    %mul3A_293 = arith.mulf %mul3A_292, %dot_general3A_290 : vector<512x512xf32>
    %sub3A_294 = vector.broadcast %broadcast_in_dim3A_91 : vector<1x512xf32> to vector<512x512xf32>
    %sub3A_295 = arith.subf %sub3A_294, %mul3A_293 : vector<512x512xf32>
    %reduce_min3A_296 = arith.constant dense<0x7F800000> : vector<512xf32>
    %reduce_min3A_297 = vector.multi_reduction <minimumf>, %sub3A_295, %reduce_min3A_296 [1] : vector<512x512xf32> to vector<512xf32>
    %broadcast_in_dim3A_298 = vector.shape_cast %reduce_min3A_297 : vector<512xf32> to vector<512x1xf32>
    %iota3A_299 = tpu.iota {dimensions = array<i32: 1>} : vector<512x512xi32>
    %convert_element_type3A_300 = arith.sitofp %iota3A_299 : vector<512x512xi32> to vector<512x512xf32>
    %eq3A_301 = vector.broadcast %broadcast_in_dim3A_298 : vector<512x1xf32> to vector<512x512xf32>
    %eq3A_302 = arith.cmpf oeq, %sub3A_295, %eq3A_301 : vector<512x512xf32>
    %jit3A_303 = arith.constant 5.120000e+02 : f32
    %broadcast_in_dim3A_304 = vector.broadcast %jit3A_303 : f32 to vector<512x512xf32>
    %select_n3A_305 = arith.select %eq3A_302, %convert_element_type3A_300, %broadcast_in_dim3A_304 : vector<512x512xi1>, vector<512x512xf32>
    %reduce_min3A_306 = arith.constant dense<0x7F800000> : vector<512xf32>
    %reduce_min3A_307 = vector.multi_reduction <minimumf>, %select_n3A_305, %reduce_min3A_306 [1] : vector<512x512xf32> to vector<512xf32>
    %broadcast_in_dim3A_308 = vector.shape_cast %reduce_min3A_307 : vector<512xf32> to vector<512x1xf32>
    %eq3A_309 = vector.broadcast %broadcast_in_dim3A_308 : vector<512x1xf32> to vector<512x512xf32>
    %eq3A_310 = arith.cmpf oeq, %convert_element_type3A_300, %eq3A_309 : vector<512x512xf32>
    %jit3A_311 = arith.constant 1.000000e+00 : f32
    %jit3A_312 = arith.constant 0.000000e+00 : f32
    %broadcast_in_dim3A_313 = vector.broadcast %jit3A_311 : f32 to vector<512x512xf32>
    %broadcast_in_dim3A_314 = vector.broadcast %jit3A_312 : f32 to vector<512x512xf32>
    %select_n3A_315 = arith.select %eq3A_310, %broadcast_in_dim3A_313, %broadcast_in_dim3A_314 : vector<512x512xi1>, vector<512x512xf32>
    %reduce_sum3A_316 = arith.constant dense<0.000000e+00> : vector<512xf32>
    %reduce_sum3A_317 = vector.multi_reduction <add>, %select_n3A_315, %reduce_sum3A_316 [0] : vector<512x512xf32> to vector<512xf32>
    %broadcast_in_dim3A_318 = vector.shape_cast %reduce_sum3A_317 : vector<512xf32> to vector<1x512xf32>
    %add3A_319 = arith.addf %add3A_280, %broadcast_in_dim3A_318 : vector<1x512xf32>
    %squeeze3A_320 = vector.shape_cast %broadcast_in_dim3A_308 : vector<512x1xf32> to vector<512xf32>
    %convert_element_type3A_321 = arith.fptosi %squeeze3A_320 : vector<512xf32> to vector<512xi32>
    %swap3A_322 = arith.constant 2560 : index
    %swap3A_323 = vector.load %arg11[%swap3A_322] : memref<7168xi32, #tpu.memory_space<vmem>>, vector<512xi32>
    tpu.vector_store %arg11[%swap3A_322], %convert_element_type3A_321 {strides = array<i32>} : memref<7168xi32, #tpu.memory_space<vmem>>, vector<512xi32>,
    %slice3A_324 = vector.extract_strided_slice %add3A_81 {offsets = [3072, 0], sizes = [512, 64], strides = [1, 1]} : vector<7168x64xf32> to vector<512x64xf32>
    %get3A_325 = arith.constant 0 : index
    %get3A_326 = arith.constant 0 : index
    %get3A_327 = vector.load %arg9[%get3A_325, %get3A_326] : memref<64x512xf32, #tpu.memory_space<vmem>>, vector<64x512xf32>
    %dot_general3A_328 = arith.constant dense<0.000000e+00> : vector<512x512xf32>
    %dot_general3A_329 = tpu.matmul %slice3A_324, %get3A_327, %dot_general3A_328 {dimension_numbers = #tpu.dot_dimension_numbers<[1], [0], [0], [1], [0, 0, 1, 1], [], []>, transpose_lhs_hint = false} : vector<512x64xf32>, vector<64x512xf32>, vector<512x512xf32> -> vector<512x512xf32>
    %mul3A_330 = arith.constant 2.000000e+00 : f32
    %mul3A_331 = vector.broadcast %mul3A_330 : f32 to vector<512x512xf32>
    %mul3A_332 = arith.mulf %mul3A_331, %dot_general3A_329 : vector<512x512xf32>
    %sub3A_333 = vector.broadcast %broadcast_in_dim3A_91 : vector<1x512xf32> to vector<512x512xf32>
    %sub3A_334 = arith.subf %sub3A_333, %mul3A_332 : vector<512x512xf32>
    %reduce_min3A_335 = arith.constant dense<0x7F800000> : vector<512xf32>
    %reduce_min3A_336 = vector.multi_reduction <minimumf>, %sub3A_334, %reduce_min3A_335 [1] : vector<512x512xf32> to vector<512xf32>
    %broadcast_in_dim3A_337 = vector.shape_cast %reduce_min3A_336 : vector<512xf32> to vector<512x1xf32>
    %iota3A_338 = tpu.iota {dimensions = array<i32: 1>} : vector<512x512xi32>
    %convert_element_type3A_339 = arith.sitofp %iota3A_338 : vector<512x512xi32> to vector<512x512xf32>
    %eq3A_340 = vector.broadcast %broadcast_in_dim3A_337 : vector<512x1xf32> to vector<512x512xf32>
    %eq3A_341 = arith.cmpf oeq, %sub3A_334, %eq3A_340 : vector<512x512xf32>
    %jit3A_342 = arith.constant 5.120000e+02 : f32
    %broadcast_in_dim3A_343 = vector.broadcast %jit3A_342 : f32 to vector<512x512xf32>
    %select_n3A_344 = arith.select %eq3A_341, %convert_element_type3A_339, %broadcast_in_dim3A_343 : vector<512x512xi1>, vector<512x512xf32>
    %reduce_min3A_345 = arith.constant dense<0x7F800000> : vector<512xf32>
    %reduce_min3A_346 = vector.multi_reduction <minimumf>, %select_n3A_344, %reduce_min3A_345 [1] : vector<512x512xf32> to vector<512xf32>
    %broadcast_in_dim3A_347 = vector.shape_cast %reduce_min3A_346 : vector<512xf32> to vector<512x1xf32>
    %eq3A_348 = vector.broadcast %broadcast_in_dim3A_347 : vector<512x1xf32> to vector<512x512xf32>
    %eq3A_349 = arith.cmpf oeq, %convert_element_type3A_339, %eq3A_348 : vector<512x512xf32>
    %jit3A_350 = arith.constant 1.000000e+00 : f32
    %jit3A_351 = arith.constant 0.000000e+00 : f32
    %broadcast_in_dim3A_352 = vector.broadcast %jit3A_350 : f32 to vector<512x512xf32>
    %broadcast_in_dim3A_353 = vector.broadcast %jit3A_351 : f32 to vector<512x512xf32>
    %select_n3A_354 = arith.select %eq3A_349, %broadcast_in_dim3A_352, %broadcast_in_dim3A_353 : vector<512x512xi1>, vector<512x512xf32>
    %reduce_sum3A_355 = arith.constant dense<0.000000e+00> : vector<512xf32>
    %reduce_sum3A_356 = vector.multi_reduction <add>, %select_n3A_354, %reduce_sum3A_355 [0] : vector<512x512xf32> to vector<512xf32>
    %broadcast_in_dim3A_357 = vector.shape_cast %reduce_sum3A_356 : vector<512xf32> to vector<1x512xf32>
    %add3A_358 = arith.addf %add3A_319, %broadcast_in_dim3A_357 : vector<1x512xf32>
    %squeeze3A_359 = vector.shape_cast %broadcast_in_dim3A_347 : vector<512x1xf32> to vector<512xf32>
    %convert_element_type3A_360 = arith.fptosi %squeeze3A_359 : vector<512xf32> to vector<512xi32>
    %swap3A_361 = arith.constant 3072 : index
    %swap3A_362 = vector.load %arg11[%swap3A_361] : memref<7168xi32, #tpu.memory_space<vmem>>, vector<512xi32>
    tpu.vector_store %arg11[%swap3A_361], %convert_element_type3A_360 {strides = array<i32>} : memref<7168xi32, #tpu.memory_space<vmem>>, vector<512xi32>,
    %slice3A_363 = vector.extract_strided_slice %add3A_81 {offsets = [3584, 0], sizes = [512, 64], strides = [1, 1]} : vector<7168x64xf32> to vector<512x64xf32>
    %get3A_364 = arith.constant 0 : index
    %get3A_365 = arith.constant 0 : index
    %get3A_366 = vector.load %arg9[%get3A_364, %get3A_365] : memref<64x512xf32, #tpu.memory_space<vmem>>, vector<64x512xf32>
    %dot_general3A_367 = arith.constant dense<0.000000e+00> : vector<512x512xf32>
    %dot_general3A_368 = tpu.matmul %slice3A_363, %get3A_366, %dot_general3A_367 {dimension_numbers = #tpu.dot_dimension_numbers<[1], [0], [0], [1], [0, 0, 1, 1], [], []>, transpose_lhs_hint = false} : vector<512x64xf32>, vector<64x512xf32>, vector<512x512xf32> -> vector<512x512xf32>
    %mul3A_369 = arith.constant 2.000000e+00 : f32
    %mul3A_370 = vector.broadcast %mul3A_369 : f32 to vector<512x512xf32>
    %mul3A_371 = arith.mulf %mul3A_370, %dot_general3A_368 : vector<512x512xf32>
    %sub3A_372 = vector.broadcast %broadcast_in_dim3A_91 : vector<1x512xf32> to vector<512x512xf32>
    %sub3A_373 = arith.subf %sub3A_372, %mul3A_371 : vector<512x512xf32>
    %reduce_min3A_374 = arith.constant dense<0x7F800000> : vector<512xf32>
    %reduce_min3A_375 = vector.multi_reduction <minimumf>, %sub3A_373, %reduce_min3A_374 [1] : vector<512x512xf32> to vector<512xf32>
    %broadcast_in_dim3A_376 = vector.shape_cast %reduce_min3A_375 : vector<512xf32> to vector<512x1xf32>
    %iota3A_377 = tpu.iota {dimensions = array<i32: 1>} : vector<512x512xi32>
    %convert_element_type3A_378 = arith.sitofp %iota3A_377 : vector<512x512xi32> to vector<512x512xf32>
    %eq3A_379 = vector.broadcast %broadcast_in_dim3A_376 : vector<512x1xf32> to vector<512x512xf32>
    %eq3A_380 = arith.cmpf oeq, %sub3A_373, %eq3A_379 : vector<512x512xf32>
    %jit3A_381 = arith.constant 5.120000e+02 : f32
    %broadcast_in_dim3A_382 = vector.broadcast %jit3A_381 : f32 to vector<512x512xf32>
    %select_n3A_383 = arith.select %eq3A_380, %convert_element_type3A_378, %broadcast_in_dim3A_382 : vector<512x512xi1>, vector<512x512xf32>
    %reduce_min3A_384 = arith.constant dense<0x7F800000> : vector<512xf32>
    %reduce_min3A_385 = vector.multi_reduction <minimumf>, %select_n3A_383, %reduce_min3A_384 [1] : vector<512x512xf32> to vector<512xf32>
    %broadcast_in_dim3A_386 = vector.shape_cast %reduce_min3A_385 : vector<512xf32> to vector<512x1xf32>
    %eq3A_387 = vector.broadcast %broadcast_in_dim3A_386 : vector<512x1xf32> to vector<512x512xf32>
    %eq3A_388 = arith.cmpf oeq, %convert_element_type3A_378, %eq3A_387 : vector<512x512xf32>
    %jit3A_389 = arith.constant 1.000000e+00 : f32
    %jit3A_390 = arith.constant 0.000000e+00 : f32
    %broadcast_in_dim3A_391 = vector.broadcast %jit3A_389 : f32 to vector<512x512xf32>
    %broadcast_in_dim3A_392 = vector.broadcast %jit3A_390 : f32 to vector<512x512xf32>
    %select_n3A_393 = arith.select %eq3A_388, %broadcast_in_dim3A_391, %broadcast_in_dim3A_392 : vector<512x512xi1>, vector<512x512xf32>
    %reduce_sum3A_394 = arith.constant dense<0.000000e+00> : vector<512xf32>
    %reduce_sum3A_395 = vector.multi_reduction <add>, %select_n3A_393, %reduce_sum3A_394 [0] : vector<512x512xf32> to vector<512xf32>
    %broadcast_in_dim3A_396 = vector.shape_cast %reduce_sum3A_395 : vector<512xf32> to vector<1x512xf32>
    %add3A_397 = arith.addf %add3A_358, %broadcast_in_dim3A_396 : vector<1x512xf32>
    %squeeze3A_398 = vector.shape_cast %broadcast_in_dim3A_386 : vector<512x1xf32> to vector<512xf32>
    %convert_element_type3A_399 = arith.fptosi %squeeze3A_398 : vector<512xf32> to vector<512xi32>
    %swap3A_400 = arith.constant 3584 : index
    %swap3A_401 = vector.load %arg11[%swap3A_400] : memref<7168xi32, #tpu.memory_space<vmem>>, vector<512xi32>
    tpu.vector_store %arg11[%swap3A_400], %convert_element_type3A_399 {strides = array<i32>} : memref<7168xi32, #tpu.memory_space<vmem>>, vector<512xi32>,
    %slice3A_402 = vector.extract_strided_slice %add3A_81 {offsets = [4096, 0], sizes = [512, 64], strides = [1, 1]} : vector<7168x64xf32> to vector<512x64xf32>
    %get3A_403 = arith.constant 0 : index
    %get3A_404 = arith.constant 0 : index
    %get3A_405 = vector.load %arg9[%get3A_403, %get3A_404] : memref<64x512xf32, #tpu.memory_space<vmem>>, vector<64x512xf32>
    %dot_general3A_406 = arith.constant dense<0.000000e+00> : vector<512x512xf32>
    %dot_general3A_407 = tpu.matmul %slice3A_402, %get3A_405, %dot_general3A_406 {dimension_numbers = #tpu.dot_dimension_numbers<[1], [0], [0], [1], [0, 0, 1, 1], [], []>, transpose_lhs_hint = false} : vector<512x64xf32>, vector<64x512xf32>, vector<512x512xf32> -> vector<512x512xf32>
    %mul3A_408 = arith.constant 2.000000e+00 : f32
    %mul3A_409 = vector.broadcast %mul3A_408 : f32 to vector<512x512xf32>
    %mul3A_410 = arith.mulf %mul3A_409, %dot_general3A_407 : vector<512x512xf32>
    %sub3A_411 = vector.broadcast %broadcast_in_dim3A_91 : vector<1x512xf32> to vector<512x512xf32>
    %sub3A_412 = arith.subf %sub3A_411, %mul3A_410 : vector<512x512xf32>
    %reduce_min3A_413 = arith.constant dense<0x7F800000> : vector<512xf32>
    %reduce_min3A_414 = vector.multi_reduction <minimumf>, %sub3A_412, %reduce_min3A_413 [1] : vector<512x512xf32> to vector<512xf32>
    %broadcast_in_dim3A_415 = vector.shape_cast %reduce_min3A_414 : vector<512xf32> to vector<512x1xf32>
    %iota3A_416 = tpu.iota {dimensions = array<i32: 1>} : vector<512x512xi32>
    %convert_element_type3A_417 = arith.sitofp %iota3A_416 : vector<512x512xi32> to vector<512x512xf32>
    %eq3A_418 = vector.broadcast %broadcast_in_dim3A_415 : vector<512x1xf32> to vector<512x512xf32>
    %eq3A_419 = arith.cmpf oeq, %sub3A_412, %eq3A_418 : vector<512x512xf32>
    %jit3A_420 = arith.constant 5.120000e+02 : f32
    %broadcast_in_dim3A_421 = vector.broadcast %jit3A_420 : f32 to vector<512x512xf32>
    %select_n3A_422 = arith.select %eq3A_419, %convert_element_type3A_417, %broadcast_in_dim3A_421 : vector<512x512xi1>, vector<512x512xf32>
    %reduce_min3A_423 = arith.constant dense<0x7F800000> : vector<512xf32>
    %reduce_min3A_424 = vector.multi_reduction <minimumf>, %select_n3A_422, %reduce_min3A_423 [1] : vector<512x512xf32> to vector<512xf32>
    %broadcast_in_dim3A_425 = vector.shape_cast %reduce_min3A_424 : vector<512xf32> to vector<512x1xf32>
    %eq3A_426 = vector.broadcast %broadcast_in_dim3A_425 : vector<512x1xf32> to vector<512x512xf32>
    %eq3A_427 = arith.cmpf oeq, %convert_element_type3A_417, %eq3A_426 : vector<512x512xf32>
    %jit3A_428 = arith.constant 1.000000e+00 : f32
    %jit3A_429 = arith.constant 0.000000e+00 : f32
    %broadcast_in_dim3A_430 = vector.broadcast %jit3A_428 : f32 to vector<512x512xf32>
    %broadcast_in_dim3A_431 = vector.broadcast %jit3A_429 : f32 to vector<512x512xf32>
    %select_n3A_432 = arith.select %eq3A_427, %broadcast_in_dim3A_430, %broadcast_in_dim3A_431 : vector<512x512xi1>, vector<512x512xf32>
    %reduce_sum3A_433 = arith.constant dense<0.000000e+00> : vector<512xf32>
    %reduce_sum3A_434 = vector.multi_reduction <add>, %select_n3A_432, %reduce_sum3A_433 [0] : vector<512x512xf32> to vector<512xf32>
    %broadcast_in_dim3A_435 = vector.shape_cast %reduce_sum3A_434 : vector<512xf32> to vector<1x512xf32>
    %add3A_436 = arith.addf %add3A_397, %broadcast_in_dim3A_435 : vector<1x512xf32>
    %squeeze3A_437 = vector.shape_cast %broadcast_in_dim3A_425 : vector<512x1xf32> to vector<512xf32>
    %convert_element_type3A_438 = arith.fptosi %squeeze3A_437 : vector<512xf32> to vector<512xi32>
    %swap3A_439 = arith.constant 4096 : index
    %swap3A_440 = vector.load %arg11[%swap3A_439] : memref<7168xi32, #tpu.memory_space<vmem>>, vector<512xi32>
    tpu.vector_store %arg11[%swap3A_439], %convert_element_type3A_438 {strides = array<i32>} : memref<7168xi32, #tpu.memory_space<vmem>>, vector<512xi32>,
    %slice3A_441 = vector.extract_strided_slice %add3A_81 {offsets = [4608, 0], sizes = [512, 64], strides = [1, 1]} : vector<7168x64xf32> to vector<512x64xf32>
    %get3A_442 = arith.constant 0 : index
    %get3A_443 = arith.constant 0 : index
    %get3A_444 = vector.load %arg9[%get3A_442, %get3A_443] : memref<64x512xf32, #tpu.memory_space<vmem>>, vector<64x512xf32>
    %dot_general3A_445 = arith.constant dense<0.000000e+00> : vector<512x512xf32>
    %dot_general3A_446 = tpu.matmul %slice3A_441, %get3A_444, %dot_general3A_445 {dimension_numbers = #tpu.dot_dimension_numbers<[1], [0], [0], [1], [0, 0, 1, 1], [], []>, transpose_lhs_hint = false} : vector<512x64xf32>, vector<64x512xf32>, vector<512x512xf32> -> vector<512x512xf32>
    %mul3A_447 = arith.constant 2.000000e+00 : f32
    %mul3A_448 = vector.broadcast %mul3A_447 : f32 to vector<512x512xf32>
    %mul3A_449 = arith.mulf %mul3A_448, %dot_general3A_446 : vector<512x512xf32>
    %sub3A_450 = vector.broadcast %broadcast_in_dim3A_91 : vector<1x512xf32> to vector<512x512xf32>
    %sub3A_451 = arith.subf %sub3A_450, %mul3A_449 : vector<512x512xf32>
    %reduce_min3A_452 = arith.constant dense<0x7F800000> : vector<512xf32>
    %reduce_min3A_453 = vector.multi_reduction <minimumf>, %sub3A_451, %reduce_min3A_452 [1] : vector<512x512xf32> to vector<512xf32>
    %broadcast_in_dim3A_454 = vector.shape_cast %reduce_min3A_453 : vector<512xf32> to vector<512x1xf32>
    %iota3A_455 = tpu.iota {dimensions = array<i32: 1>} : vector<512x512xi32>
    %convert_element_type3A_456 = arith.sitofp %iota3A_455 : vector<512x512xi32> to vector<512x512xf32>
    %eq3A_457 = vector.broadcast %broadcast_in_dim3A_454 : vector<512x1xf32> to vector<512x512xf32>
    %eq3A_458 = arith.cmpf oeq, %sub3A_451, %eq3A_457 : vector<512x512xf32>
    %jit3A_459 = arith.constant 5.120000e+02 : f32
    %broadcast_in_dim3A_460 = vector.broadcast %jit3A_459 : f32 to vector<512x512xf32>
    %select_n3A_461 = arith.select %eq3A_458, %convert_element_type3A_456, %broadcast_in_dim3A_460 : vector<512x512xi1>, vector<512x512xf32>
    %reduce_min3A_462 = arith.constant dense<0x7F800000> : vector<512xf32>
    %reduce_min3A_463 = vector.multi_reduction <minimumf>, %select_n3A_461, %reduce_min3A_462 [1] : vector<512x512xf32> to vector<512xf32>
    %broadcast_in_dim3A_464 = vector.shape_cast %reduce_min3A_463 : vector<512xf32> to vector<512x1xf32>
    %eq3A_465 = vector.broadcast %broadcast_in_dim3A_464 : vector<512x1xf32> to vector<512x512xf32>
    %eq3A_466 = arith.cmpf oeq, %convert_element_type3A_456, %eq3A_465 : vector<512x512xf32>
    %jit3A_467 = arith.constant 1.000000e+00 : f32
    %jit3A_468 = arith.constant 0.000000e+00 : f32
    %broadcast_in_dim3A_469 = vector.broadcast %jit3A_467 : f32 to vector<512x512xf32>
    %broadcast_in_dim3A_470 = vector.broadcast %jit3A_468 : f32 to vector<512x512xf32>
    %select_n3A_471 = arith.select %eq3A_466, %broadcast_in_dim3A_469, %broadcast_in_dim3A_470 : vector<512x512xi1>, vector<512x512xf32>
    %reduce_sum3A_472 = arith.constant dense<0.000000e+00> : vector<512xf32>
    %reduce_sum3A_473 = vector.multi_reduction <add>, %select_n3A_471, %reduce_sum3A_472 [0] : vector<512x512xf32> to vector<512xf32>
    %broadcast_in_dim3A_474 = vector.shape_cast %reduce_sum3A_473 : vector<512xf32> to vector<1x512xf32>
    %add3A_475 = arith.addf %add3A_436, %broadcast_in_dim3A_474 : vector<1x512xf32>
    %squeeze3A_476 = vector.shape_cast %broadcast_in_dim3A_464 : vector<512x1xf32> to vector<512xf32>
    %convert_element_type3A_477 = arith.fptosi %squeeze3A_476 : vector<512xf32> to vector<512xi32>
    %swap3A_478 = arith.constant 4608 : index
    %swap3A_479 = vector.load %arg11[%swap3A_478] : memref<7168xi32, #tpu.memory_space<vmem>>, vector<512xi32>
    tpu.vector_store %arg11[%swap3A_478], %convert_element_type3A_477 {strides = array<i32>} : memref<7168xi32, #tpu.memory_space<vmem>>, vector<512xi32>,
    %slice3A_480 = vector.extract_strided_slice %add3A_81 {offsets = [5120, 0], sizes = [512, 64], strides = [1, 1]} : vector<7168x64xf32> to vector<512x64xf32>
    %get3A_481 = arith.constant 0 : index
    %get3A_482 = arith.constant 0 : index
    %get3A_483 = vector.load %arg9[%get3A_481, %get3A_482] : memref<64x512xf32, #tpu.memory_space<vmem>>, vector<64x512xf32>
    %dot_general3A_484 = arith.constant dense<0.000000e+00> : vector<512x512xf32>
    %dot_general3A_485 = tpu.matmul %slice3A_480, %get3A_483, %dot_general3A_484 {dimension_numbers = #tpu.dot_dimension_numbers<[1], [0], [0], [1], [0, 0, 1, 1], [], []>, transpose_lhs_hint = false} : vector<512x64xf32>, vector<64x512xf32>, vector<512x512xf32> -> vector<512x512xf32>
    %mul3A_486 = arith.constant 2.000000e+00 : f32
    %mul3A_487 = vector.broadcast %mul3A_486 : f32 to vector<512x512xf32>
    %mul3A_488 = arith.mulf %mul3A_487, %dot_general3A_485 : vector<512x512xf32>
    %sub3A_489 = vector.broadcast %broadcast_in_dim3A_91 : vector<1x512xf32> to vector<512x512xf32>
    %sub3A_490 = arith.subf %sub3A_489, %mul3A_488 : vector<512x512xf32>
    %reduce_min3A_491 = arith.constant dense<0x7F800000> : vector<512xf32>
    %reduce_min3A_492 = vector.multi_reduction <minimumf>, %sub3A_490, %reduce_min3A_491 [1] : vector<512x512xf32> to vector<512xf32>
    %broadcast_in_dim3A_493 = vector.shape_cast %reduce_min3A_492 : vector<512xf32> to vector<512x1xf32>
    %iota3A_494 = tpu.iota {dimensions = array<i32: 1>} : vector<512x512xi32>
    %convert_element_type3A_495 = arith.sitofp %iota3A_494 : vector<512x512xi32> to vector<512x512xf32>
    %eq3A_496 = vector.broadcast %broadcast_in_dim3A_493 : vector<512x1xf32> to vector<512x512xf32>
    %eq3A_497 = arith.cmpf oeq, %sub3A_490, %eq3A_496 : vector<512x512xf32>
    %jit3A_498 = arith.constant 5.120000e+02 : f32
    %broadcast_in_dim3A_499 = vector.broadcast %jit3A_498 : f32 to vector<512x512xf32>
    %select_n3A_500 = arith.select %eq3A_497, %convert_element_type3A_495, %broadcast_in_dim3A_499 : vector<512x512xi1>, vector<512x512xf32>
    %reduce_min3A_501 = arith.constant dense<0x7F800000> : vector<512xf32>
    %reduce_min3A_502 = vector.multi_reduction <minimumf>, %select_n3A_500, %reduce_min3A_501 [1] : vector<512x512xf32> to vector<512xf32>
    %broadcast_in_dim3A_503 = vector.shape_cast %reduce_min3A_502 : vector<512xf32> to vector<512x1xf32>
    %eq3A_504 = vector.broadcast %broadcast_in_dim3A_503 : vector<512x1xf32> to vector<512x512xf32>
    %eq3A_505 = arith.cmpf oeq, %convert_element_type3A_495, %eq3A_504 : vector<512x512xf32>
    %jit3A_506 = arith.constant 1.000000e+00 : f32
    %jit3A_507 = arith.constant 0.000000e+00 : f32
    %broadcast_in_dim3A_508 = vector.broadcast %jit3A_506 : f32 to vector<512x512xf32>
    %broadcast_in_dim3A_509 = vector.broadcast %jit3A_507 : f32 to vector<512x512xf32>
    %select_n3A_510 = arith.select %eq3A_505, %broadcast_in_dim3A_508, %broadcast_in_dim3A_509 : vector<512x512xi1>, vector<512x512xf32>
    %reduce_sum3A_511 = arith.constant dense<0.000000e+00> : vector<512xf32>
    %reduce_sum3A_512 = vector.multi_reduction <add>, %select_n3A_510, %reduce_sum3A_511 [0] : vector<512x512xf32> to vector<512xf32>
    %broadcast_in_dim3A_513 = vector.shape_cast %reduce_sum3A_512 : vector<512xf32> to vector<1x512xf32>
    %add3A_514 = arith.addf %add3A_475, %broadcast_in_dim3A_513 : vector<1x512xf32>
    %squeeze3A_515 = vector.shape_cast %broadcast_in_dim3A_503 : vector<512x1xf32> to vector<512xf32>
    %convert_element_type3A_516 = arith.fptosi %squeeze3A_515 : vector<512xf32> to vector<512xi32>
    %swap3A_517 = arith.constant 5120 : index
    %swap3A_518 = vector.load %arg11[%swap3A_517] : memref<7168xi32, #tpu.memory_space<vmem>>, vector<512xi32>
    tpu.vector_store %arg11[%swap3A_517], %convert_element_type3A_516 {strides = array<i32>} : memref<7168xi32, #tpu.memory_space<vmem>>, vector<512xi32>,
    %slice3A_519 = vector.extract_strided_slice %add3A_81 {offsets = [5632, 0], sizes = [512, 64], strides = [1, 1]} : vector<7168x64xf32> to vector<512x64xf32>
    %get3A_520 = arith.constant 0 : index
    %get3A_521 = arith.constant 0 : index
    %get3A_522 = vector.load %arg9[%get3A_520, %get3A_521] : memref<64x512xf32, #tpu.memory_space<vmem>>, vector<64x512xf32>
    %dot_general3A_523 = arith.constant dense<0.000000e+00> : vector<512x512xf32>
    %dot_general3A_524 = tpu.matmul %slice3A_519, %get3A_522, %dot_general3A_523 {dimension_numbers = #tpu.dot_dimension_numbers<[1], [0], [0], [1], [0, 0, 1, 1], [], []>, transpose_lhs_hint = false} : vector<512x64xf32>, vector<64x512xf32>, vector<512x512xf32> -> vector<512x512xf32>
    %mul3A_525 = arith.constant 2.000000e+00 : f32
    %mul3A_526 = vector.broadcast %mul3A_525 : f32 to vector<512x512xf32>
    %mul3A_527 = arith.mulf %mul3A_526, %dot_general3A_524 : vector<512x512xf32>
    %sub3A_528 = vector.broadcast %broadcast_in_dim3A_91 : vector<1x512xf32> to vector<512x512xf32>
    %sub3A_529 = arith.subf %sub3A_528, %mul3A_527 : vector<512x512xf32>
    %reduce_min3A_530 = arith.constant dense<0x7F800000> : vector<512xf32>
    %reduce_min3A_531 = vector.multi_reduction <minimumf>, %sub3A_529, %reduce_min3A_530 [1] : vector<512x512xf32> to vector<512xf32>
    %broadcast_in_dim3A_532 = vector.shape_cast %reduce_min3A_531 : vector<512xf32> to vector<512x1xf32>
    %iota3A_533 = tpu.iota {dimensions = array<i32: 1>} : vector<512x512xi32>
    %convert_element_type3A_534 = arith.sitofp %iota3A_533 : vector<512x512xi32> to vector<512x512xf32>
    %eq3A_535 = vector.broadcast %broadcast_in_dim3A_532 : vector<512x1xf32> to vector<512x512xf32>
    %eq3A_536 = arith.cmpf oeq, %sub3A_529, %eq3A_535 : vector<512x512xf32>
    %jit3A_537 = arith.constant 5.120000e+02 : f32
    %broadcast_in_dim3A_538 = vector.broadcast %jit3A_537 : f32 to vector<512x512xf32>
    %select_n3A_539 = arith.select %eq3A_536, %convert_element_type3A_534, %broadcast_in_dim3A_538 : vector<512x512xi1>, vector<512x512xf32>
    %reduce_min3A_540 = arith.constant dense<0x7F800000> : vector<512xf32>
    %reduce_min3A_541 = vector.multi_reduction <minimumf>, %select_n3A_539, %reduce_min3A_540 [1] : vector<512x512xf32> to vector<512xf32>
    %broadcast_in_dim3A_542 = vector.shape_cast %reduce_min3A_541 : vector<512xf32> to vector<512x1xf32>
    %eq3A_543 = vector.broadcast %broadcast_in_dim3A_542 : vector<512x1xf32> to vector<512x512xf32>
    %eq3A_544 = arith.cmpf oeq, %convert_element_type3A_534, %eq3A_543 : vector<512x512xf32>
    %jit3A_545 = arith.constant 1.000000e+00 : f32
    %jit3A_546 = arith.constant 0.000000e+00 : f32
    %broadcast_in_dim3A_547 = vector.broadcast %jit3A_545 : f32 to vector<512x512xf32>
    %broadcast_in_dim3A_548 = vector.broadcast %jit3A_546 : f32 to vector<512x512xf32>
    %select_n3A_549 = arith.select %eq3A_544, %broadcast_in_dim3A_547, %broadcast_in_dim3A_548 : vector<512x512xi1>, vector<512x512xf32>
    %reduce_sum3A_550 = arith.constant dense<0.000000e+00> : vector<512xf32>
    %reduce_sum3A_551 = vector.multi_reduction <add>, %select_n3A_549, %reduce_sum3A_550 [0] : vector<512x512xf32> to vector<512xf32>
    %broadcast_in_dim3A_552 = vector.shape_cast %reduce_sum3A_551 : vector<512xf32> to vector<1x512xf32>
    %add3A_553 = arith.addf %add3A_514, %broadcast_in_dim3A_552 : vector<1x512xf32>
    %squeeze3A_554 = vector.shape_cast %broadcast_in_dim3A_542 : vector<512x1xf32> to vector<512xf32>
    %convert_element_type3A_555 = arith.fptosi %squeeze3A_554 : vector<512xf32> to vector<512xi32>
    %swap3A_556 = arith.constant 5632 : index
    %swap3A_557 = vector.load %arg11[%swap3A_556] : memref<7168xi32, #tpu.memory_space<vmem>>, vector<512xi32>
    tpu.vector_store %arg11[%swap3A_556], %convert_element_type3A_555 {strides = array<i32>} : memref<7168xi32, #tpu.memory_space<vmem>>, vector<512xi32>,
    %slice3A_558 = vector.extract_strided_slice %add3A_81 {offsets = [6144, 0], sizes = [512, 64], strides = [1, 1]} : vector<7168x64xf32> to vector<512x64xf32>
    %get3A_559 = arith.constant 0 : index
    %get3A_560 = arith.constant 0 : index
    %get3A_561 = vector.load %arg9[%get3A_559, %get3A_560] : memref<64x512xf32, #tpu.memory_space<vmem>>, vector<64x512xf32>
    %dot_general3A_562 = arith.constant dense<0.000000e+00> : vector<512x512xf32>
    %dot_general3A_563 = tpu.matmul %slice3A_558, %get3A_561, %dot_general3A_562 {dimension_numbers = #tpu.dot_dimension_numbers<[1], [0], [0], [1], [0, 0, 1, 1], [], []>, transpose_lhs_hint = false} : vector<512x64xf32>, vector<64x512xf32>, vector<512x512xf32> -> vector<512x512xf32>
    %mul3A_564 = arith.constant 2.000000e+00 : f32
    %mul3A_565 = vector.broadcast %mul3A_564 : f32 to vector<512x512xf32>
    %mul3A_566 = arith.mulf %mul3A_565, %dot_general3A_563 : vector<512x512xf32>
    %sub3A_567 = vector.broadcast %broadcast_in_dim3A_91 : vector<1x512xf32> to vector<512x512xf32>
    %sub3A_568 = arith.subf %sub3A_567, %mul3A_566 : vector<512x512xf32>
    %reduce_min3A_569 = arith.constant dense<0x7F800000> : vector<512xf32>
    %reduce_min3A_570 = vector.multi_reduction <minimumf>, %sub3A_568, %reduce_min3A_569 [1] : vector<512x512xf32> to vector<512xf32>
    %broadcast_in_dim3A_571 = vector.shape_cast %reduce_min3A_570 : vector<512xf32> to vector<512x1xf32>
    %iota3A_572 = tpu.iota {dimensions = array<i32: 1>} : vector<512x512xi32>
    %convert_element_type3A_573 = arith.sitofp %iota3A_572 : vector<512x512xi32> to vector<512x512xf32>
    %eq3A_574 = vector.broadcast %broadcast_in_dim3A_571 : vector<512x1xf32> to vector<512x512xf32>
    %eq3A_575 = arith.cmpf oeq, %sub3A_568, %eq3A_574 : vector<512x512xf32>
    %jit3A_576 = arith.constant 5.120000e+02 : f32
    %broadcast_in_dim3A_577 = vector.broadcast %jit3A_576 : f32 to vector<512x512xf32>
    %select_n3A_578 = arith.select %eq3A_575, %convert_element_type3A_573, %broadcast_in_dim3A_577 : vector<512x512xi1>, vector<512x512xf32>
    %reduce_min3A_579 = arith.constant dense<0x7F800000> : vector<512xf32>
    %reduce_min3A_580 = vector.multi_reduction <minimumf>, %select_n3A_578, %reduce_min3A_579 [1] : vector<512x512xf32> to vector<512xf32>
    %broadcast_in_dim3A_581 = vector.shape_cast %reduce_min3A_580 : vector<512xf32> to vector<512x1xf32>
    %eq3A_582 = vector.broadcast %broadcast_in_dim3A_581 : vector<512x1xf32> to vector<512x512xf32>
    %eq3A_583 = arith.cmpf oeq, %convert_element_type3A_573, %eq3A_582 : vector<512x512xf32>
    %jit3A_584 = arith.constant 1.000000e+00 : f32
    %jit3A_585 = arith.constant 0.000000e+00 : f32
    %broadcast_in_dim3A_586 = vector.broadcast %jit3A_584 : f32 to vector<512x512xf32>
    %broadcast_in_dim3A_587 = vector.broadcast %jit3A_585 : f32 to vector<512x512xf32>
    %select_n3A_588 = arith.select %eq3A_583, %broadcast_in_dim3A_586, %broadcast_in_dim3A_587 : vector<512x512xi1>, vector<512x512xf32>
    %reduce_sum3A_589 = arith.constant dense<0.000000e+00> : vector<512xf32>
    %reduce_sum3A_590 = vector.multi_reduction <add>, %select_n3A_588, %reduce_sum3A_589 [0] : vector<512x512xf32> to vector<512xf32>
    %broadcast_in_dim3A_591 = vector.shape_cast %reduce_sum3A_590 : vector<512xf32> to vector<1x512xf32>
    %add3A_592 = arith.addf %add3A_553, %broadcast_in_dim3A_591 : vector<1x512xf32>
    %squeeze3A_593 = vector.shape_cast %broadcast_in_dim3A_581 : vector<512x1xf32> to vector<512xf32>
    %convert_element_type3A_594 = arith.fptosi %squeeze3A_593 : vector<512xf32> to vector<512xi32>
    %swap3A_595 = arith.constant 6144 : index
    %swap3A_596 = vector.load %arg11[%swap3A_595] : memref<7168xi32, #tpu.memory_space<vmem>>, vector<512xi32>
    tpu.vector_store %arg11[%swap3A_595], %convert_element_type3A_594 {strides = array<i32>} : memref<7168xi32, #tpu.memory_space<vmem>>, vector<512xi32>,
    %slice3A_597 = vector.extract_strided_slice %add3A_81 {offsets = [6656, 0], sizes = [512, 64], strides = [1, 1]} : vector<7168x64xf32> to vector<512x64xf32>
    %get3A_598 = arith.constant 0 : index
    %get3A_599 = arith.constant 0 : index
    %get3A_600 = vector.load %arg9[%get3A_598, %get3A_599] : memref<64x512xf32, #tpu.memory_space<vmem>>, vector<64x512xf32>
    %dot_general3A_601 = arith.constant dense<0.000000e+00> : vector<512x512xf32>
    %dot_general3A_602 = tpu.matmul %slice3A_597, %get3A_600, %dot_general3A_601 {dimension_numbers = #tpu.dot_dimension_numbers<[1], [0], [0], [1], [0, 0, 1, 1], [], []>, transpose_lhs_hint = false} : vector<512x64xf32>, vector<64x512xf32>, vector<512x512xf32> -> vector<512x512xf32>
    %mul3A_603 = arith.constant 2.000000e+00 : f32
    %mul3A_604 = vector.broadcast %mul3A_603 : f32 to vector<512x512xf32>
    %mul3A_605 = arith.mulf %mul3A_604, %dot_general3A_602 : vector<512x512xf32>
    %sub3A_606 = vector.broadcast %broadcast_in_dim3A_91 : vector<1x512xf32> to vector<512x512xf32>
    %sub3A_607 = arith.subf %sub3A_606, %mul3A_605 : vector<512x512xf32>
    %reduce_min3A_608 = arith.constant dense<0x7F800000> : vector<512xf32>
    %reduce_min3A_609 = vector.multi_reduction <minimumf>, %sub3A_607, %reduce_min3A_608 [1] : vector<512x512xf32> to vector<512xf32>
    %broadcast_in_dim3A_610 = vector.shape_cast %reduce_min3A_609 : vector<512xf32> to vector<512x1xf32>
    %iota3A_611 = tpu.iota {dimensions = array<i32: 1>} : vector<512x512xi32>
    %convert_element_type3A_612 = arith.sitofp %iota3A_611 : vector<512x512xi32> to vector<512x512xf32>
    %eq3A_613 = vector.broadcast %broadcast_in_dim3A_610 : vector<512x1xf32> to vector<512x512xf32>
    %eq3A_614 = arith.cmpf oeq, %sub3A_607, %eq3A_613 : vector<512x512xf32>
    %jit3A_615 = arith.constant 5.120000e+02 : f32
    %broadcast_in_dim3A_616 = vector.broadcast %jit3A_615 : f32 to vector<512x512xf32>
    %select_n3A_617 = arith.select %eq3A_614, %convert_element_type3A_612, %broadcast_in_dim3A_616 : vector<512x512xi1>, vector<512x512xf32>
    %reduce_min3A_618 = arith.constant dense<0x7F800000> : vector<512xf32>
    %reduce_min3A_619 = vector.multi_reduction <minimumf>, %select_n3A_617, %reduce_min3A_618 [1] : vector<512x512xf32> to vector<512xf32>
    %broadcast_in_dim3A_620 = vector.shape_cast %reduce_min3A_619 : vector<512xf32> to vector<512x1xf32>
    %eq3A_621 = vector.broadcast %broadcast_in_dim3A_620 : vector<512x1xf32> to vector<512x512xf32>
    %eq3A_622 = arith.cmpf oeq, %convert_element_type3A_612, %eq3A_621 : vector<512x512xf32>
    %jit3A_623 = arith.constant 1.000000e+00 : f32
    %jit3A_624 = arith.constant 0.000000e+00 : f32
    %broadcast_in_dim3A_625 = vector.broadcast %jit3A_623 : f32 to vector<512x512xf32>
    %broadcast_in_dim3A_626 = vector.broadcast %jit3A_624 : f32 to vector<512x512xf32>
    %select_n3A_627 = arith.select %eq3A_622, %broadcast_in_dim3A_625, %broadcast_in_dim3A_626 : vector<512x512xi1>, vector<512x512xf32>
    %reduce_sum3A_628 = arith.constant dense<0.000000e+00> : vector<512xf32>
    %reduce_sum3A_629 = vector.multi_reduction <add>, %select_n3A_627, %reduce_sum3A_628 [0] : vector<512x512xf32> to vector<512xf32>
    %broadcast_in_dim3A_630 = vector.shape_cast %reduce_sum3A_629 : vector<512xf32> to vector<1x512xf32>
    %add3A_631 = arith.addf %add3A_592, %broadcast_in_dim3A_630 : vector<1x512xf32>
    %squeeze3A_632 = vector.shape_cast %broadcast_in_dim3A_620 : vector<512x1xf32> to vector<512xf32>
    %convert_element_type3A_633 = arith.fptosi %squeeze3A_632 : vector<512xf32> to vector<512xi32>
    %swap3A_634 = arith.constant 6656 : index
    %swap3A_635 = vector.load %arg11[%swap3A_634] : memref<7168xi32, #tpu.memory_space<vmem>>, vector<512xi32>
    tpu.vector_store %arg11[%swap3A_634], %convert_element_type3A_633 {strides = array<i32>} : memref<7168xi32, #tpu.memory_space<vmem>>, vector<512xi32>,
    %reshape3A_636 = vector.shape_cast %add3A_631 : vector<1x512xf32> to vector<1x1x512xf32>
    %swap3A_637 = arith.constant 0 : index
    %swap3A_638 = arith.constant 0 : index
    %swap3A_639 = arith.constant 0 : index
    %swap3A_640 = vector.load %arg12[%swap3A_637, %swap3A_638, %swap3A_639] : memref<1x1x512xf32, #tpu.memory_space<vmem>>, vector<1x1x512xf32>
    tpu.vector_store %arg12[%swap3A_637, %swap3A_638, %swap3A_639], %reshape3A_636 {strides = array<i32>} : memref<1x1x512xf32, #tpu.memory_space<vmem>>, vector<1x1x512xf32>,
    return
  }
  func.func @transform_0(%arg0: i32, %arg1: i32) -> (i32, i32, i32, i32) {
    %mul3A = arith.constant 4 : i32
    %mul3A_0 = arith.muli %arg1, %mul3A : i32
    %sub3A = arith.constant 1 : i32
    %sub3A_1 = arith.subi %mul3A_0, %sub3A : i32
    %max3A = arith.constant 0 : i32
    %max3A_2 = arith.maxsi %sub3A_1, %max3A : i32
    %c0_i32 = arith.constant 0 : i32
    %c0_i32_3 = arith.constant 0 : i32
    %c0_i32_4 = arith.constant 0 : i32
    return %arg0, %max3A_2, %c0_i32, %c0_i32_3 : i32, i32, i32, i32
  }
  func.func @transform_1(%arg0: i32, %arg1: i32) -> (i32, i32, i32, i32) {
    %c0_i32 = arith.constant 0 : i32
    %c0_i32_0 = arith.constant 0 : i32
    %c0_i32_1 = arith.constant 0 : i32
    return %arg0, %arg1, %c0_i32, %c0_i32_0 : i32, i32, i32, i32
  }
  func.func @transform_2(%arg0: i32, %arg1: i32) -> (i32, i32, i32, i32) {
    %mul3A = arith.constant 4 : i32
    %mul3A_0 = arith.muli %arg1, %mul3A : i32
    %add3A = arith.constant 4 : i32
    %add3A_1 = arith.addi %mul3A_0, %add3A : i32
    %min3A = arith.constant 27 : i32
    %min3A_2 = arith.minsi %add3A_1, %min3A : i32
    %c0_i32 = arith.constant 0 : i32
    %c0_i32_3 = arith.constant 0 : i32
    %c0_i32_4 = arith.constant 0 : i32
    return %arg0, %min3A_2, %c0_i32, %c0_i32_3 : i32, i32, i32, i32
  }
  func.func @transform_3(%arg0: i32, %arg1: i32) -> (i32, i32, i32) {
    %c0_i32 = arith.constant 0 : i32
    %c0_i32_0 = arith.constant 0 : i32
    %c0_i32_1 = arith.constant 0 : i32
    %c0_i32_2 = arith.constant 0 : i32
    return %c0_i32, %c0_i32_0, %c0_i32_1 : i32, i32, i32
  }
  func.func @transform_4(%arg0: i32, %arg1: i32) -> (i32, i32) {
    %c0_i32 = arith.constant 0 : i32
    %c0_i32_0 = arith.constant 0 : i32
    %c0_i32_1 = arith.constant 0 : i32
    return %c0_i32, %c0_i32_0 : i32, i32
  }
  func.func @transform_5(%arg0: i32, %arg1: i32) -> (i32, i32) {
    %c0_i32 = arith.constant 0 : i32
    %c0_i32_0 = arith.constant 0 : i32
    %c0_i32_1 = arith.constant 0 : i32
    return %c0_i32, %c0_i32_0 : i32, i32
  }
  func.func @transform_6(%arg0: i32, %arg1: i32) -> (i32, i32) {
    %c0_i32 = arith.constant 0 : i32
    %c0_i32_0 = arith.constant 0 : i32
    %c0_i32_1 = arith.constant 0 : i32
    return %c0_i32, %c0_i32_0 : i32, i32
  }
  func.func @transform_7(%arg0: i32, %arg1: i32) -> (i32, i32) {
    %c0_i32 = arith.constant 0 : i32
    %c0_i32_0 = arith.constant 0 : i32
    %c0_i32_1 = arith.constant 0 : i32
    return %c0_i32, %c0_i32_0 : i32, i32
  }
  func.func @transform_8(%arg0: i32, %arg1: i32) -> (i32, i32) {
    %mul3A = arith.constant 7 : i32
    %mul3A_0 = arith.muli %arg0, %mul3A : i32
    %add3A = arith.addi %mul3A_0, %arg1 : i32
    %c0_i32 = arith.constant 0 : i32
    %c0_i32_1 = arith.constant 0 : i32
    return %add3A, %c0_i32 : i32, i32
  }
  func.func @transform_9(%arg0: i32, %arg1: i32) -> i32 {
    %mul3A = arith.constant 7 : i32
    %mul3A_0 = arith.muli %arg0, %mul3A : i32
    %add3A = arith.addi %mul3A_0, %arg1 : i32
    %c0_i32 = arith.constant 0 : i32
    return %add3A : i32
  }
  func.func @transform_10(%arg0: i32, %arg1: i32) -> (i32, i32, i32) {
    %mul3A = arith.constant 7 : i32
    %mul3A_0 = arith.muli %arg0, %mul3A : i32
    %add3A = arith.addi %mul3A_0, %arg1 : i32
    %c0_i32 = arith.constant 0 : i32
    %c0_i32_1 = arith.constant 0 : i32
    %c0_i32_2 = arith.constant 0 : i32
    return %add3A, %c0_i32, %c0_i32_1 : i32, i32, i32
  }
}

module attributes {stable_mosaic.version = 14 : i64} {
  func.func @_k1_body(%arg0: i32, %arg1: i32, %arg2: memref<1x8x224x3xf32, #tpu.memory_space<vmem>>, %arg3: memref<1x16x224x3xf32, #tpu.memory_space<vmem>>, %arg4: memref<1x8x224x3xf32, #tpu.memory_space<vmem>>, %arg5: memref<3x9x64xf32, #tpu.memory_space<vmem>>, %arg6: memref<1x64xf32, #tpu.memory_space<vmem>>, %arg7: memref<1x16x224x64xf32, #tpu.memory_space<vmem>>) attributes {dimension_semantics = [#tpu.dimension_semantics<arbitrary>, #tpu.dimension_semantics<arbitrary>], iteration_bounds = array<i64: 2, 14>, scalar_prefetch = 0 : i64, scratch_operands = 0 : i64, tpu.core_type = #tpu.core_type<tc>, window_params = [{transform_indices = @transform_0, window_bounds = array<i64: 1, 8, 224, 3>}, {transform_indices = @transform_1, window_bounds = array<i64: 1, 16, 224, 3>}, {transform_indices = @transform_2, window_bounds = array<i64: 1, 8, 224, 3>}, {pipeline_mode = #tpu.pipeline_mode<synchronous>, transform_indices = @transform_3, window_bounds = array<i64: 3, 9, 64>}, {pipeline_mode = #tpu.pipeline_mode<synchronous>, transform_indices = @transform_4, window_bounds = array<i64: 1, 64>}, {transform_indices = @transform_5, window_bounds = array<i64: 1, 16, 224, 64>}]} {
    %get3A = arith.constant 0 : index
    %get3A_0 = arith.constant 0 : index
    %get3A_1 = arith.constant 0 : index
    %get3A_2 = arith.constant 0 : index
    %get3A_3 = vector.load %arg2[%get3A, %get3A_0, %get3A_1, %get3A_2] : memref<1x8x224x3xf32, #tpu.memory_space<vmem>>, vector<1x8x224x3xf32>
    %get3A_4 = vector.shape_cast %get3A_3 : vector<1x8x224x3xf32> to vector<8x224x3xf32>
    %get3A_5 = arith.constant 0 : index
    %get3A_6 = arith.constant 0 : index
    %get3A_7 = arith.constant 0 : index
    %get3A_8 = arith.constant 0 : index
    %get3A_9 = vector.load %arg3[%get3A_5, %get3A_6, %get3A_7, %get3A_8] : memref<1x16x224x3xf32, #tpu.memory_space<vmem>>, vector<1x16x224x3xf32>
    %get3A_10 = vector.shape_cast %get3A_9 : vector<1x16x224x3xf32> to vector<16x224x3xf32>
    %get3A_11 = arith.constant 0 : index
    %get3A_12 = arith.constant 0 : index
    %get3A_13 = arith.constant 0 : index
    %get3A_14 = arith.constant 0 : index
    %get3A_15 = vector.load %arg4[%get3A_11, %get3A_12, %get3A_13, %get3A_14] : memref<1x8x224x3xf32, #tpu.memory_space<vmem>>, vector<1x8x224x3xf32>
    %get3A_16 = vector.shape_cast %get3A_15 : vector<1x8x224x3xf32> to vector<8x224x3xf32>
    %slice3A = vector.extract_strided_slice %get3A_4 {offsets = [7, 0, 0], sizes = [1, 224, 3], strides = [1, 1, 1]} : vector<8x224x3xf32> to vector<1x224x3xf32>
    %slice3A_17 = vector.extract_strided_slice %get3A_16 {offsets = [0, 0, 0], sizes = [1, 224, 3], strides = [1, 1, 1]} : vector<8x224x3xf32> to vector<1x224x3xf32>
    %concatenate3A = tpu.concatenate %slice3A, %get3A_10, %slice3A_17 in 0 : vector<1x224x3xf32>, vector<16x224x3xf32>, vector<1x224x3xf32> -> vector<18x224x3xf32>
    %iota3A = tpu.iota {dimensions = array<i32: 0>} : vector<18x1x1xi32>
    %eq3A = arith.constant 0 : i32
    %eq3A_18 = vector.broadcast %eq3A : i32 to vector<18x1x1xi32>
    %eq3A_19 = arith.cmpi eq, %iota3A, %eq3A_18 : vector<18x1x1xi32>
    %eq3A_20 = arith.constant 0 : i32
    %eq3A_21 = arith.cmpi eq, %arg1, %eq3A_20 : i32
    %and3A = vector.broadcast %eq3A_21 : i1 to vector<18x1x1xi1>
    %and3A_22 = arith.andi %eq3A_19, %and3A : vector<18x1x1xi1>
    %eq3A_23 = arith.constant 17 : i32
    %eq3A_24 = vector.broadcast %eq3A_23 : i32 to vector<18x1x1xi32>
    %eq3A_25 = arith.cmpi eq, %iota3A, %eq3A_24 : vector<18x1x1xi32>
    %eq3A_26 = arith.constant 13 : i32
    %eq3A_27 = arith.cmpi eq, %arg1, %eq3A_26 : i32
    %and3A_28 = vector.broadcast %eq3A_27 : i1 to vector<18x1x1xi1>
    %and3A_29 = arith.andi %eq3A_25, %and3A_28 : vector<18x1x1xi1>
    %or3A = arith.ori %and3A_22, %and3A_29 : vector<18x1x1xi1>
    %jit3A = arith.constant 0.000000e+00 : f32
    %broadcast_in_dim3A = vector.shape_cast %or3A : vector<18x1x1xi1> to vector<18x1x1xi1>
    %broadcast_in_dim3A_30 = vector.broadcast %broadcast_in_dim3A : vector<18x1x1xi1> to vector<18x224x3xi1>
    %broadcast_in_dim3A_31 = vector.broadcast %jit3A : f32 to vector<18x224x3xf32>
    %select_n3A = arith.select %broadcast_in_dim3A_30, %broadcast_in_dim3A_31, %concatenate3A : vector<18x224x3xi1>, vector<18x224x3xf32>
    %broadcast_in_dim3A_32 = arith.constant 0.000000e+00 : f32
    %broadcast_in_dim3A_33 = vector.broadcast %broadcast_in_dim3A_32 : f32 to vector<18x1x3xf32>
    %concatenate3A_34 = tpu.concatenate %broadcast_in_dim3A_33, %select_n3A, %broadcast_in_dim3A_33 in 1 : vector<18x1x3xf32>, vector<18x224x3xf32>, vector<18x1x3xf32> -> vector<18x226x3xf32>
    %slice3A_35 = vector.extract_strided_slice %concatenate3A_34 {offsets = [0, 0, 0], sizes = [18, 224, 3], strides = [1, 1, 1]} : vector<18x226x3xf32> to vector<18x224x3xf32>
    %slice3A_36 = vector.extract_strided_slice %concatenate3A_34 {offsets = [0, 1, 0], sizes = [18, 224, 3], strides = [1, 1, 1]} : vector<18x226x3xf32> to vector<18x224x3xf32>
    %slice3A_37 = vector.extract_strided_slice %concatenate3A_34 {offsets = [0, 2, 0], sizes = [18, 224, 3], strides = [1, 1, 1]} : vector<18x226x3xf32> to vector<18x224x3xf32>
    %concatenate3A_38 = tpu.concatenate %slice3A_35, %slice3A_36, %slice3A_37 in 2 : vector<18x224x3xf32>, vector<18x224x3xf32>, vector<18x224x3xf32> -> vector<18x224x9xf32>
    %slice3A_39 = vector.extract_strided_slice %concatenate3A_38 {offsets = [0, 0, 0], sizes = [16, 224, 9], strides = [1, 1, 1]} : vector<18x224x9xf32> to vector<16x224x9xf32>
    %reshape3A = vector.shape_cast %slice3A_39 : vector<16x224x9xf32> to vector<3584x9xf32>
    %get3A_40 = arith.constant 0 : index
    %get3A_41 = arith.constant 0 : index
    %get3A_42 = arith.constant 0 : index
    %get3A_43 = vector.load %arg5[%get3A_40, %get3A_41, %get3A_42] : memref<3x9x64xf32, #tpu.memory_space<vmem>>, vector<1x9x64xf32>
    %get3A_44 = vector.shape_cast %get3A_43 : vector<1x9x64xf32> to vector<9x64xf32>
    %dot_general3A = arith.constant dense<0.000000e+00> : vector<3584x64xf32>
    %dot_general3A_45 = tpu.matmul %reshape3A, %get3A_44, %dot_general3A {dimension_numbers = #tpu.dot_dimension_numbers<[1], [0], [0], [1], [0, 0, 1, 1], [], []>, transpose_lhs_hint = false} : vector<3584x9xf32>, vector<9x64xf32>, vector<3584x64xf32> -> vector<3584x64xf32>
    %slice3A_46 = vector.extract_strided_slice %concatenate3A_38 {offsets = [1, 0, 0], sizes = [16, 224, 9], strides = [1, 1, 1]} : vector<18x224x9xf32> to vector<16x224x9xf32>
    %reshape3A_47 = vector.shape_cast %slice3A_46 : vector<16x224x9xf32> to vector<3584x9xf32>
    %get3A_48 = arith.constant 1 : index
    %get3A_49 = arith.constant 0 : index
    %get3A_50 = arith.constant 0 : index
    %get3A_51 = vector.load %arg5[%get3A_48, %get3A_49, %get3A_50] : memref<3x9x64xf32, #tpu.memory_space<vmem>>, vector<1x9x64xf32>
    %get3A_52 = vector.shape_cast %get3A_51 : vector<1x9x64xf32> to vector<9x64xf32>
    %dot_general3A_53 = arith.constant dense<0.000000e+00> : vector<3584x64xf32>
    %dot_general3A_54 = tpu.matmul %reshape3A_47, %get3A_52, %dot_general3A_53 {dimension_numbers = #tpu.dot_dimension_numbers<[1], [0], [0], [1], [0, 0, 1, 1], [], []>, transpose_lhs_hint = false} : vector<3584x9xf32>, vector<9x64xf32>, vector<3584x64xf32> -> vector<3584x64xf32>
    %add3A = arith.addf %dot_general3A_45, %dot_general3A_54 : vector<3584x64xf32>
    %slice3A_55 = vector.extract_strided_slice %concatenate3A_38 {offsets = [2, 0, 0], sizes = [16, 224, 9], strides = [1, 1, 1]} : vector<18x224x9xf32> to vector<16x224x9xf32>
    %reshape3A_56 = vector.shape_cast %slice3A_55 : vector<16x224x9xf32> to vector<3584x9xf32>
    %get3A_57 = arith.constant 2 : index
    %get3A_58 = arith.constant 0 : index
    %get3A_59 = arith.constant 0 : index
    %get3A_60 = vector.load %arg5[%get3A_57, %get3A_58, %get3A_59] : memref<3x9x64xf32, #tpu.memory_space<vmem>>, vector<1x9x64xf32>
    %get3A_61 = vector.shape_cast %get3A_60 : vector<1x9x64xf32> to vector<9x64xf32>
    %dot_general3A_62 = arith.constant dense<0.000000e+00> : vector<3584x64xf32>
    %dot_general3A_63 = tpu.matmul %reshape3A_56, %get3A_61, %dot_general3A_62 {dimension_numbers = #tpu.dot_dimension_numbers<[1], [0], [0], [1], [0, 0, 1, 1], [], []>, transpose_lhs_hint = false} : vector<3584x9xf32>, vector<9x64xf32>, vector<3584x64xf32> -> vector<3584x64xf32>
    %add3A_64 = arith.addf %add3A, %dot_general3A_63 : vector<3584x64xf32>
    %get3A_65 = arith.constant 0 : index
    %get3A_66 = arith.constant 0 : index
    %get3A_67 = vector.load %arg6[%get3A_65, %get3A_66] : memref<1x64xf32, #tpu.memory_space<vmem>>, vector<1x64xf32>
    %add3A_68 = vector.broadcast %get3A_67 : vector<1x64xf32> to vector<3584x64xf32>
    %add3A_69 = arith.addf %add3A_64, %add3A_68 : vector<3584x64xf32>
    %max3A = arith.constant 0.000000e+00 : f32
    %max3A_70 = vector.broadcast %max3A : f32 to vector<3584x64xf32>
    %max3A_71 = arith.maximumf %add3A_69, %max3A_70 : vector<3584x64xf32>
    %reshape3A_72 = vector.shape_cast %max3A_71 : vector<3584x64xf32> to vector<16x224x64xf32>
    %swap3A = arith.constant 0 : index
    %swap3A_73 = arith.constant 0 : index
    %swap3A_74 = arith.constant 0 : index
    %swap3A_75 = arith.constant 0 : index
    %swap3A_76 = vector.load %arg7[%swap3A, %swap3A_73, %swap3A_74, %swap3A_75] : memref<1x16x224x64xf32, #tpu.memory_space<vmem>>, vector<1x16x224x64xf32>
    %swap3A_77 = vector.shape_cast %swap3A_76 : vector<1x16x224x64xf32> to vector<16x224x64xf32>
    %swap3A_78 = vector.shape_cast %reshape3A_72 : vector<16x224x64xf32> to vector<1x16x224x64xf32>
    tpu.vector_store %arg7[%swap3A, %swap3A_73, %swap3A_74, %swap3A_75], %swap3A_78 {strides = array<i32>} : memref<1x16x224x64xf32, #tpu.memory_space<vmem>>, vector<1x16x224x64xf32>,
    return
  }
  func.func @transform_0(%arg0: i32, %arg1: i32) -> (i32, i32, i32, i32) {
    %mul3A = arith.constant 2 : i32
    %mul3A_0 = arith.muli %arg1, %mul3A : i32
    %sub3A = arith.constant 1 : i32
    %sub3A_1 = arith.subi %mul3A_0, %sub3A : i32
    %max3A = arith.constant 0 : i32
    %max3A_2 = arith.maxsi %sub3A_1, %max3A : i32
    %c0_i32 = arith.constant 0 : i32
    %c0_i32_3 = arith.constant 0 : i32
    %c0_i32_4 = arith.constant 0 : i32
    return %arg0, %max3A_2, %c0_i32, %c0_i32_3 : i32, i32, i32, i32
  }
  func.func @transform_1(%arg0: i32, %arg1: i32) -> (i32, i32, i32, i32) {
    %c0_i32 = arith.constant 0 : i32
    %c0_i32_0 = arith.constant 0 : i32
    %c0_i32_1 = arith.constant 0 : i32
    return %arg0, %arg1, %c0_i32, %c0_i32_0 : i32, i32, i32, i32
  }
  func.func @transform_2(%arg0: i32, %arg1: i32) -> (i32, i32, i32, i32) {
    %mul3A = arith.constant 2 : i32
    %mul3A_0 = arith.muli %arg1, %mul3A : i32
    %add3A = arith.constant 2 : i32
    %add3A_1 = arith.addi %mul3A_0, %add3A : i32
    %min3A = arith.constant 27 : i32
    %min3A_2 = arith.minsi %add3A_1, %min3A : i32
    %c0_i32 = arith.constant 0 : i32
    %c0_i32_3 = arith.constant 0 : i32
    %c0_i32_4 = arith.constant 0 : i32
    return %arg0, %min3A_2, %c0_i32, %c0_i32_3 : i32, i32, i32, i32
  }
  func.func @transform_3(%arg0: i32, %arg1: i32) -> (i32, i32, i32) {
    %c0_i32 = arith.constant 0 : i32
    %c0_i32_0 = arith.constant 0 : i32
    %c0_i32_1 = arith.constant 0 : i32
    %c0_i32_2 = arith.constant 0 : i32
    return %c0_i32, %c0_i32_0, %c0_i32_1 : i32, i32, i32
  }
  func.func @transform_4(%arg0: i32, %arg1: i32) -> (i32, i32) {
    %c0_i32 = arith.constant 0 : i32
    %c0_i32_0 = arith.constant 0 : i32
    %c0_i32_1 = arith.constant 0 : i32
    return %c0_i32, %c0_i32_0 : i32, i32
  }
  func.func @transform_5(%arg0: i32, %arg1: i32) -> (i32, i32, i32, i32) {
    %c0_i32 = arith.constant 0 : i32
    %c0_i32_0 = arith.constant 0 : i32
    %c0_i32_1 = arith.constant 0 : i32
    return %arg0, %arg1, %c0_i32, %c0_i32_0 : i32, i32, i32, i32
  }
}

module attributes {stable_mosaic.version = 14 : i64} {
  func.func @_k4_body(%arg0: i32, %arg1: i32, %arg2: memref<1x8x224x128xf32, #tpu.memory_space<vmem>>, %arg3: memref<1x16x224x128xf32, #tpu.memory_space<vmem>>, %arg4: memref<1x8x224x128xf32, #tpu.memory_space<vmem>>, %arg5: memref<3584x64xf32, #tpu.memory_space<vmem>>, %arg6: memref<3x192x64xf32, #tpu.memory_space<vmem>>, %arg7: memref<1x64xf32, #tpu.memory_space<vmem>>, %arg8: memref<1x16x224x64xf32, #tpu.memory_space<vmem>>, %arg9: memref<1x1x1xf32, #tpu.memory_space<vmem>>) attributes {dimension_semantics = [#tpu.dimension_semantics<arbitrary>, #tpu.dimension_semantics<arbitrary>], iteration_bounds = array<i64: 2, 14>, scalar_prefetch = 0 : i64, scratch_operands = 0 : i64, tpu.core_type = #tpu.core_type<tc>, window_params = [{transform_indices = @transform_0, window_bounds = array<i64: 1, 8, 224, 128>}, {transform_indices = @transform_1, window_bounds = array<i64: 1, 16, 224, 128>}, {transform_indices = @transform_2, window_bounds = array<i64: 1, 8, 224, 128>}, {transform_indices = @transform_3, window_bounds = array<i64: 3584, 64>}, {pipeline_mode = #tpu.pipeline_mode<synchronous>, transform_indices = @transform_4, window_bounds = array<i64: 3, 192, 64>}, {pipeline_mode = #tpu.pipeline_mode<synchronous>, transform_indices = @transform_5, window_bounds = array<i64: 1, 64>}, {transform_indices = @transform_6, window_bounds = array<i64: 1, 16, 224, 64>}, {transform_indices = @transform_7, window_bounds = array<i64: 1, 1, 1>}]} {
    %get3A = arith.constant 0 : index
    %get3A_0 = arith.constant 0 : index
    %get3A_1 = arith.constant 0 : index
    %get3A_2 = arith.constant 0 : index
    %get3A_3 = vector.load %arg3[%get3A, %get3A_0, %get3A_1, %get3A_2] : memref<1x16x224x128xf32, #tpu.memory_space<vmem>>, vector<1x16x224x128xf32>
    %get3A_4 = vector.shape_cast %get3A_3 : vector<1x16x224x128xf32> to vector<16x224x128xf32>
    %slice3A = vector.extract_strided_slice %get3A_4 {offsets = [0, 0, 0], sizes = [16, 224, 64], strides = [1, 1, 1]} : vector<16x224x128xf32> to vector<16x224x64xf32>
    %get3A_5 = arith.constant 0 : index
    %get3A_6 = arith.constant 0 : index
    %get3A_7 = arith.constant 0 : index
    %get3A_8 = arith.constant 0 : index
    %get3A_9 = vector.load %arg2[%get3A_5, %get3A_6, %get3A_7, %get3A_8] : memref<1x8x224x128xf32, #tpu.memory_space<vmem>>, vector<1x8x224x128xf32>
    %get3A_10 = vector.shape_cast %get3A_9 : vector<1x8x224x128xf32> to vector<8x224x128xf32>
    %slice3A_11 = vector.extract_strided_slice %get3A_10 {offsets = [0, 0, 0], sizes = [8, 224, 64], strides = [1, 1, 1]} : vector<8x224x128xf32> to vector<8x224x64xf32>
    %get3A_12 = arith.constant 0 : index
    %get3A_13 = arith.constant 0 : index
    %get3A_14 = arith.constant 0 : index
    %get3A_15 = arith.constant 0 : index
    %get3A_16 = vector.load %arg4[%get3A_12, %get3A_13, %get3A_14, %get3A_15] : memref<1x8x224x128xf32, #tpu.memory_space<vmem>>, vector<1x8x224x128xf32>
    %get3A_17 = vector.shape_cast %get3A_16 : vector<1x8x224x128xf32> to vector<8x224x128xf32>
    %slice3A_18 = vector.extract_strided_slice %get3A_17 {offsets = [0, 0, 0], sizes = [8, 224, 64], strides = [1, 1, 1]} : vector<8x224x128xf32> to vector<8x224x64xf32>
    %slice3A_19 = vector.extract_strided_slice %slice3A_11 {offsets = [7, 0, 0], sizes = [1, 224, 64], strides = [1, 1, 1]} : vector<8x224x64xf32> to vector<1x224x64xf32>
    %slice3A_20 = vector.extract_strided_slice %slice3A_18 {offsets = [0, 0, 0], sizes = [1, 224, 64], strides = [1, 1, 1]} : vector<8x224x64xf32> to vector<1x224x64xf32>
    %concatenate3A = tpu.concatenate %slice3A_19, %slice3A, %slice3A_20 in 0 : vector<1x224x64xf32>, vector<16x224x64xf32>, vector<1x224x64xf32> -> vector<18x224x64xf32>
    %iota3A = tpu.iota {dimensions = array<i32: 0>} : vector<18x1x1xi32>
    %eq3A = arith.constant 0 : i32
    %eq3A_21 = vector.broadcast %eq3A : i32 to vector<18x1x1xi32>
    %eq3A_22 = arith.cmpi eq, %iota3A, %eq3A_21 : vector<18x1x1xi32>
    %eq3A_23 = arith.constant 0 : i32
    %eq3A_24 = arith.cmpi eq, %arg1, %eq3A_23 : i32
    %and3A = vector.broadcast %eq3A_24 : i1 to vector<18x1x1xi1>
    %and3A_25 = arith.andi %eq3A_22, %and3A : vector<18x1x1xi1>
    %eq3A_26 = arith.constant 17 : i32
    %eq3A_27 = vector.broadcast %eq3A_26 : i32 to vector<18x1x1xi32>
    %eq3A_28 = arith.cmpi eq, %iota3A, %eq3A_27 : vector<18x1x1xi32>
    %eq3A_29 = arith.constant 13 : i32
    %eq3A_30 = arith.cmpi eq, %arg1, %eq3A_29 : i32
    %and3A_31 = vector.broadcast %eq3A_30 : i1 to vector<18x1x1xi1>
    %and3A_32 = arith.andi %eq3A_28, %and3A_31 : vector<18x1x1xi1>
    %or3A = arith.ori %and3A_25, %and3A_32 : vector<18x1x1xi1>
    %jit3A = arith.constant 0.000000e+00 : f32
    %broadcast_in_dim3A = vector.shape_cast %or3A : vector<18x1x1xi1> to vector<18x1x1xi1>
    %broadcast_in_dim3A_33 = vector.broadcast %broadcast_in_dim3A : vector<18x1x1xi1> to vector<18x224x64xi1>
    %broadcast_in_dim3A_34 = vector.broadcast %jit3A : f32 to vector<18x224x64xf32>
    %select_n3A = arith.select %broadcast_in_dim3A_33, %broadcast_in_dim3A_34, %concatenate3A : vector<18x224x64xi1>, vector<18x224x64xf32>
    %broadcast_in_dim3A_35 = arith.constant 0.000000e+00 : f32
    %broadcast_in_dim3A_36 = vector.broadcast %broadcast_in_dim3A_35 : f32 to vector<18x1x64xf32>
    %concatenate3A_37 = tpu.concatenate %broadcast_in_dim3A_36, %select_n3A, %broadcast_in_dim3A_36 in 1 : vector<18x1x64xf32>, vector<18x224x64xf32>, vector<18x1x64xf32> -> vector<18x226x64xf32>
    %slice3A_38 = vector.extract_strided_slice %concatenate3A_37 {offsets = [0, 0, 0], sizes = [18, 224, 64], strides = [1, 1, 1]} : vector<18x226x64xf32> to vector<18x224x64xf32>
    %slice3A_39 = vector.extract_strided_slice %concatenate3A_37 {offsets = [0, 1, 0], sizes = [18, 224, 64], strides = [1, 1, 1]} : vector<18x226x64xf32> to vector<18x224x64xf32>
    %slice3A_40 = vector.extract_strided_slice %concatenate3A_37 {offsets = [0, 2, 0], sizes = [18, 224, 64], strides = [1, 1, 1]} : vector<18x226x64xf32> to vector<18x224x64xf32>
    %concatenate3A_41 = tpu.concatenate %slice3A_38, %slice3A_39, %slice3A_40 in 2 : vector<18x224x64xf32>, vector<18x224x64xf32>, vector<18x224x64xf32> -> vector<18x224x192xf32>
    %slice3A_42 = vector.extract_strided_slice %concatenate3A_41 {offsets = [0, 0, 0], sizes = [16, 224, 192], strides = [1, 1, 1]} : vector<18x224x192xf32> to vector<16x224x192xf32>
    %reshape3A = vector.shape_cast %slice3A_42 : vector<16x224x192xf32> to vector<3584x192xf32>
    %get3A_43 = arith.constant 0 : index
    %get3A_44 = arith.constant 0 : index
    %get3A_45 = arith.constant 0 : index
    %get3A_46 = vector.load %arg6[%get3A_43, %get3A_44, %get3A_45] : memref<3x192x64xf32, #tpu.memory_space<vmem>>, vector<1x192x64xf32>
    %get3A_47 = vector.shape_cast %get3A_46 : vector<1x192x64xf32> to vector<192x64xf32>
    %dot_general3A = arith.constant dense<0.000000e+00> : vector<3584x64xf32>
    %dot_general3A_48 = tpu.matmul %reshape3A, %get3A_47, %dot_general3A {dimension_numbers = #tpu.dot_dimension_numbers<[1], [0], [0], [1], [0, 0, 1, 1], [], []>, transpose_lhs_hint = false} : vector<3584x192xf32>, vector<192x64xf32>, vector<3584x64xf32> -> vector<3584x64xf32>
    %slice3A_49 = vector.extract_strided_slice %concatenate3A_41 {offsets = [1, 0, 0], sizes = [16, 224, 192], strides = [1, 1, 1]} : vector<18x224x192xf32> to vector<16x224x192xf32>
    %reshape3A_50 = vector.shape_cast %slice3A_49 : vector<16x224x192xf32> to vector<3584x192xf32>
    %get3A_51 = arith.constant 1 : index
    %get3A_52 = arith.constant 0 : index
    %get3A_53 = arith.constant 0 : index
    %get3A_54 = vector.load %arg6[%get3A_51, %get3A_52, %get3A_53] : memref<3x192x64xf32, #tpu.memory_space<vmem>>, vector<1x192x64xf32>
    %get3A_55 = vector.shape_cast %get3A_54 : vector<1x192x64xf32> to vector<192x64xf32>
    %dot_general3A_56 = arith.constant dense<0.000000e+00> : vector<3584x64xf32>
    %dot_general3A_57 = tpu.matmul %reshape3A_50, %get3A_55, %dot_general3A_56 {dimension_numbers = #tpu.dot_dimension_numbers<[1], [0], [0], [1], [0, 0, 1, 1], [], []>, transpose_lhs_hint = false} : vector<3584x192xf32>, vector<192x64xf32>, vector<3584x64xf32> -> vector<3584x64xf32>
    %add3A = arith.addf %dot_general3A_48, %dot_general3A_57 : vector<3584x64xf32>
    %slice3A_58 = vector.extract_strided_slice %concatenate3A_41 {offsets = [2, 0, 0], sizes = [16, 224, 192], strides = [1, 1, 1]} : vector<18x224x192xf32> to vector<16x224x192xf32>
    %reshape3A_59 = vector.shape_cast %slice3A_58 : vector<16x224x192xf32> to vector<3584x192xf32>
    %get3A_60 = arith.constant 2 : index
    %get3A_61 = arith.constant 0 : index
    %get3A_62 = arith.constant 0 : index
    %get3A_63 = vector.load %arg6[%get3A_60, %get3A_61, %get3A_62] : memref<3x192x64xf32, #tpu.memory_space<vmem>>, vector<1x192x64xf32>
    %get3A_64 = vector.shape_cast %get3A_63 : vector<1x192x64xf32> to vector<192x64xf32>
    %dot_general3A_65 = arith.constant dense<0.000000e+00> : vector<3584x64xf32>
    %dot_general3A_66 = tpu.matmul %reshape3A_59, %get3A_64, %dot_general3A_65 {dimension_numbers = #tpu.dot_dimension_numbers<[1], [0], [0], [1], [0, 0, 1, 1], [], []>, transpose_lhs_hint = false} : vector<3584x192xf32>, vector<192x64xf32>, vector<3584x64xf32> -> vector<3584x64xf32>
    %add3A_67 = arith.addf %add3A, %dot_general3A_66 : vector<3584x64xf32>
    %get3A_68 = arith.constant 0 : index
    %get3A_69 = arith.constant 0 : index
    %get3A_70 = vector.load %arg7[%get3A_68, %get3A_69] : memref<1x64xf32, #tpu.memory_space<vmem>>, vector<1x64xf32>
    %add3A_71 = vector.broadcast %get3A_70 : vector<1x64xf32> to vector<3584x64xf32>
    %add3A_72 = arith.addf %add3A_67, %add3A_71 : vector<3584x64xf32>
    %max3A = arith.constant 0.000000e+00 : f32
    %max3A_73 = vector.broadcast %max3A : f32 to vector<3584x64xf32>
    %max3A_74 = arith.maximumf %add3A_72, %max3A_73 : vector<3584x64xf32>
    %reshape3A_75 = vector.shape_cast %max3A_74 : vector<3584x64xf32> to vector<16x224x64xf32>
    %swap3A = arith.constant 0 : index
    %swap3A_76 = arith.constant 0 : index
    %swap3A_77 = arith.constant 0 : index
    %swap3A_78 = arith.constant 0 : index
    %swap3A_79 = vector.load %arg8[%swap3A, %swap3A_76, %swap3A_77, %swap3A_78] : memref<1x16x224x64xf32, #tpu.memory_space<vmem>>, vector<1x16x224x64xf32>
    %swap3A_80 = vector.shape_cast %swap3A_79 : vector<1x16x224x64xf32> to vector<16x224x64xf32>
    %swap3A_81 = vector.shape_cast %reshape3A_75 : vector<16x224x64xf32> to vector<1x16x224x64xf32>
    tpu.vector_store %arg8[%swap3A, %swap3A_76, %swap3A_77, %swap3A_78], %swap3A_81 {strides = array<i32>} : memref<1x16x224x64xf32, #tpu.memory_space<vmem>>, vector<1x16x224x64xf32>,
    %reshape3A_82 = vector.shape_cast %slice3A : vector<16x224x64xf32> to vector<3584x64xf32>
    %get3A_83 = arith.constant 0 : index
    %get3A_84 = arith.constant 0 : index
    %get3A_85 = vector.load %arg5[%get3A_83, %get3A_84] : memref<3584x64xf32, #tpu.memory_space<vmem>>, vector<3584x64xf32>
    %sub3A = arith.subf %reshape3A_82, %get3A_85 : vector<3584x64xf32>
    %mul3A = arith.mulf %sub3A, %sub3A : vector<3584x64xf32>
    %reduce_sum3A = vector.shape_cast %mul3A : vector<3584x64xf32> to vector<1x3584x64xf32>
    %reduce_sum3A_86 = arith.constant dense<0.000000e+00> : vector<1xf32>
    %reduce_sum3A_87 = vector.multi_reduction <add>, %reduce_sum3A, %reduce_sum3A_86 [1, 2] : vector<1x3584x64xf32> to vector<1xf32>
    %reduce_sum3A_88 = vector.shape_cast %reduce_sum3A_87 : vector<1xf32> to vector<1x1x1xf32>
    %reduce_sum3A_89 = vector.extract %reduce_sum3A_88[0, 0, 0] : f32 from vector<1x1x1xf32>
    %reshape3A_90 = vector.broadcast %reduce_sum3A_89 : f32 to vector<1x1x1xf32>
    %swap3A_91 = arith.constant 0 : index
    %swap3A_92 = arith.constant 0 : index
    %swap3A_93 = arith.constant 0 : index
    %swap3A_94 = vector.load %arg9[%swap3A_91, %swap3A_92, %swap3A_93] : memref<1x1x1xf32, #tpu.memory_space<vmem>>, vector<1x1x1xf32>
    tpu.vector_store %arg9[%swap3A_91, %swap3A_92, %swap3A_93], %reshape3A_90 {strides = array<i32>} : memref<1x1x1xf32, #tpu.memory_space<vmem>>, vector<1x1x1xf32>,
    return
  }
  func.func @transform_0(%arg0: i32, %arg1: i32) -> (i32, i32, i32, i32) {
    %mul3A = arith.constant 2 : i32
    %mul3A_0 = arith.muli %arg1, %mul3A : i32
    %sub3A = arith.constant 1 : i32
    %sub3A_1 = arith.subi %mul3A_0, %sub3A : i32
    %max3A = arith.constant 0 : i32
    %max3A_2 = arith.maxsi %sub3A_1, %max3A : i32
    %c0_i32 = arith.constant 0 : i32
    %c0_i32_3 = arith.constant 0 : i32
    %c0_i32_4 = arith.constant 0 : i32
    return %arg0, %max3A_2, %c0_i32, %c0_i32_3 : i32, i32, i32, i32
  }
  func.func @transform_1(%arg0: i32, %arg1: i32) -> (i32, i32, i32, i32) {
    %c0_i32 = arith.constant 0 : i32
    %c0_i32_0 = arith.constant 0 : i32
    %c0_i32_1 = arith.constant 0 : i32
    return %arg0, %arg1, %c0_i32, %c0_i32_0 : i32, i32, i32, i32
  }
  func.func @transform_2(%arg0: i32, %arg1: i32) -> (i32, i32, i32, i32) {
    %mul3A = arith.constant 2 : i32
    %mul3A_0 = arith.muli %arg1, %mul3A : i32
    %add3A = arith.constant 2 : i32
    %add3A_1 = arith.addi %mul3A_0, %add3A : i32
    %min3A = arith.constant 27 : i32
    %min3A_2 = arith.minsi %add3A_1, %min3A : i32
    %c0_i32 = arith.constant 0 : i32
    %c0_i32_3 = arith.constant 0 : i32
    %c0_i32_4 = arith.constant 0 : i32
    return %arg0, %min3A_2, %c0_i32, %c0_i32_3 : i32, i32, i32, i32
  }
  func.func @transform_3(%arg0: i32, %arg1: i32) -> (i32, i32) {
    %mul3A = arith.constant 14 : i32
    %mul3A_0 = arith.muli %arg0, %mul3A : i32
    %add3A = arith.addi %mul3A_0, %arg1 : i32
    %c0_i32 = arith.constant 0 : i32
    %c0_i32_1 = arith.constant 0 : i32
    return %add3A, %c0_i32 : i32, i32
  }
  func.func @transform_4(%arg0: i32, %arg1: i32) -> (i32, i32, i32) {
    %c0_i32 = arith.constant 0 : i32
    %c0_i32_0 = arith.constant 0 : i32
    %c0_i32_1 = arith.constant 0 : i32
    %c0_i32_2 = arith.constant 0 : i32
    return %c0_i32, %c0_i32_0, %c0_i32_1 : i32, i32, i32
  }
  func.func @transform_5(%arg0: i32, %arg1: i32) -> (i32, i32) {
    %c0_i32 = arith.constant 0 : i32
    %c0_i32_0 = arith.constant 0 : i32
    %c0_i32_1 = arith.constant 0 : i32
    return %c0_i32, %c0_i32_0 : i32, i32
  }
  func.func @transform_6(%arg0: i32, %arg1: i32) -> (i32, i32, i32, i32) {
    %c0_i32 = arith.constant 0 : i32
    %c0_i32_0 = arith.constant 0 : i32
    %c0_i32_1 = arith.constant 0 : i32
    return %arg0, %arg1, %c0_i32, %c0_i32_0 : i32, i32, i32, i32
  }
  func.func @transform_7(%arg0: i32, %arg1: i32) -> (i32, i32, i32) {
    %mul3A = arith.constant 14 : i32
    %mul3A_0 = arith.muli %arg0, %mul3A : i32
    %add3A = arith.addi %mul3A_0, %arg1 : i32
    %c0_i32 = arith.constant 0 : i32
    %c0_i32_1 = arith.constant 0 : i32
    %c0_i32_2 = arith.constant 0 : i32
    return %add3A, %c0_i32, %c0_i32_1 : i32, i32, i32
  }
}

module attributes {stable_mosaic.version = 14 : i64} {
  func.func @_k5_body(%arg0: i32, %arg1: i32, %arg2: memref<1x8x224x64xf32, #tpu.memory_space<vmem>>, %arg3: memref<1x16x224x64xf32, #tpu.memory_space<vmem>>, %arg4: memref<1x8x224x64xf32, #tpu.memory_space<vmem>>, %arg5: memref<3x192x3xf32, #tpu.memory_space<vmem>>, %arg6: memref<1x3xf32, #tpu.memory_space<vmem>>, %arg7: memref<1x16x224x3xf32, #tpu.memory_space<vmem>>) attributes {dimension_semantics = [#tpu.dimension_semantics<arbitrary>, #tpu.dimension_semantics<arbitrary>], iteration_bounds = array<i64: 2, 14>, scalar_prefetch = 0 : i64, scratch_operands = 0 : i64, tpu.core_type = #tpu.core_type<tc>, window_params = [{transform_indices = @transform_0, window_bounds = array<i64: 1, 8, 224, 64>}, {transform_indices = @transform_1, window_bounds = array<i64: 1, 16, 224, 64>}, {transform_indices = @transform_2, window_bounds = array<i64: 1, 8, 224, 64>}, {pipeline_mode = #tpu.pipeline_mode<synchronous>, transform_indices = @transform_3, window_bounds = array<i64: 3, 192, 3>}, {pipeline_mode = #tpu.pipeline_mode<synchronous>, transform_indices = @transform_4, window_bounds = array<i64: 1, 3>}, {transform_indices = @transform_5, window_bounds = array<i64: 1, 16, 224, 3>}]} {
    %get3A = arith.constant 0 : index
    %get3A_0 = arith.constant 0 : index
    %get3A_1 = arith.constant 0 : index
    %get3A_2 = arith.constant 0 : index
    %get3A_3 = vector.load %arg2[%get3A, %get3A_0, %get3A_1, %get3A_2] : memref<1x8x224x64xf32, #tpu.memory_space<vmem>>, vector<1x8x224x64xf32>
    %get3A_4 = vector.shape_cast %get3A_3 : vector<1x8x224x64xf32> to vector<8x224x64xf32>
    %get3A_5 = arith.constant 0 : index
    %get3A_6 = arith.constant 0 : index
    %get3A_7 = arith.constant 0 : index
    %get3A_8 = arith.constant 0 : index
    %get3A_9 = vector.load %arg3[%get3A_5, %get3A_6, %get3A_7, %get3A_8] : memref<1x16x224x64xf32, #tpu.memory_space<vmem>>, vector<1x16x224x64xf32>
    %get3A_10 = vector.shape_cast %get3A_9 : vector<1x16x224x64xf32> to vector<16x224x64xf32>
    %get3A_11 = arith.constant 0 : index
    %get3A_12 = arith.constant 0 : index
    %get3A_13 = arith.constant 0 : index
    %get3A_14 = arith.constant 0 : index
    %get3A_15 = vector.load %arg4[%get3A_11, %get3A_12, %get3A_13, %get3A_14] : memref<1x8x224x64xf32, #tpu.memory_space<vmem>>, vector<1x8x224x64xf32>
    %get3A_16 = vector.shape_cast %get3A_15 : vector<1x8x224x64xf32> to vector<8x224x64xf32>
    %slice3A = vector.extract_strided_slice %get3A_4 {offsets = [7, 0, 0], sizes = [1, 224, 64], strides = [1, 1, 1]} : vector<8x224x64xf32> to vector<1x224x64xf32>
    %slice3A_17 = vector.extract_strided_slice %get3A_16 {offsets = [0, 0, 0], sizes = [1, 224, 64], strides = [1, 1, 1]} : vector<8x224x64xf32> to vector<1x224x64xf32>
    %concatenate3A = tpu.concatenate %slice3A, %get3A_10, %slice3A_17 in 0 : vector<1x224x64xf32>, vector<16x224x64xf32>, vector<1x224x64xf32> -> vector<18x224x64xf32>
    %iota3A = tpu.iota {dimensions = array<i32: 0>} : vector<18x1x1xi32>
    %eq3A = arith.constant 0 : i32
    %eq3A_18 = vector.broadcast %eq3A : i32 to vector<18x1x1xi32>
    %eq3A_19 = arith.cmpi eq, %iota3A, %eq3A_18 : vector<18x1x1xi32>
    %eq3A_20 = arith.constant 0 : i32
    %eq3A_21 = arith.cmpi eq, %arg1, %eq3A_20 : i32
    %and3A = vector.broadcast %eq3A_21 : i1 to vector<18x1x1xi1>
    %and3A_22 = arith.andi %eq3A_19, %and3A : vector<18x1x1xi1>
    %eq3A_23 = arith.constant 17 : i32
    %eq3A_24 = vector.broadcast %eq3A_23 : i32 to vector<18x1x1xi32>
    %eq3A_25 = arith.cmpi eq, %iota3A, %eq3A_24 : vector<18x1x1xi32>
    %eq3A_26 = arith.constant 13 : i32
    %eq3A_27 = arith.cmpi eq, %arg1, %eq3A_26 : i32
    %and3A_28 = vector.broadcast %eq3A_27 : i1 to vector<18x1x1xi1>
    %and3A_29 = arith.andi %eq3A_25, %and3A_28 : vector<18x1x1xi1>
    %or3A = arith.ori %and3A_22, %and3A_29 : vector<18x1x1xi1>
    %jit3A = arith.constant 0.000000e+00 : f32
    %broadcast_in_dim3A = vector.shape_cast %or3A : vector<18x1x1xi1> to vector<18x1x1xi1>
    %broadcast_in_dim3A_30 = vector.broadcast %broadcast_in_dim3A : vector<18x1x1xi1> to vector<18x224x64xi1>
    %broadcast_in_dim3A_31 = vector.broadcast %jit3A : f32 to vector<18x224x64xf32>
    %select_n3A = arith.select %broadcast_in_dim3A_30, %broadcast_in_dim3A_31, %concatenate3A : vector<18x224x64xi1>, vector<18x224x64xf32>
    %broadcast_in_dim3A_32 = arith.constant 0.000000e+00 : f32
    %broadcast_in_dim3A_33 = vector.broadcast %broadcast_in_dim3A_32 : f32 to vector<18x1x64xf32>
    %concatenate3A_34 = tpu.concatenate %broadcast_in_dim3A_33, %select_n3A, %broadcast_in_dim3A_33 in 1 : vector<18x1x64xf32>, vector<18x224x64xf32>, vector<18x1x64xf32> -> vector<18x226x64xf32>
    %slice3A_35 = vector.extract_strided_slice %concatenate3A_34 {offsets = [0, 0, 0], sizes = [18, 224, 64], strides = [1, 1, 1]} : vector<18x226x64xf32> to vector<18x224x64xf32>
    %slice3A_36 = vector.extract_strided_slice %concatenate3A_34 {offsets = [0, 1, 0], sizes = [18, 224, 64], strides = [1, 1, 1]} : vector<18x226x64xf32> to vector<18x224x64xf32>
    %slice3A_37 = vector.extract_strided_slice %concatenate3A_34 {offsets = [0, 2, 0], sizes = [18, 224, 64], strides = [1, 1, 1]} : vector<18x226x64xf32> to vector<18x224x64xf32>
    %concatenate3A_38 = tpu.concatenate %slice3A_35, %slice3A_36, %slice3A_37 in 2 : vector<18x224x64xf32>, vector<18x224x64xf32>, vector<18x224x64xf32> -> vector<18x224x192xf32>
    %slice3A_39 = vector.extract_strided_slice %concatenate3A_38 {offsets = [0, 0, 0], sizes = [16, 224, 192], strides = [1, 1, 1]} : vector<18x224x192xf32> to vector<16x224x192xf32>
    %reshape3A = vector.shape_cast %slice3A_39 : vector<16x224x192xf32> to vector<3584x192xf32>
    %get3A_40 = arith.constant 0 : index
    %get3A_41 = arith.constant 0 : index
    %get3A_42 = arith.constant 0 : index
    %get3A_43 = vector.load %arg5[%get3A_40, %get3A_41, %get3A_42] : memref<3x192x3xf32, #tpu.memory_space<vmem>>, vector<1x192x3xf32>
    %get3A_44 = vector.shape_cast %get3A_43 : vector<1x192x3xf32> to vector<192x3xf32>
    %dot_general3A = arith.constant dense<0.000000e+00> : vector<3584x3xf32>
    %dot_general3A_45 = tpu.matmul %reshape3A, %get3A_44, %dot_general3A {dimension_numbers = #tpu.dot_dimension_numbers<[1], [0], [0], [1], [0, 0, 1, 1], [], []>, transpose_lhs_hint = false} : vector<3584x192xf32>, vector<192x3xf32>, vector<3584x3xf32> -> vector<3584x3xf32>
    %slice3A_46 = vector.extract_strided_slice %concatenate3A_38 {offsets = [1, 0, 0], sizes = [16, 224, 192], strides = [1, 1, 1]} : vector<18x224x192xf32> to vector<16x224x192xf32>
    %reshape3A_47 = vector.shape_cast %slice3A_46 : vector<16x224x192xf32> to vector<3584x192xf32>
    %get3A_48 = arith.constant 1 : index
    %get3A_49 = arith.constant 0 : index
    %get3A_50 = arith.constant 0 : index
    %get3A_51 = vector.load %arg5[%get3A_48, %get3A_49, %get3A_50] : memref<3x192x3xf32, #tpu.memory_space<vmem>>, vector<1x192x3xf32>
    %get3A_52 = vector.shape_cast %get3A_51 : vector<1x192x3xf32> to vector<192x3xf32>
    %dot_general3A_53 = arith.constant dense<0.000000e+00> : vector<3584x3xf32>
    %dot_general3A_54 = tpu.matmul %reshape3A_47, %get3A_52, %dot_general3A_53 {dimension_numbers = #tpu.dot_dimension_numbers<[1], [0], [0], [1], [0, 0, 1, 1], [], []>, transpose_lhs_hint = false} : vector<3584x192xf32>, vector<192x3xf32>, vector<3584x3xf32> -> vector<3584x3xf32>
    %add3A = arith.addf %dot_general3A_45, %dot_general3A_54 : vector<3584x3xf32>
    %slice3A_55 = vector.extract_strided_slice %concatenate3A_38 {offsets = [2, 0, 0], sizes = [16, 224, 192], strides = [1, 1, 1]} : vector<18x224x192xf32> to vector<16x224x192xf32>
    %reshape3A_56 = vector.shape_cast %slice3A_55 : vector<16x224x192xf32> to vector<3584x192xf32>
    %get3A_57 = arith.constant 2 : index
    %get3A_58 = arith.constant 0 : index
    %get3A_59 = arith.constant 0 : index
    %get3A_60 = vector.load %arg5[%get3A_57, %get3A_58, %get3A_59] : memref<3x192x3xf32, #tpu.memory_space<vmem>>, vector<1x192x3xf32>
    %get3A_61 = vector.shape_cast %get3A_60 : vector<1x192x3xf32> to vector<192x3xf32>
    %dot_general3A_62 = arith.constant dense<0.000000e+00> : vector<3584x3xf32>
    %dot_general3A_63 = tpu.matmul %reshape3A_56, %get3A_61, %dot_general3A_62 {dimension_numbers = #tpu.dot_dimension_numbers<[1], [0], [0], [1], [0, 0, 1, 1], [], []>, transpose_lhs_hint = false} : vector<3584x192xf32>, vector<192x3xf32>, vector<3584x3xf32> -> vector<3584x3xf32>
    %add3A_64 = arith.addf %add3A, %dot_general3A_63 : vector<3584x3xf32>
    %get3A_65 = arith.constant 0 : index
    %get3A_66 = arith.constant 0 : index
    %get3A_67 = vector.load %arg6[%get3A_65, %get3A_66] : memref<1x3xf32, #tpu.memory_space<vmem>>, vector<1x3xf32>
    %add3A_68 = vector.broadcast %get3A_67 : vector<1x3xf32> to vector<3584x3xf32>
    %add3A_69 = arith.addf %add3A_64, %add3A_68 : vector<3584x3xf32>
    %reshape3A_70 = vector.shape_cast %add3A_69 : vector<3584x3xf32> to vector<16x224x3xf32>
    %swap3A = arith.constant 0 : index
    %swap3A_71 = arith.constant 0 : index
    %swap3A_72 = arith.constant 0 : index
    %swap3A_73 = arith.constant 0 : index
    %swap3A_74 = vector.load %arg7[%swap3A, %swap3A_71, %swap3A_72, %swap3A_73] : memref<1x16x224x3xf32, #tpu.memory_space<vmem>>, vector<1x16x224x3xf32>
    %swap3A_75 = vector.shape_cast %swap3A_74 : vector<1x16x224x3xf32> to vector<16x224x3xf32>
    %swap3A_76 = vector.shape_cast %reshape3A_70 : vector<16x224x3xf32> to vector<1x16x224x3xf32>
    tpu.vector_store %arg7[%swap3A, %swap3A_71, %swap3A_72, %swap3A_73], %swap3A_76 {strides = array<i32>} : memref<1x16x224x3xf32, #tpu.memory_space<vmem>>, vector<1x16x224x3xf32>,
    return
  }
  func.func @transform_0(%arg0: i32, %arg1: i32) -> (i32, i32, i32, i32) {
    %mul3A = arith.constant 2 : i32
    %mul3A_0 = arith.muli %arg1, %mul3A : i32
    %sub3A = arith.constant 1 : i32
    %sub3A_1 = arith.subi %mul3A_0, %sub3A : i32
    %max3A = arith.constant 0 : i32
    %max3A_2 = arith.maxsi %sub3A_1, %max3A : i32
    %c0_i32 = arith.constant 0 : i32
    %c0_i32_3 = arith.constant 0 : i32
    %c0_i32_4 = arith.constant 0 : i32
    return %arg0, %max3A_2, %c0_i32, %c0_i32_3 : i32, i32, i32, i32
  }
  func.func @transform_1(%arg0: i32, %arg1: i32) -> (i32, i32, i32, i32) {
    %c0_i32 = arith.constant 0 : i32
    %c0_i32_0 = arith.constant 0 : i32
    %c0_i32_1 = arith.constant 0 : i32
    return %arg0, %arg1, %c0_i32, %c0_i32_0 : i32, i32, i32, i32
  }
  func.func @transform_2(%arg0: i32, %arg1: i32) -> (i32, i32, i32, i32) {
    %mul3A = arith.constant 2 : i32
    %mul3A_0 = arith.muli %arg1, %mul3A : i32
    %add3A = arith.constant 2 : i32
    %add3A_1 = arith.addi %mul3A_0, %add3A : i32
    %min3A = arith.constant 27 : i32
    %min3A_2 = arith.minsi %add3A_1, %min3A : i32
    %c0_i32 = arith.constant 0 : i32
    %c0_i32_3 = arith.constant 0 : i32
    %c0_i32_4 = arith.constant 0 : i32
    return %arg0, %min3A_2, %c0_i32, %c0_i32_3 : i32, i32, i32, i32
  }
  func.func @transform_3(%arg0: i32, %arg1: i32) -> (i32, i32, i32) {
    %c0_i32 = arith.constant 0 : i32
    %c0_i32_0 = arith.constant 0 : i32
    %c0_i32_1 = arith.constant 0 : i32
    %c0_i32_2 = arith.constant 0 : i32
    return %c0_i32, %c0_i32_0, %c0_i32_1 : i32, i32, i32
  }
  func.func @transform_4(%arg0: i32, %arg1: i32) -> (i32, i32) {
    %c0_i32 = arith.constant 0 : i32
    %c0_i32_0 = arith.constant 0 : i32
    %c0_i32_1 = arith.constant 0 : i32
    return %c0_i32, %c0_i32_0 : i32, i32
  }
  func.func @transform_5(%arg0: i32, %arg1: i32) -> (i32, i32, i32, i32) {
    %c0_i32 = arith.constant 0 : i32
    %c0_i32_0 = arith.constant 0 : i32
    %c0_i32_1 = arith.constant 0 : i32
    return %arg0, %arg1, %c0_i32, %c0_i32_0 : i32, i32, i32, i32
  }
}

module attributes {stable_mosaic.version = 14 : i64} {
  func.func @_k6_body(%arg0: memref<1x28xf32, #tpu.memory_space<vmem>>, %arg1: memref<14x512xf32, #tpu.memory_space<vmem>>, %arg2: memref<1x1xf32, #tpu.memory_space<vmem>>, %arg3: memref<1x1xf32, #tpu.memory_space<vmem>>) attributes {dimension_semantics = [], scalar_prefetch = 0 : i64, scratch_operands = 0 : i64, tpu.core_type = #tpu.core_type<tc>} {
    %get3A = arith.constant 0 : index
    %get3A_0 = arith.constant 0 : index
    %get3A_1 = vector.load %arg0[%get3A, %get3A_0] : memref<1x28xf32, #tpu.memory_space<vmem>>, vector<1x28xf32>
    %reduce_sum3A = vector.shape_cast %get3A_1 : vector<1x28xf32> to vector<1x1x28xf32>
    %reduce_sum3A_2 = arith.constant dense<0.000000e+00> : vector<1xf32>
    %reduce_sum3A_3 = vector.multi_reduction <add>, %reduce_sum3A, %reduce_sum3A_2 [1, 2] : vector<1x1x28xf32> to vector<1xf32>
    %reduce_sum3A_4 = vector.shape_cast %reduce_sum3A_3 : vector<1xf32> to vector<1x1x1xf32>
    %reduce_sum3A_5 = vector.extract %reduce_sum3A_4[0, 0, 0] : f32 from vector<1x1x1xf32>
    %mul3A = arith.constant 3.89254815E-8 : f32
    %mul3A_6 = arith.mulf %mul3A, %reduce_sum3A_5 : f32
    %reshape3A = vector.broadcast %mul3A_6 : f32 to vector<1x1xf32>
    %swap3A = arith.constant 0 : index
    %swap3A_7 = arith.constant 0 : index
    %swap3A_8 = vector.load %arg2[%swap3A, %swap3A_7] : memref<1x1xf32, #tpu.memory_space<vmem>>, vector<1x1xf32>
    tpu.vector_store %arg2[%swap3A, %swap3A_7], %reshape3A {strides = array<i32>} : memref<1x1xf32, #tpu.memory_space<vmem>>, vector<1x1xf32>,
    %get3A_9 = arith.constant 0 : index
    %get3A_10 = arith.constant 0 : index
    %get3A_11 = vector.load %arg1[%get3A_9, %get3A_10] : memref<14x512xf32, #tpu.memory_space<vmem>>, vector<14x512xf32>
    %reduce_sum3A_12 = arith.constant dense<0.000000e+00> : vector<512xf32>
    %reduce_sum3A_13 = vector.multi_reduction <add>, %get3A_11, %reduce_sum3A_12 [0] : vector<14x512xf32> to vector<512xf32>
    %broadcast_in_dim3A = vector.shape_cast %reduce_sum3A_13 : vector<512xf32> to vector<1x512xf32>
    %mul3A_14 = arith.constant 9.96492326E-6 : f32
    %mul3A_15 = vector.broadcast %mul3A_14 : f32 to vector<1x512xf32>
    %mul3A_16 = arith.mulf %broadcast_in_dim3A, %mul3A_15 : vector<1x512xf32>
    %add3A = arith.constant 1.000000e-10 : f32
    %add3A_17 = vector.broadcast %add3A : f32 to vector<1x512xf32>
    %add3A_18 = arith.addf %mul3A_16, %add3A_17 : vector<1x512xf32>
    %log3A = math.log %add3A_18 : vector<1x512xf32>
    %mul3A_19 = arith.mulf %mul3A_16, %log3A : vector<1x512xf32>
    %reduce_sum3A_20 = vector.shape_cast %mul3A_19 : vector<1x512xf32> to vector<1x1x512xf32>
    %reduce_sum3A_21 = arith.constant dense<0.000000e+00> : vector<1xf32>
    %reduce_sum3A_22 = vector.multi_reduction <add>, %reduce_sum3A_20, %reduce_sum3A_21 [1, 2] : vector<1x1x512xf32> to vector<1xf32>
    %reduce_sum3A_23 = vector.shape_cast %reduce_sum3A_22 : vector<1xf32> to vector<1x1x1xf32>
    %reduce_sum3A_24 = vector.extract %reduce_sum3A_23[0, 0, 0] : f32 from vector<1x1x1xf32>
    %neg3A = arith.constant 0.000000e+00 : f32
    %neg3A_25 = arith.subf %neg3A, %reduce_sum3A_24 : f32
    %exp3A = math.exp %neg3A_25 : f32
    %reshape3A_26 = vector.broadcast %exp3A : f32 to vector<1x1xf32>
    %swap3A_27 = arith.constant 0 : index
    %swap3A_28 = arith.constant 0 : index
    %swap3A_29 = vector.load %arg3[%swap3A_27, %swap3A_28] : memref<1x1xf32, #tpu.memory_space<vmem>>, vector<1x1xf32>
    tpu.vector_store %arg3[%swap3A_27, %swap3A_28], %reshape3A_26 {strides = array<i32>} : memref<1x1xf32, #tpu.memory_space<vmem>>, vector<1x1xf32>,
    return
  }
}

</mosaic_0001>

<sc_bundles>
// kernel: kernel.8.cloned.1.call-start
scs
__scs_entry_jumppad:
0x0: {  	(pc) =	sbr.rel $0x88, $3  }
0x1: {  	(tag) =	ssettag $0x0;
	lr =	simm.s32 $0x1  }
0x2: {  	[smem:$0x3F95] =	sst lr;
	_ =	strace $0xD0000000  }
0x3: {  	_ = 	snop  }
0x4: {  	_ = 	snop  }
0x5: {  	_ = 	snop  }
0x6: {  	_ = 	snop  }
0x7: {  	_ = 	snop  }
__scs_overlays_trampoline_lowered:
0x8: {  	[smem:$0x3FA4] =	sst s0  }
0x9: {  	[smem:$0x3FA5] =	sst s1  }
0xa: {  	[smem:$0x3FA6] =	sst s2  }
0xb: {  	[smem:$0x3FA7] =	sst s3  }
0xc: {  	[smem:$0x3FA8] =	sst s4  }
0xd: {  	[smem:$0x3FA9] =	sst s5  }
0xe: {  	[smem:$0x3FAA] =	sst s6  }
0xf: {  	[smem:$0x3FAB] =	sst s7  }
0x10: {  	[smem:$0x3FAC] =	sst s8  }
0x11: {  	[smem:$0x3FAD] =	sst s9;
	s0 =	simm.s32 @!p0 $0x0  }
0x12: {  	s1 =	sld [smem:$0x3F93];
	s0 =	simm.s32 @p0 $0x1  }
0x13: {  	[smem:$0x3FAE] =	sst s0;
	s0 =	simm.s32 @!p1 $0x0  }
0x14: {  	s2 =	sld [smem:$0x3F92];
	s0 =	simm.s32 @p1 $0x1  }
0x15: {  	[smem:$0x3FAF] =	sst s0;
	s0 =	simm.s32 @!p2 $0x0  }
0x16: {  	s3 =	sld [smem:$0x3FDB];
	s0 =	simm.s32 @p2 $0x1  }
0x17: {  	s4 =	simm.s32 $0x1BF5;
	[smem:$0x3FB1] =	sst s0  }
0x18: {  	s0 =	sld [smem:$0x3F94];
	_ =	swait.ge [sflag:s4], $0x0  }
0x19: {  	s7 =	sld [smem:$0x3F95]  }
0x1a: {  	s8 =	sadd.s32 $0xFFFFE003, lr  }
0x1b: {  	s9 =	sadd.s32 $0xFFFFFEF7, lr;
	s5 =	simm.s32 $0xFFFFFFFF;
	p2 =	slt.u32 s8, $0xFFFFF086  }
0x1c: {  	p1 =	slt.u32 s9, $0xF7A;
	s5 =	simm.s32 @!p2 $0x0  }
0x1d: {  	s5 =	simm.s32 @p1 $0x1;
	p0 =	seq.s32 s7, s2  }
0x1e: {  	s7 =	smul.u32 @!p0 $0xF7A, s2;
	p2 =	seq.s32 @!p0 s5, $0x0  }
0x1f: {  	s9 =	smul.u32 $0xF7A, s1;
	s8 =	simm.s32 @!p0 $0x1BF5;
	p2 =	por !p2, p0  }
0x20: {  	[sflag:s8] =	ssyncset.s32 @!p0 $0xFFFFF086;
	s6 =	sadd.s32 @!p0 s3, s7;
	s7 =	simm.s32 @!p0 $0x108  }
0x21: {  	s3 =	sadd.s32 s3, s9;
	s6 =	sadd.s32 @!p0 $0x88, s6;
	s7 =	simm.s32 @p2 $0x1082  }
0x22: {  	[simem:s7], [sflag:s8] =	dma.local @!p0 [hbm:s6], $0xF7A  }
0x23: {  	s9 =	sor.u32 $0xD0000000, s2;
	s6 =	simm.s32 $0x108;
	_ =	swait.ge @!p0 [sflag:s8], $0x0  }
0x24: {  	s3 =	sadd.s32 $0x88, s3;
	s6 =	simm.s32 @!p1 $0x1082;
	[sflag:s4] =	ssyncset.s32 $0xFFFFF086  }
0x25: {  	[simem:s6], [sflag:s4] =	dma.local [hbm:s3], $0xF7A  }
0x26: {  	[smem:$0x3F95] =	sst s1;
	(tag) =	ssettag s2;
	_ =	strace s9  }
0x27: {  	s1 =	sld [smem:$0x3FA5]  }
0x28: {  	s2 =	sld [smem:$0x3FA6]  }
0x29: {  	s4 =	sld [smem:$0x3FA8]  }
0x2a: {  	p0 =	seq.s32 s5, $0x0;
	s5 =	sld [smem:$0x3FA9]  }
0x2b: {  	s6 =	sld [smem:$0x3FAA]  }
0x2c: {  	s7 =	sld [smem:$0x3FAB]  }
0x2d: {  	s3 =	simm.s32 $0x108;
	s8 =	sld [smem:$0x3FAC]  }
0x2e: {  	s3 =	simm.s32 @!p0 $0x1082;
	s9 =	sld [smem:$0x3FAD]  }
0x2f: {  	lr =	sadd.s32 s0, s3;
	s0 =	sld [smem:$0x3FA4]  }
0x30: {  	s3 =	sld [smem:$0x3FA7]  }
0x31: {  	[smem:$0x3FB0] =	sst s10  }
0x32: {  	s10 =	sld [smem:$0x3FAE];
	_ =	sdelay $0x3  }
0x33: {  	p0 =	seq.s32 s10, $0x1;
	s10 =	sld [smem:$0x3FB0];
	_ =	sdelay $0x3  }
0x34: {  	[smem:$0x3FB0] =	sst s10  }
0x35: {  	s10 =	sld [smem:$0x3FAF];
	_ =	sdelay $0x3  }
0x36: {  	p1 =	seq.s32 s10, $0x1;
	s10 =	sld [smem:$0x3FB0];
	_ =	sdelay $0x3  }
0x37: {  	[smem:$0x3FB0] =	sst s10  }
0x38: {  	s10 =	sld [smem:$0x3FB1]  }
0x39: {  	_ = 	snop;
	(pc) =	sbr.ind lr, $3  }
0x3a: {  	_ = 	snop  }
0x3b: {  	_ = 	snop  }
0x3c: {  	p2 =	seq.s32 s10, $0x1;
	s10 =	sld [smem:$0x3FB0]  }
0x3d: {  	_ =	shalt  }
0x3e: {  	_ =	shalt  }
0x3f: {  	_ =	shalt  }
0x40: {  	_ =	shalt  }
0x41: {  	_ =	shalt  }
0x42: {  	_ =	shalt  }
0x43: {  	_ =	shalt  }
0x44: {  	_ =	shalt  }
0x45: {  	_ =	shalt  }
0x46: {  	_ =	shalt  }
0x47: {  	_ =	shalt  }
0x48: {  	_ =	shalt  }
0x49: {  	_ =	shalt  }
0x4a: {  	_ =	shalt  }
0x4b: {  	_ =	shalt  }
0x4c: {  	_ =	shalt  }
0x4d: {  	_ =	shalt  }
0x4e: {  	_ =	shalt  }
0x4f: {  	_ =	shalt  }
0x50: {  	_ =	shalt  }
0x51: {  	_ =	shalt  }
0x52: {  	_ =	shalt  }
0x53: {  	_ =	shalt  }
0x54: {  	_ =	shalt  }
0x55: {  	_ =	shalt  }
0x56: {  	_ =	shalt  }
0x57: {  	_ =	shalt  }
0x58: {  	_ =	shalt  }
0x59: {  	_ =	shalt  }
0x5a: {  	_ =	shalt  }
0x5b: {  	_ =	shalt  }
0x5c: {  	_ =	shalt  }
0x5d: {  	_ =	shalt  }
0x5e: {  	_ =	shalt  }
0x5f: {  	_ =	shalt  }
0x60: {  	_ =	shalt  }
0x61: {  	_ =	shalt  }
0x62: {  	_ =	shalt  }
0x63: {  	_ =	shalt  }
0x64: {  	_ =	shalt  }
0x65: {  	_ =	shalt  }
0x66: {  	_ =	shalt  }
0x67: {  	_ =	shalt  }
0x68: {  	_ =	shalt  }
0x69: {  	_ =	shalt  }
0x6a: {  	_ =	shalt  }
0x6b: {  	_ =	shalt  }
0x6c: {  	_ =	shalt  }
0x6d: {  	_ =	shalt  }
0x6e: {  	_ =	shalt  }
0x6f: {  	_ =	shalt  }
0x70: {  	_ =	shalt  }
0x71: {  	_ =	shalt  }
0x72: {  	_ =	shalt  }
0x73: {  	_ =	shalt  }
0x74: {  	_ =	shalt  }
0x75: {  	_ =	shalt  }
0x76: {  	_ =	shalt  }
0x77: {  	_ =	shalt  }
0x78: {  	_ =	shalt  }
0x79: {  	_ =	shalt  }
0x7a: {  	_ =	shalt  }
0x7b: {  	_ =	shalt  }
0x7c: {  	_ =	shalt  }
0x7d: {  	_ =	shalt  }
0x7e: {  	_ =	shalt  }
0x7f: {  	_ =	shalt  }
0x80: {  	_ =	shalt  }
0x81: {  	_ =	shalt  }
0x82: {  	_ =	shalt  }
0x83: {  	_ =	shalt  }
0x84: {  	_ =	shalt  }
0x85: {  	_ =	shalt  }
0x86: {  	_ =	shalt  }
0x87: {  	_ =	shalt  }
.Lfunc_end0:
.L_simem_size_0:
called_computation_lowered:
.L_overlay_start_0:
0x88: {  	s2 =	sld [smem:$0x3FD9]  }
0x89: {  	s3 =	sld [smem:$0x3FFE];
	_ =	sdelay $0x1  }
0x8a: {  	s1 =	srdreg.scid  }
0x8b: {  	s0 =	sand.u32 $0x1, s1  }
0x8c: {  	s14 =	sshll.u32 s0, $0xA;
	s2 =	sadd.s32 s3, s2  }
0x8d: {  	s2 =	sadd.s32 s2, s14  }
0x8e: {  	[smem:$0x3FBC] =	sst s2  }
0x8f: {  	_ = 	snop  }
0x90: {  	s2 =	sld [smem:$0x3FD0];
	_ =	sdelay $0x2  }
0x91: {  	s15 =	simm.s32 $0xA;
	s4 =	simm.s32 $0x10  }
0x92: {  	[smem:s4], [sflag:s15] =	dma.local [hbm:s2], $0x1  }
0x93: {  	_ =	swait.eq [sflag:s15], $0x1  }
0x94: {  	[sflag:s15] =	ssyncset.done $0x0  }
0x95: {  	[sflag:s15] =	ssyncadd.s32 $0xFFFFFFFF  }
0x96: {  	s16 =	sld [smem:$0x11];
	(tm) =	ssettm $0x1  }
0x97: {  	s17 =	sld [smem:$0x3FFB];
	_ =	sdelay $0x3  }
0x98: {  	_ =	strace s17  }
0x99: {  	s3 =	sld [smem:$0x3FFC];
	_ =	sdelay $0x3  }
0x9a: {  	_ =	strace s3  }
0x9b: {  	s3 =	sld [smem:$0x3FFD];
	_ =	sdelay $0x3  }
0x9c: {  	_ =	strace s3  }
0x9d: {  	_ =	strace $0x8FFFFFFF  }
0x9e: {  	s18 =	sld [smem:$0x3FDB];
	_ =	sdelay $0x1  }
0x9f: {  	s19 =	simm.s32 $_scs_section_size  }
0xa0: {  	s5 =	simm.s32 $_size__tile_overlayer_lowered;
	s6 =	simm.s32 $_tile_overlayer_lowered  }
0xa1: {  	s22 =	simm.s32 $0x1BFF;
	s21 =	sshll.u32 s6, $0x1;
	s3 =	sadd.s32 s19, s18  }
0xa2: {  	s7 =	simm.s32 $0x0;
	s20 =	sshll.u32 s5, $0x1;
	s5 =	sadd.s32 s21, s3  }
0xa3: {  	[timem:s7], [sflag:s22] =	dma.local [hbm:s5], s20  }
0xa4: {  	_ =	swait.ge [sflag:s22], s20  }
0xa5: {  	s4 =	ssub.s32 $0x0, s20;
	[sflag:s22] =	ssyncset.done $0x0  }
0xa6: {  	[sflag:s22] =	ssyncadd.s32 s4;
	_ =	sdelay $0x1  }
0xa7: {  	s23 =	simm.s32 $0x1B8B  }
0xa8: {  	_ =	swait.ge [sflag:s23], $0x1  }
0xa9: {  	[sflag:s23] =	ssyncset.done $0x0  }
0xaa: {  	s25 =	simm.s32 $0x1B8E;
	s24 =	sld [smem:$0x3FFE];
	[sflag:s23] =	ssyncadd.s32 $0xFFFFFFFF  }
0xab: {  	s26 =	simm.s32 $execute0_lowered;
	[smem:$0x3FD2] =	sst s25  }
0xac: {  	s5 =	sshll.u32 s26, $0x1;
	_ =	strace $0x80000046;
	[dreg:$0x1] =	wrdreg $0xFFFFFFFF  }
0xad: {  	s28 =	simm.s32 $_size_execute0_lowered;
	s3 =	sadd.s32 s3, s5;
	[dreg:$0x0] =	wrdreg $0x0  }
0xae: {  	s5 =	sshll.u32 s28, $0x1;
	[dreg:$0x2] =	wrdreg s3  }
0xaf: {  	[dreg:$0x3] =	wrdreg s5  }
0xb0: {  	[dreg:$0x4] =	wrdreg $0xC0  }
0xb1: {  	_ =	task [dreg:s7], $0x5FFFF  }
0xb2: {  	[dreg:$0x1] =	wrdreg $0xFFFFFFFF  }
0xb3: {  	[dreg:$0x0] =	wrdreg $0x60  }
0xb4: {  	[dreg:$0x2] =	wrdreg s16  }
0xb5: {  	[dreg:$0x3] =	wrdreg s24  }
0xb6: {  	[dreg:$0x4] =	wrdreg $0x9  }
0xb7: {  	_ =	task.clear_ibuf [dreg:s7], $0x5FFFF;
	_ =	strace $0x90000046  }
0xb8: {  	s29 =	simm.s32 $0x9;
	_ =	strace $0x80000048  }
0xb9: {  	_ =	swait.ge [sflag:s29], $0x1  }
0xba: {  	[sflag:s29] =	ssyncadd.s32 $0xFFFFFFFF  }
0xbb: {  	_ =	strace $0x90000048  }
0xbc: {  	_ =	sfence  }
0xbd: {  	s30 =	sld [smem:$0x0];
	_ =	sdelay $0x2  }
0xbe: {  	s31 =	sshll.u32 s1, $0xD;
	s1 =	sshrl.u32 s1, $0x2  }
0xbf: {  	s3 =	sand.u32 $0x4000, s31;
	s1 =	sadd.s32 s1, s30  }
0xc0: {  	s0 =	sor.u32 s3, s0;
	s1 =	sshll.u32 s1, $0x11  }
0xc1: {  	s0 =	sor.u32 s1, s0  }
0xc2: {  	s0 =	sadd.s32 $0x8F2B, s0  }
0xc3: {  	[sflag:s0] =	ssyncadd.remote.s32 $0x1  }
0xc4: {  	_ =	sfence.sel $0xFFFF  }
0xc5: {  	[dreg:$0x0] =	wrdreg $0xFFFFFFFF;
	(pc) =	sbr.abs _section_cstart, $3  }
0xc6: {  	[dreg:$0x1] =	wrdreg $0xFFFFFFFF  }
0xc7: {  	_ =	task.clear_ibuf [dreg:s7], $0x2FFFF;
	_ =	strace $0x9FFFFFFF  }
0xc8: {  	(tm) =	ssettm $0x7FFFFFFF  }
0xc9: {  	_ =	shalt  }
tec
execute0_lowered:
.L_overlay_start_1:
0x0: {  	(tag) =	ssettag $0x1  }
0x1: {  	s6 =	rddreg [dreg:$0x0];
	s1 =	srdreg.scid  }
0x2: {  	s0 =	stileid.u32;
	s5 =	rddreg [dreg:$0x1]  }
0x3: {  	s2 =	simm.s32 $0x0;
	s10 =	simm.s32 $0x8C80;
	s11 =	simm.s32 $0xC480  }
0x4: {  	s4 =	sand.u32 $0x1, s1;
	s3 =	sshll.u32 s0, $0x1;
	s1 =	rddreg [dreg:$0x2]  }
0x5: {  	s12 =	simm.s32 $0x0;
	[smem:$0x7FF] =	sst s2;
	s3 =	sor.u32 s4, s3  }
0x6: {  	_ =	strace $0x80000047;
	s7 =	ssub.s32 $0x2, s4;
	s3 =	smul.u32 $0xC40, s3  }
0x7: {  	s4 =	sadd.s32 $0x189E00, s5;
	s5 =	sadd.s32 $0x18AE00, s5;
	s8 =	sshrl.u32 s7, $0x1  }
0x8: {  	v0 =	vlaneseq.u32;
	s7 =	ssub.s32 s7, s8;
	s8 =	simm.s32 $0x1;
	s9 =	sshrl.u32 s3, $0x3  }
0x9: {  	v1 =	vmul.u32 $0x80, v0;
	s7 =	smax.u32 s7, $0x1;
	s6 =	sadd.s32 s6, s9;
	s9 =	simm.s32 $0x8000  }
.LBB2_1:
0xa: {  	[tilespmem:s2], [sflag:$0x1] =	stream.linear.gather [hbm4b:s4+s2], $0x8000, $0x38;
	[tilespmem:$0xFC80] =	vst v63  }
0xb: {  	_ =	swait.ge [sflag:s8], $0x8000  }
0xc: {  	[sflag:s8] =	ssyncset.done $0x0  }
0xd: {  	[sflag:s8] =	ssyncadd.s32 $0xFFFF8000  }
0xe: {  	[tilespmem:s9], [sflag:$0x1] =	stream.linear.gather [hbm4b:s6+s2], $0xC40, $0x38;
	[tilespmem:$0xFC80] =	vst v63  }
0xf: {  	_ =	swait.ge [sflag:s8], $0xC40  }
0x10: {  	s13 =	simm.s32 $0x70;
	[sflag:s8] =	ssyncset.done $0x0  }
0x11: {  	s14 =	simm.s32 $0x0;
	s15 =	simm.s32 $0x0;
	[sflag:s8] =	ssyncadd.s32 $0xFFFFF3C0  }
.LBB2_2:
0x12: {  	s16 =	smul.u32 $0xE0, s15;
	s17 =	simm.s32 $0x0  }
.LBB2_3:
0x13: {  	s18 =	sadd.s32 s17, s14  }
0x14: {  	v2 =	vor.u32 s18, v0;
	_ =	sdelay $0x4  }
0x15: {  	v2 =	vld.idx.msk [tilespmem:v2+s9+$0x0], $0xffff;
	_ =	sdelay $0x4  }
0x16: {  	v2 =	vshll.u32 v2, $0x6;
	_ =	sdelay $0x2  }
0x17: {  	v3 =	vmov s17  }
0x18: {  	v3 =	vshll.u32 v3, $0x7  }
0x19: {  	v3 =	vor.u32 v1, v3;
	v4 =	vld.idx.msk [tilespmem:v2+s2+$0x0], $0xffff  }
0x1a: {  	v5 =	vor.u32 $0x1, v2;
	_ =	sdelay $0x3  }
0x1b: {  	[tilespmem:v3+s10+$0x0] =	vst.idx.msk $0xffff, v4  }
0x1c: {  	v52 =	vor.u32 $0x1, v3;
	v4 =	vld.idx.msk [tilespmem:v5+s2+$0x0], $0xffff  }
0x1d: {  	v6 =	vor.u32 $0x2, v2;
	_ =	sdelay $0x3  }
0x1e: {  	[tilespmem:v52+s10+$0x0] =	vst.idx.msk $0xffff, v4  }
0x1f: {  	v53 =	vor.u32 $0x2, v3;
	v4 =	vld.idx.msk [tilespmem:v6+s2+$0x0], $0xffff  }
0x20: {  	v54 =	vor.u32 $0x3, v2;
	_ =	sdelay $0x3  }
0x21: {  	[tilespmem:v53+s10+$0x0] =	vst.idx.msk $0xffff, v4  }
0x22: {  	v55 =	vor.u32 $0x3, v3;
	v4 =	vld.idx.msk [tilespmem:v54+s2+$0x0], $0xffff  }
0x23: {  	v56 =	vor.u32 $0x4, v2;
	_ =	sdelay $0x3  }
0x24: {  	[tilespmem:v55+s10+$0x0] =	vst.idx.msk $0xffff, v4  }
0x25: {  	v57 =	vor.u32 $0x4, v3;
	v4 =	vld.idx.msk [tilespmem:v56+s2+$0x0], $0xffff  }
0x26: {  	v58 =	vor.u32 $0x5, v2;
	_ =	sdelay $0x3  }
0x27: {  	[tilespmem:v57+s10+$0x0] =	vst.idx.msk $0xffff, v4  }
0x28: {  	v59 =	vor.u32 $0x5, v3;
	v4 =	vld.idx.msk [tilespmem:v58+s2+$0x0], $0xffff  }
0x29: {  	v60 =	vor.u32 $0x6, v2;
	_ =	sdelay $0x3  }
0x2a: {  	[tilespmem:v59+s10+$0x0] =	vst.idx.msk $0xffff, v4  }
0x2b: {  	v61 =	vor.u32 $0x6, v3;
	v4 =	vld.idx.msk [tilespmem:v60+s2+$0x0], $0xffff  }
0x2c: {  	v62 =	vor.u32 $0x7, v2;
	_ =	sdelay $0x3  }
0x2d: {  	[tilespmem:v61+s10+$0x0] =	vst.idx.msk $0xffff, v4  }
0x2e: {  	v63 =	vor.u32 $0x7, v3;
	v4 =	vld.idx.msk [tilespmem:v62+s2+$0x0], $0xffff  }
0x2f: {  	v9 =	vor.u32 $0x8, v2;
	_ =	sdelay $0x3  }
0x30: {  	[tilespmem:v63+s10+$0x0] =	vst.idx.msk $0xffff, v4  }
0x31: {  	v10 =	vor.u32 $0x8, v3;
	v4 =	vld.idx.msk [tilespmem:v9+s2+$0x0], $0xffff  }
0x32: {  	v11 =	vor.u32 $0x9, v2;
	_ =	sdelay $0x3  }
0x33: {  	[tilespmem:v10+s10+$0x0] =	vst.idx.msk $0xffff, v4  }
0x34: {  	v12 =	vor.u32 $0x9, v3;
	v4 =	vld.idx.msk [tilespmem:v11+s2+$0x0], $0xffff  }
0x35: {  	v13 =	vor.u32 $0xA, v2;
	_ =	sdelay $0x3  }
0x36: {  	[tilespmem:v12+s10+$0x0] =	vst.idx.msk $0xffff, v4  }
0x37: {  	v14 =	vor.u32 $0xA, v3;
	v4 =	vld.idx.msk [tilespmem:v13+s2+$0x0], $0xffff  }
0x38: {  	v15 =	vor.u32 $0xB, v2;
	_ =	sdelay $0x3  }
0x39: {  	[tilespmem:v14+s10+$0x0] =	vst.idx.msk $0xffff, v4  }
0x3a: {  	v16 =	vor.u32 $0xB, v3;
	v4 =	vld.idx.msk [tilespmem:v15+s2+$0x0], $0xffff  }
0x3b: {  	v17 =	vor.u32 $0xC, v2;
	_ =	sdelay $0x3  }
0x3c: {  	[tilespmem:v16+s10+$0x0] =	vst.idx.msk $0xffff, v4  }
0x3d: {  	v18 =	vor.u32 $0xC, v3;
	v4 =	vld.idx.msk [tilespmem:v17+s2+$0x0], $0xffff  }
0x3e: {  	v19 =	vor.u32 $0xD, v2;
	_ =	sdelay $0x3  }
0x3f: {  	[tilespmem:v18+s10+$0x0] =	vst.idx.msk $0xffff, v4  }
0x40: {  	v20 =	vor.u32 $0xD, v3;
	v4 =	vld.idx.msk [tilespmem:v19+s2+$0x0], $0xffff  }
0x41: {  	v21 =	vor.u32 $0xE, v2;
	_ =	sdelay $0x3  }
0x42: {  	[tilespmem:v20+s10+$0x0] =	vst.idx.msk $0xffff, v4  }
0x43: {  	v22 =	vor.u32 $0xE, v3;
	v4 =	vld.idx.msk [tilespmem:v21+s2+$0x0], $0xffff  }
0x44: {  	v23 =	vor.u32 $0xF, v2;
	_ =	sdelay $0x3  }
0x45: {  	[tilespmem:v22+s10+$0x0] =	vst.idx.msk $0xffff, v4  }
0x46: {  	v24 =	vor.u32 $0xF, v3;
	v4 =	vld.idx.msk [tilespmem:v23+s2+$0x0], $0xffff  }
0x47: {  	v25 =	vor.u32 $0x10, v2;
	_ =	sdelay $0x3  }
0x48: {  	[tilespmem:v24+s10+$0x0] =	vst.idx.msk $0xffff, v4  }
0x49: {  	v26 =	vor.u32 $0x10, v3;
	v4 =	vld.idx.msk [tilespmem:v25+s2+$0x0], $0xffff  }
0x4a: {  	v27 =	vor.u32 $0x11, v2;
	_ =	sdelay $0x3  }
0x4b: {  	[tilespmem:v26+s10+$0x0] =	vst.idx.msk $0xffff, v4  }
0x4c: {  	v28 =	vor.u32 $0x11, v3;
	v4 =	vld.idx.msk [tilespmem:v27+s2+$0x0], $0xffff  }
0x4d: {  	v29 =	vor.u32 $0x12, v2;
	_ =	sdelay $0x3  }
0x4e: {  	[tilespmem:v28+s10+$0x0] =	vst.idx.msk $0xffff, v4  }
0x4f: {  	v30 =	vor.u32 $0x12, v3;
	v4 =	vld.idx.msk [tilespmem:v29+s2+$0x0], $0xffff  }
0x50: {  	v31 =	vor.u32 $0x13, v2;
	_ =	sdelay $0x3  }
0x51: {  	[tilespmem:v30+s10+$0x0] =	vst.idx.msk $0xffff, v4  }
0x52: {  	v32 =	vor.u32 $0x13, v3;
	v4 =	vld.idx.msk [tilespmem:v31+s2+$0x0], $0xffff  }
0x53: {  	v33 =	vor.u32 $0x14, v2;
	_ =	sdelay $0x3  }
0x54: {  	[tilespmem:v32+s10+$0x0] =	vst.idx.msk $0xffff, v4  }
0x55: {  	v34 =	vor.u32 $0x14, v3;
	v4 =	vld.idx.msk [tilespmem:v33+s2+$0x0], $0xffff  }
0x56: {  	v35 =	vor.u32 $0x15, v2;
	_ =	sdelay $0x3  }
0x57: {  	[tilespmem:v34+s10+$0x0] =	vst.idx.msk $0xffff, v4  }
0x58: {  	v36 =	vor.u32 $0x15, v3;
	v4 =	vld.idx.msk [tilespmem:v35+s2+$0x0], $0xffff  }
0x59: {  	v37 =	vor.u32 $0x16, v2;
	_ =	sdelay $0x3  }
0x5a: {  	[tilespmem:v36+s10+$0x0] =	vst.idx.msk $0xffff, v4  }
0x5b: {  	v38 =	vor.u32 $0x16, v3;
	v4 =	vld.idx.msk [tilespmem:v37+s2+$0x0], $0xffff  }
0x5c: {  	v39 =	vor.u32 $0x17, v2;
	_ =	sdelay $0x3  }
0x5d: {  	[tilespmem:v38+s10+$0x0] =	vst.idx.msk $0xffff, v4  }
0x5e: {  	v40 =	vor.u32 $0x17, v3;
	v4 =	vld.idx.msk [tilespmem:v39+s2+$0x0], $0xffff  }
0x5f: {  	v41 =	vor.u32 $0x18, v2;
	_ =	sdelay $0x3  }
0x60: {  	[tilespmem:v40+s10+$0x0] =	vst.idx.msk $0xffff, v4  }
0x61: {  	v42 =	vor.u32 $0x18, v3;
	v4 =	vld.idx.msk [tilespmem:v41+s2+$0x0], $0xffff  }
0x62: {  	v43 =	vor.u32 $0x19, v2;
	_ =	sdelay $0x3  }
0x63: {  	[tilespmem:v42+s10+$0x0] =	vst.idx.msk $0xffff, v4  }
0x64: {  	v44 =	vor.u32 $0x19, v3;
	v4 =	vld.idx.msk [tilespmem:v43+s2+$0x0], $0xffff  }
0x65: {  	v45 =	vor.u32 $0x1A, v2;
	_ =	sdelay $0x3  }
0x66: {  	[tilespmem:v44+s10+$0x0] =	vst.idx.msk $0xffff, v4  }
0x67: {  	v46 =	vor.u32 $0x1A, v3;
	v4 =	vld.idx.msk [tilespmem:v45+s2+$0x0], $0xffff  }
0x68: {  	v47 =	vor.u32 $0x1B, v2;
	_ =	sdelay $0x3  }
0x69: {  	[tilespmem:v46+s10+$0x0] =	vst.idx.msk $0xffff, v4  }
0x6a: {  	v48 =	vor.u32 $0x1B, v3;
	v4 =	vld.idx.msk [tilespmem:v47+s2+$0x0], $0xffff  }
0x6b: {  	v49 =	vor.u32 $0x1C, v2;
	_ =	sdelay $0x3  }
0x6c: {  	[tilespmem:v48+s10+$0x0] =	vst.idx.msk $0xffff, v4  }
0x6d: {  	v50 =	vor.u32 $0x1C, v3;
	v4 =	vld.idx.msk [tilespmem:v49+s2+$0x0], $0xffff  }
0x6e: {  	v51 =	vor.u32 $0x1D, v2;
	_ =	sdelay $0x3  }
0x6f: {  	[tilespmem:v50+s10+$0x0] =	vst.idx.msk $0xffff, v4  }
0x70: {  	v52 =	vor.u32 $0x1D, v3;
	v4 =	vld.idx.msk [tilespmem:v51+s2+$0x0], $0xffff  }
0x71: {  	v53 =	vor.u32 $0x1E, v2;
	_ =	sdelay $0x3  }
0x72: {  	[tilespmem:v52+s10+$0x0] =	vst.idx.msk $0xffff, v4  }
0x73: {  	v54 =	vor.u32 $0x1E, v3;
	v4 =	vld.idx.msk [tilespmem:v53+s2+$0x0], $0xffff  }
0x74: {  	v55 =	vor.u32 $0x1F, v2;
	_ =	sdelay $0x3  }
0x75: {  	[tilespmem:v54+s10+$0x0] =	vst.idx.msk $0xffff, v4  }
0x76: {  	v56 =	vor.u32 $0x1F, v3;
	v4 =	vld.idx.msk [tilespmem:v55+s2+$0x0], $0xffff  }
0x77: {  	v57 =	vor.u32 $0x20, v2;
	_ =	sdelay $0x3  }
0x78: {  	[tilespmem:v56+s10+$0x0] =	vst.idx.msk $0xffff, v4  }
0x79: {  	v58 =	vor.u32 $0x20, v3;
	v4 =	vld.idx.msk [tilespmem:v57+s2+$0x0], $0xffff  }
0x7a: {  	v59 =	vor.u32 $0x21, v2;
	_ =	sdelay $0x3  }
0x7b: {  	[tilespmem:v58+s10+$0x0] =	vst.idx.msk $0xffff, v4  }
0x7c: {  	v60 =	vor.u32 $0x21, v3;
	v4 =	vld.idx.msk [tilespmem:v59+s2+$0x0], $0xffff  }
0x7d: {  	v61 =	vor.u32 $0x22, v2;
	_ =	sdelay $0x3  }
0x7e: {  	[tilespmem:v60+s10+$0x0] =	vst.idx.msk $0xffff, v4  }
0x7f: {  	v62 =	vor.u32 $0x22, v3;
	v4 =	vld.idx.msk [tilespmem:v61+s2+$0x0], $0xffff  }
0x80: {  	v63 =	vor.u32 $0x23, v2;
	_ =	sdelay $0x3  }
0x81: {  	[tilespmem:v62+s10+$0x0] =	vst.idx.msk $0xffff, v4  }
0x82: {  	v9 =	vor.u32 $0x23, v3;
	v4 =	vld.idx.msk [tilespmem:v63+s2+$0x0], $0xffff  }
0x83: {  	v10 =	vor.u32 $0x24, v2;
	_ =	sdelay $0x3  }
0x84: {  	[tilespmem:v9+s10+$0x0] =	vst.idx.msk $0xffff, v4  }
0x85: {  	v11 =	vor.u32 $0x24, v3;
	v4 =	vld.idx.msk [tilespmem:v10+s2+$0x0], $0xffff  }
0x86: {  	v12 =	vor.u32 $0x25, v2;
	_ =	sdelay $0x3  }
0x87: {  	[tilespmem:v11+s10+$0x0] =	vst.idx.msk $0xffff, v4  }
0x88: {  	v13 =	vor.u32 $0x25, v3;
	v4 =	vld.idx.msk [tilespmem:v12+s2+$0x0], $0xffff  }
0x89: {  	v14 =	vor.u32 $0x26, v2;
	_ =	sdelay $0x3  }
0x8a: {  	[tilespmem:v13+s10+$0x0] =	vst.idx.msk $0xffff, v4  }
0x8b: {  	v15 =	vor.u32 $0x26, v3;
	v4 =	vld.idx.msk [tilespmem:v14+s2+$0x0], $0xffff  }
0x8c: {  	v16 =	vor.u32 $0x27, v2;
	_ =	sdelay $0x3  }
0x8d: {  	[tilespmem:v15+s10+$0x0] =	vst.idx.msk $0xffff, v4  }
0x8e: {  	v17 =	vor.u32 $0x27, v3;
	v4 =	vld.idx.msk [tilespmem:v16+s2+$0x0], $0xffff  }
0x8f: {  	v18 =	vor.u32 $0x28, v2;
	_ =	sdelay $0x3  }
0x90: {  	[tilespmem:v17+s10+$0x0] =	vst.idx.msk $0xffff, v4  }
0x91: {  	v19 =	vor.u32 $0x28, v3;
	v4 =	vld.idx.msk [tilespmem:v18+s2+$0x0], $0xffff  }
0x92: {  	v20 =	vor.u32 $0x29, v2;
	_ =	sdelay $0x3  }
0x93: {  	[tilespmem:v19+s10+$0x0] =	vst.idx.msk $0xffff, v4  }
0x94: {  	v21 =	vor.u32 $0x29, v3;
	v4 =	vld.idx.msk [tilespmem:v20+s2+$0x0], $0xffff  }
0x95: {  	v22 =	vor.u32 $0x2A, v2;
	_ =	sdelay $0x3  }
0x96: {  	[tilespmem:v21+s10+$0x0] =	vst.idx.msk $0xffff, v4  }
0x97: {  	v23 =	vor.u32 $0x2A, v3;
	v4 =	vld.idx.msk [tilespmem:v22+s2+$0x0], $0xffff  }
0x98: {  	v24 =	vor.u32 $0x2B, v2;
	_ =	sdelay $0x3  }
0x99: {  	[tilespmem:v23+s10+$0x0] =	vst.idx.msk $0xffff, v4  }
0x9a: {  	v25 =	vor.u32 $0x2B, v3;
	v4 =	vld.idx.msk [tilespmem:v24+s2+$0x0], $0xffff  }
0x9b: {  	v26 =	vor.u32 $0x2C, v2;
	_ =	sdelay $0x3  }
0x9c: {  	[tilespmem:v25+s10+$0x0] =	vst.idx.msk $0xffff, v4  }
0x9d: {  	v27 =	vor.u32 $0x2C, v3;
	v4 =	vld.idx.msk [tilespmem:v26+s2+$0x0], $0xffff  }
0x9e: {  	v28 =	vor.u32 $0x2D, v2;
	_ =	sdelay $0x3  }
0x9f: {  	[tilespmem:v27+s10+$0x0] =	vst.idx.msk $0xffff, v4  }
0xa0: {  	v29 =	vor.u32 $0x2D, v3;
	v4 =	vld.idx.msk [tilespmem:v28+s2+$0x0], $0xffff  }
0xa1: {  	v30 =	vor.u32 $0x2E, v2;
	_ =	sdelay $0x3  }
0xa2: {  	[tilespmem:v29+s10+$0x0] =	vst.idx.msk $0xffff, v4  }
0xa3: {  	v31 =	vor.u32 $0x2E, v3;
	v4 =	vld.idx.msk [tilespmem:v30+s2+$0x0], $0xffff  }
0xa4: {  	v32 =	vor.u32 $0x2F, v2;
	_ =	sdelay $0x3  }
0xa5: {  	[tilespmem:v31+s10+$0x0] =	vst.idx.msk $0xffff, v4  }
0xa6: {  	v33 =	vor.u32 $0x2F, v3;
	v4 =	vld.idx.msk [tilespmem:v32+s2+$0x0], $0xffff  }
0xa7: {  	v34 =	vor.u32 $0x30, v2;
	_ =	sdelay $0x3  }
0xa8: {  	[tilespmem:v33+s10+$0x0] =	vst.idx.msk $0xffff, v4  }
0xa9: {  	v35 =	vor.u32 $0x30, v3;
	v4 =	vld.idx.msk [tilespmem:v34+s2+$0x0], $0xffff  }
0xaa: {  	v36 =	vor.u32 $0x31, v2;
	_ =	sdelay $0x3  }
0xab: {  	[tilespmem:v35+s10+$0x0] =	vst.idx.msk $0xffff, v4  }
0xac: {  	v37 =	vor.u32 $0x31, v3;
	v4 =	vld.idx.msk [tilespmem:v36+s2+$0x0], $0xffff  }
0xad: {  	v38 =	vor.u32 $0x32, v2;
	_ =	sdelay $0x3  }
0xae: {  	[tilespmem:v37+s10+$0x0] =	vst.idx.msk $0xffff, v4  }
0xaf: {  	v39 =	vor.u32 $0x32, v3;
	v4 =	vld.idx.msk [tilespmem:v38+s2+$0x0], $0xffff  }
0xb0: {  	v40 =	vor.u32 $0x33, v2;
	_ =	sdelay $0x3  }
0xb1: {  	[tilespmem:v39+s10+$0x0] =	vst.idx.msk $0xffff, v4  }
0xb2: {  	v41 =	vor.u32 $0x33, v3;
	v4 =	vld.idx.msk [tilespmem:v40+s2+$0x0], $0xffff  }
0xb3: {  	v42 =	vor.u32 $0x34, v2;
	_ =	sdelay $0x3  }
0xb4: {  	[tilespmem:v41+s10+$0x0] =	vst.idx.msk $0xffff, v4  }
0xb5: {  	v43 =	vor.u32 $0x34, v3;
	v4 =	vld.idx.msk [tilespmem:v42+s2+$0x0], $0xffff  }
0xb6: {  	v44 =	vor.u32 $0x35, v2;
	_ =	sdelay $0x3  }
0xb7: {  	[tilespmem:v43+s10+$0x0] =	vst.idx.msk $0xffff, v4  }
0xb8: {  	v45 =	vor.u32 $0x35, v3;
	v4 =	vld.idx.msk [tilespmem:v44+s2+$0x0], $0xffff  }
0xb9: {  	v46 =	vor.u32 $0x36, v2;
	_ =	sdelay $0x3  }
0xba: {  	[tilespmem:v45+s10+$0x0] =	vst.idx.msk $0xffff, v4  }
0xbb: {  	v47 =	vor.u32 $0x36, v3;
	v4 =	vld.idx.msk [tilespmem:v46+s2+$0x0], $0xffff  }
0xbc: {  	v48 =	vor.u32 $0x37, v2;
	_ =	sdelay $0x3  }
0xbd: {  	[tilespmem:v47+s10+$0x0] =	vst.idx.msk $0xffff, v4  }
0xbe: {  	v49 =	vor.u32 $0x37, v3;
	v4 =	vld.idx.msk [tilespmem:v48+s2+$0x0], $0xffff  }
0xbf: {  	v50 =	vor.u32 $0x38, v2;
	_ =	sdelay $0x3  }
0xc0: {  	[tilespmem:v49+s10+$0x0] =	vst.idx.msk $0xffff, v4  }
0xc1: {  	v51 =	vor.u32 $0x38, v3;
	v4 =	vld.idx.msk [tilespmem:v50+s2+$0x0], $0xffff  }
0xc2: {  	v52 =	vor.u32 $0x39, v2;
	_ =	sdelay $0x3  }
0xc3: {  	[tilespmem:v51+s10+$0x0] =	vst.idx.msk $0xffff, v4  }
0xc4: {  	v53 =	vor.u32 $0x39, v3;
	v4 =	vld.idx.msk [tilespmem:v52+s2+$0x0], $0xffff  }
0xc5: {  	v54 =	vor.u32 $0x3A, v2;
	_ =	sdelay $0x3  }
0xc6: {  	[tilespmem:v53+s10+$0x0] =	vst.idx.msk $0xffff, v4  }
0xc7: {  	v55 =	vor.u32 $0x3A, v3;
	v4 =	vld.idx.msk [tilespmem:v54+s2+$0x0], $0xffff  }
0xc8: {  	v56 =	vor.u32 $0x3B, v2;
	_ =	sdelay $0x3  }
0xc9: {  	[tilespmem:v55+s10+$0x0] =	vst.idx.msk $0xffff, v4  }
0xca: {  	v57 =	vor.u32 $0x3B, v3;
	v4 =	vld.idx.msk [tilespmem:v56+s2+$0x0], $0xffff  }
0xcb: {  	v58 =	vor.u32 $0x3C, v2;
	_ =	sdelay $0x3  }
0xcc: {  	[tilespmem:v57+s10+$0x0] =	vst.idx.msk $0xffff, v4  }
0xcd: {  	v59 =	vor.u32 $0x3C, v3;
	v4 =	vld.idx.msk [tilespmem:v58+s2+$0x0], $0xffff  }
0xce: {  	v60 =	vor.u32 $0x3D, v2;
	_ =	sdelay $0x3  }
0xcf: {  	[tilespmem:v59+s10+$0x0] =	vst.idx.msk $0xffff, v4  }
0xd0: {  	v61 =	vor.u32 $0x3D, v3;
	v4 =	vld.idx.msk [tilespmem:v60+s2+$0x0], $0xffff  }
0xd1: {  	v62 =	vor.u32 $0x3E, v2;
	_ =	sdelay $0x3  }
0xd2: {  	[tilespmem:v61+s10+$0x0] =	vst.idx.msk $0xffff, v4  }
0xd3: {  	v63 =	vor.u32 $0x3E, v3;
	v4 =	vld.idx.msk [tilespmem:v62+s2+$0x0], $0xffff  }
0xd4: {  	v2 =	vor.u32 $0x3F, v2;
	_ =	sdelay $0x3  }
0xd5: {  	[tilespmem:v63+s10+$0x0] =	vst.idx.msk $0xffff, v4  }
0xd6: {  	p0 =	sne.s32 s17, $0x60;
	v3 =	vor.u32 $0x3F, v3;
	v2 =	vld.idx.msk [tilespmem:v2+s2+$0x0], $0xffff  }
.Ltmp0:
0xd7: {  	_ = 	snop;
	(pc) =	sbr.rel @p0 .LBB2_3-.Ltmp0, $2  }
0xd8: {  	_ =	sdelay $0x2  }
0xd9: {  	s17 =	sadd.s32 $0x10, s17;
	[tilespmem:v3+s10+$0x0] =	vst.idx.msk $0xffff, v2  }
0xda: {  	s17 =	sadd.s32 s3, s16  }
0xdb: {  	s17 =	sshll.u32 s17, $0x4  }
0xdc: {  	s18 =	sadd.s32 s5, s17;
	s17 =	simm.s32 $0x0  }
0xdd: {  	[hbm4b:s18+s17] =	stream.linear.scatter [tilespmem:s10], [sflag:$0x1], $0x3800, $0x38;
	[tilespmem:$0xFC80] =	vst v63  }
0xde: {  	_ =	swait.ge [sflag:s8], $0x3800  }
0xdf: {  	[sflag:s8] =	ssyncset.done $0x0  }
0xe0: {  	s16 =	sadd.s32 $0x70, s16;
	[sflag:s8] =	ssyncadd.s32 $0xFFFFC800  }
.LBB2_5:
0xe1: {  	s18 =	sadd.s32 s17, s13  }
0xe2: {  	v2 =	vor.u32 s18, v0;
	_ =	sdelay $0x4  }
0xe3: {  	v2 =	vld.idx.msk [tilespmem:v2+s9+$0x0], $0xffff;
	_ =	sdelay $0x4  }
0xe4: {  	v2 =	vshll.u32 v2, $0x6;
	_ =	sdelay $0x2  }
0xe5: {  	v3 =	vmov s17  }
0xe6: {  	v3 =	vshll.u32 v3, $0x7  }
0xe7: {  	v3 =	vor.u32 v1, v3;
	v4 =	vld.idx.msk [tilespmem:v2+s2+$0x0], $0xffff  }
0xe8: {  	v5 =	vor.u32 $0x1, v2;
	_ =	sdelay $0x3  }
0xe9: {  	[tilespmem:v3+s11+$0x0] =	vst.idx.msk $0xffff, v4  }
0xea: {  	v52 =	vor.u32 $0x1, v3;
	v4 =	vld.idx.msk [tilespmem:v5+s2+$0x0], $0xffff  }
0xeb: {  	v6 =	vor.u32 $0x2, v2;
	_ =	sdelay $0x3  }
0xec: {  	[tilespmem:v52+s11+$0x0] =	vst.idx.msk $0xffff, v4  }
0xed: {  	v53 =	vor.u32 $0x2, v3;
	v4 =	vld.idx.msk [tilespmem:v6+s2+$0x0], $0xffff  }
0xee: {  	v54 =	vor.u32 $0x3, v2;
	_ =	sdelay $0x3  }
0xef: {  	[tilespmem:v53+s11+$0x0] =	vst.idx.msk $0xffff, v4  }
0xf0: {  	v55 =	vor.u32 $0x3, v3;
	v4 =	vld.idx.msk [tilespmem:v54+s2+$0x0], $0xffff  }
0xf1: {  	v56 =	vor.u32 $0x4, v2;
	_ =	sdelay $0x3  }
0xf2: {  	[tilespmem:v55+s11+$0x0] =	vst.idx.msk $0xffff, v4  }
0xf3: {  	v57 =	vor.u32 $0x4, v3;
	v4 =	vld.idx.msk [tilespmem:v56+s2+$0x0], $0xffff  }
0xf4: {  	v58 =	vor.u32 $0x5, v2;
	_ =	sdelay $0x3  }
0xf5: {  	[tilespmem:v57+s11+$0x0] =	vst.idx.msk $0xffff, v4  }
0xf6: {  	v59 =	vor.u32 $0x5, v3;
	v4 =	vld.idx.msk [tilespmem:v58+s2+$0x0], $0xffff  }
0xf7: {  	v60 =	vor.u32 $0x6, v2;
	_ =	sdelay $0x3  }
0xf8: {  	[tilespmem:v59+s11+$0x0] =	vst.idx.msk $0xffff, v4  }
0xf9: {  	v61 =	vor.u32 $0x6, v3;
	v4 =	vld.idx.msk [tilespmem:v60+s2+$0x0], $0xffff  }
0xfa: {  	v62 =	vor.u32 $0x7, v2;
	_ =	sdelay $0x3  }
0xfb: {  	[tilespmem:v61+s11+$0x0] =	vst.idx.msk $0xffff, v4  }
0xfc: {  	v63 =	vor.u32 $0x7, v3;
	v4 =	vld.idx.msk [tilespmem:v62+s2+$0x0], $0xffff  }
0xfd: {  	v9 =	vor.u32 $0x8, v2;
	_ =	sdelay $0x3  }
0xfe: {  	[tilespmem:v63+s11+$0x0] =	vst.idx.msk $0xffff, v4  }
0xff: {  	v10 =	vor.u32 $0x8, v3;
	v4 =	vld.idx.msk [tilespmem:v9+s2+$0x0], $0xffff  }
0x100: {  	v11 =	vor.u32 $0x9, v2;
	_ =	sdelay $0x3  }
0x101: {  	[tilespmem:v10+s11+$0x0] =	vst.idx.msk $0xffff, v4  }
0x102: {  	v12 =	vor.u32 $0x9, v3;
	v4 =	vld.idx.msk [tilespmem:v11+s2+$0x0], $0xffff  }
0x103: {  	v13 =	vor.u32 $0xA, v2;
	_ =	sdelay $0x3  }
0x104: {  	[tilespmem:v12+s11+$0x0] =	vst.idx.msk $0xffff, v4  }
0x105: {  	v14 =	vor.u32 $0xA, v3;
	v4 =	vld.idx.msk [tilespmem:v13+s2+$0x0], $0xffff  }
0x106: {  	v15 =	vor.u32 $0xB, v2;
	_ =	sdelay $0x3  }
0x107: {  	[tilespmem:v14+s11+$0x0] =	vst.idx.msk $0xffff, v4  }
0x108: {  	v16 =	vor.u32 $0xB, v3;
	v4 =	vld.idx.msk [tilespmem:v15+s2+$0x0], $0xffff  }
0x109: {  	v17 =	vor.u32 $0xC, v2;
	_ =	sdelay $0x3  }
0x10a: {  	[tilespmem:v16+s11+$0x0] =	vst.idx.msk $0xffff, v4  }
0x10b: {  	v18 =	vor.u32 $0xC, v3;
	v4 =	vld.idx.msk [tilespmem:v17+s2+$0x0], $0xffff  }
0x10c: {  	v19 =	vor.u32 $0xD, v2;
	_ =	sdelay $0x3  }
0x10d: {  	[tilespmem:v18+s11+$0x0] =	vst.idx.msk $0xffff, v4  }
0x10e: {  	v20 =	vor.u32 $0xD, v3;
	v4 =	vld.idx.msk [tilespmem:v19+s2+$0x0], $0xffff  }
0x10f: {  	v21 =	vor.u32 $0xE, v2;
	_ =	sdelay $0x3  }
0x110: {  	[tilespmem:v20+s11+$0x0] =	vst.idx.msk $0xffff, v4  }
0x111: {  	v22 =	vor.u32 $0xE, v3;
	v4 =	vld.idx.msk [tilespmem:v21+s2+$0x0], $0xffff  }
0x112: {  	v23 =	vor.u32 $0xF, v2;
	_ =	sdelay $0x3  }
0x113: {  	[tilespmem:v22+s11+$0x0] =	vst.idx.msk $0xffff, v4  }
0x114: {  	v24 =	vor.u32 $0xF, v3;
	v4 =	vld.idx.msk [tilespmem:v23+s2+$0x0], $0xffff  }
0x115: {  	v25 =	vor.u32 $0x10, v2;
	_ =	sdelay $0x3  }
0x116: {  	[tilespmem:v24+s11+$0x0] =	vst.idx.msk $0xffff, v4  }
0x117: {  	v26 =	vor.u32 $0x10, v3;
	v4 =	vld.idx.msk [tilespmem:v25+s2+$0x0], $0xffff  }
0x118: {  	v27 =	vor.u32 $0x11, v2;
	_ =	sdelay $0x3  }
0x119: {  	[tilespmem:v26+s11+$0x0] =	vst.idx.msk $0xffff, v4  }
0x11a: {  	v28 =	vor.u32 $0x11, v3;
	v4 =	vld.idx.msk [tilespmem:v27+s2+$0x0], $0xffff  }
0x11b: {  	v29 =	vor.u32 $0x12, v2;
	_ =	sdelay $0x3  }
0x11c: {  	[tilespmem:v28+s11+$0x0] =	vst.idx.msk $0xffff, v4  }
0x11d: {  	v30 =	vor.u32 $0x12, v3;
	v4 =	vld.idx.msk [tilespmem:v29+s2+$0x0], $0xffff  }
0x11e: {  	v31 =	vor.u32 $0x13, v2;
	_ =	sdelay $0x3  }
0x11f: {  	[tilespmem:v30+s11+$0x0] =	vst.idx.msk $0xffff, v4  }
0x120: {  	v32 =	vor.u32 $0x13, v3;
	v4 =	vld.idx.msk [tilespmem:v31+s2+$0x0], $0xffff  }
0x121: {  	v33 =	vor.u32 $0x14, v2;
	_ =	sdelay $0x3  }
0x122: {  	[tilespmem:v32+s11+$0x0] =	vst.idx.msk $0xffff, v4  }
0x123: {  	v34 =	vor.u32 $0x14, v3;
	v4 =	vld.idx.msk [tilespmem:v33+s2+$0x0], $0xffff  }
0x124: {  	v35 =	vor.u32 $0x15, v2;
	_ =	sdelay $0x3  }
0x125: {  	[tilespmem:v34+s11+$0x0] =	vst.idx.msk $0xffff, v4  }
0x126: {  	v36 =	vor.u32 $0x15, v3;
	v4 =	vld.idx.msk [tilespmem:v35+s2+$0x0], $0xffff  }
0x127: {  	v37 =	vor.u32 $0x16, v2;
	_ =	sdelay $0x3  }
0x128: {  	[tilespmem:v36+s11+$0x0] =	vst.idx.msk $0xffff, v4  }
0x129: {  	v38 =	vor.u32 $0x16, v3;
	v4 =	vld.idx.msk [tilespmem:v37+s2+$0x0], $0xffff  }
0x12a: {  	v39 =	vor.u32 $0x17, v2;
	_ =	sdelay $0x3  }
0x12b: {  	[tilespmem:v38+s11+$0x0] =	vst.idx.msk $0xffff, v4  }
0x12c: {  	v40 =	vor.u32 $0x17, v3;
	v4 =	vld.idx.msk [tilespmem:v39+s2+$0x0], $0xffff  }
0x12d: {  	v41 =	vor.u32 $0x18, v2;
	_ =	sdelay $0x3  }
0x12e: {  	[tilespmem:v40+s11+$0x0] =	vst.idx.msk $0xffff, v4  }
0x12f: {  	v42 =	vor.u32 $0x18, v3;
	v4 =	vld.idx.msk [tilespmem:v41+s2+$0x0], $0xffff  }
0x130: {  	v43 =	vor.u32 $0x19, v2;
	_ =	sdelay $0x3  }
0x131: {  	[tilespmem:v42+s11+$0x0] =	vst.idx.msk $0xffff, v4  }
0x132: {  	v44 =	vor.u32 $0x19, v3;
	v4 =	vld.idx.msk [tilespmem:v43+s2+$0x0], $0xffff  }
0x133: {  	v45 =	vor.u32 $0x1A, v2;
	_ =	sdelay $0x3  }
0x134: {  	[tilespmem:v44+s11+$0x0] =	vst.idx.msk $0xffff, v4  }
0x135: {  	v46 =	vor.u32 $0x1A, v3;
	v4 =	vld.idx.msk [tilespmem:v45+s2+$0x0], $0xffff  }
0x136: {  	v47 =	vor.u32 $0x1B, v2;
	_ =	sdelay $0x3  }
0x137: {  	[tilespmem:v46+s11+$0x0] =	vst.idx.msk $0xffff, v4  }
0x138: {  	v48 =	vor.u32 $0x1B, v3;
	v4 =	vld.idx.msk [tilespmem:v47+s2+$0x0], $0xffff  }
0x139: {  	v49 =	vor.u32 $0x1C, v2;
	_ =	sdelay $0x3  }
0x13a: {  	[tilespmem:v48+s11+$0x0] =	vst.idx.msk $0xffff, v4  }
0x13b: {  	v50 =	vor.u32 $0x1C, v3;
	v4 =	vld.idx.msk [tilespmem:v49+s2+$0x0], $0xffff  }
0x13c: {  	v51 =	vor.u32 $0x1D, v2;
	_ =	sdelay $0x3  }
0x13d: {  	[tilespmem:v50+s11+$0x0] =	vst.idx.msk $0xffff, v4  }
0x13e: {  	v52 =	vor.u32 $0x1D, v3;
	v4 =	vld.idx.msk [tilespmem:v51+s2+$0x0], $0xffff  }
0x13f: {  	v53 =	vor.u32 $0x1E, v2;
	_ =	sdelay $0x3  }
0x140: {  	[tilespmem:v52+s11+$0x0] =	vst.idx.msk $0xffff, v4  }
0x141: {  	v54 =	vor.u32 $0x1E, v3;
	v4 =	vld.idx.msk [tilespmem:v53+s2+$0x0], $0xffff  }
0x142: {  	v55 =	vor.u32 $0x1F, v2;
	_ =	sdelay $0x3  }
0x143: {  	[tilespmem:v54+s11+$0x0] =	vst.idx.msk $0xffff, v4  }
0x144: {  	v56 =	vor.u32 $0x1F, v3;
	v4 =	vld.idx.msk [tilespmem:v55+s2+$0x0], $0xffff  }
0x145: {  	v57 =	vor.u32 $0x20, v2;
	_ =	sdelay $0x3  }
0x146: {  	[tilespmem:v56+s11+$0x0] =	vst.idx.msk $0xffff, v4  }
0x147: {  	v58 =	vor.u32 $0x20, v3;
	v4 =	vld.idx.msk [tilespmem:v57+s2+$0x0], $0xffff  }
0x148: {  	v59 =	vor.u32 $0x21, v2;
	_ =	sdelay $0x3  }
0x149: {  	[tilespmem:v58+s11+$0x0] =	vst.idx.msk $0xffff, v4  }
0x14a: {  	v60 =	vor.u32 $0x21, v3;
	v4 =	vld.idx.msk [tilespmem:v59+s2+$0x0], $0xffff  }
0x14b: {  	v61 =	vor.u32 $0x22, v2;
	_ =	sdelay $0x3  }
0x14c: {  	[tilespmem:v60+s11+$0x0] =	vst.idx.msk $0xffff, v4  }
0x14d: {  	v62 =	vor.u32 $0x22, v3;
	v4 =	vld.idx.msk [tilespmem:v61+s2+$0x0], $0xffff  }
0x14e: {  	v63 =	vor.u32 $0x23, v2;
	_ =	sdelay $0x3  }
0x14f: {  	[tilespmem:v62+s11+$0x0] =	vst.idx.msk $0xffff, v4  }
0x150: {  	v9 =	vor.u32 $0x23, v3;
	v4 =	vld.idx.msk [tilespmem:v63+s2+$0x0], $0xffff  }
0x151: {  	v10 =	vor.u32 $0x24, v2;
	_ =	sdelay $0x3  }
0x152: {  	[tilespmem:v9+s11+$0x0] =	vst.idx.msk $0xffff, v4  }
0x153: {  	v11 =	vor.u32 $0x24, v3;
	v4 =	vld.idx.msk [tilespmem:v10+s2+$0x0], $0xffff  }
0x154: {  	v12 =	vor.u32 $0x25, v2;
	_ =	sdelay $0x3  }
0x155: {  	[tilespmem:v11+s11+$0x0] =	vst.idx.msk $0xffff, v4  }
0x156: {  	v13 =	vor.u32 $0x25, v3;
	v4 =	vld.idx.msk [tilespmem:v12+s2+$0x0], $0xffff  }
0x157: {  	v14 =	vor.u32 $0x26, v2;
	_ =	sdelay $0x3  }
0x158: {  	[tilespmem:v13+s11+$0x0] =	vst.idx.msk $0xffff, v4  }
0x159: {  	v15 =	vor.u32 $0x26, v3;
	v4 =	vld.idx.msk [tilespmem:v14+s2+$0x0], $0xffff  }
0x15a: {  	v16 =	vor.u32 $0x27, v2;
	_ =	sdelay $0x3  }
0x15b: {  	[tilespmem:v15+s11+$0x0] =	vst.idx.msk $0xffff, v4  }
0x15c: {  	v17 =	vor.u32 $0x27, v3;
	v4 =	vld.idx.msk [tilespmem:v16+s2+$0x0], $0xffff  }
0x15d: {  	v18 =	vor.u32 $0x28, v2;
	_ =	sdelay $0x3  }
0x15e: {  	[tilespmem:v17+s11+$0x0] =	vst.idx.msk $0xffff, v4  }
0x15f: {  	v19 =	vor.u32 $0x28, v3;
	v4 =	vld.idx.msk [tilespmem:v18+s2+$0x0], $0xffff  }
0x160: {  	v20 =	vor.u32 $0x29, v2;
	_ =	sdelay $0x3  }
0x161: {  	[tilespmem:v19+s11+$0x0] =	vst.idx.msk $0xffff, v4  }
0x162: {  	v21 =	vor.u32 $0x29, v3;
	v4 =	vld.idx.msk [tilespmem:v20+s2+$0x0], $0xffff  }
0x163: {  	v22 =	vor.u32 $0x2A, v2;
	_ =	sdelay $0x3  }
0x164: {  	[tilespmem:v21+s11+$0x0] =	vst.idx.msk $0xffff, v4  }
0x165: {  	v23 =	vor.u32 $0x2A, v3;
	v4 =	vld.idx.msk [tilespmem:v22+s2+$0x0], $0xffff  }
0x166: {  	v24 =	vor.u32 $0x2B, v2;
	_ =	sdelay $0x3  }
0x167: {  	[tilespmem:v23+s11+$0x0] =	vst.idx.msk $0xffff, v4  }
0x168: {  	v25 =	vor.u32 $0x2B, v3;
	v4 =	vld.idx.msk [tilespmem:v24+s2+$0x0], $0xffff  }
0x169: {  	v26 =	vor.u32 $0x2C, v2;
	_ =	sdelay $0x3  }
0x16a: {  	[tilespmem:v25+s11+$0x0] =	vst.idx.msk $0xffff, v4  }
0x16b: {  	v27 =	vor.u32 $0x2C, v3;
	v4 =	vld.idx.msk [tilespmem:v26+s2+$0x0], $0xffff  }
0x16c: {  	v28 =	vor.u32 $0x2D, v2;
	_ =	sdelay $0x3  }
0x16d: {  	[tilespmem:v27+s11+$0x0] =	vst.idx.msk $0xffff, v4  }
0x16e: {  	v29 =	vor.u32 $0x2D, v3;
	v4 =	vld.idx.msk [tilespmem:v28+s2+$0x0], $0xffff  }
0x16f: {  	v30 =	vor.u32 $0x2E, v2;
	_ =	sdelay $0x3  }
0x170: {  	[tilespmem:v29+s11+$0x0] =	vst.idx.msk $0xffff, v4  }
0x171: {  	v31 =	vor.u32 $0x2E, v3;
	v4 =	vld.idx.msk [tilespmem:v30+s2+$0x0], $0xffff  }
0x172: {  	v32 =	vor.u32 $0x2F, v2;
	_ =	sdelay $0x3  }
0x173: {  	[tilespmem:v31+s11+$0x0] =	vst.idx.msk $0xffff, v4  }
0x174: {  	v33 =	vor.u32 $0x2F, v3;
	v4 =	vld.idx.msk [tilespmem:v32+s2+$0x0], $0xffff  }
0x175: {  	v34 =	vor.u32 $0x30, v2;
	_ =	sdelay $0x3  }
0x176: {  	[tilespmem:v33+s11+$0x0] =	vst.idx.msk $0xffff, v4  }
0x177: {  	v35 =	vor.u32 $0x30, v3;
	v4 =	vld.idx.msk [tilespmem:v34+s2+$0x0], $0xffff  }
0x178: {  	v36 =	vor.u32 $0x31, v2;
	_ =	sdelay $0x3  }
0x179: {  	[tilespmem:v35+s11+$0x0] =	vst.idx.msk $0xffff, v4  }
0x17a: {  	v37 =	vor.u32 $0x31, v3;
	v4 =	vld.idx.msk [tilespmem:v36+s2+$0x0], $0xffff  }
0x17b: {  	v38 =	vor.u32 $0x32, v2;
	_ =	sdelay $0x3  }
0x17c: {  	[tilespmem:v37+s11+$0x0] =	vst.idx.msk $0xffff, v4  }
0x17d: {  	v39 =	vor.u32 $0x32, v3;
	v4 =	vld.idx.msk [tilespmem:v38+s2+$0x0], $0xffff  }
0x17e: {  	v40 =	vor.u32 $0x33, v2;
	_ =	sdelay $0x3  }
0x17f: {  	[tilespmem:v39+s11+$0x0] =	vst.idx.msk $0xffff, v4  }
0x180: {  	v41 =	vor.u32 $0x33, v3;
	v4 =	vld.idx.msk [tilespmem:v40+s2+$0x0], $0xffff  }
0x181: {  	v42 =	vor.u32 $0x34, v2;
	_ =	sdelay $0x3  }
0x182: {  	[tilespmem:v41+s11+$0x0] =	vst.idx.msk $0xffff, v4  }
0x183: {  	v43 =	vor.u32 $0x34, v3;
	v4 =	vld.idx.msk [tilespmem:v42+s2+$0x0], $0xffff  }
0x184: {  	v44 =	vor.u32 $0x35, v2;
	_ =	sdelay $0x3  }
0x185: {  	[tilespmem:v43+s11+$0x0] =	vst.idx.msk $0xffff, v4  }
0x186: {  	v45 =	vor.u32 $0x35, v3;
	v4 =	vld.idx.msk [tilespmem:v44+s2+$0x0], $0xffff  }
0x187: {  	v46 =	vor.u32 $0x36, v2;
	_ =	sdelay $0x3  }
0x188: {  	[tilespmem:v45+s11+$0x0] =	vst.idx.msk $0xffff, v4  }
0x189: {  	v47 =	vor.u32 $0x36, v3;
	v4 =	vld.idx.msk [tilespmem:v46+s2+$0x0], $0xffff  }
0x18a: {  	v48 =	vor.u32 $0x37, v2;
	_ =	sdelay $0x3  }
0x18b: {  	[tilespmem:v47+s11+$0x0] =	vst.idx.msk $0xffff, v4  }
0x18c: {  	v49 =	vor.u32 $0x37, v3;
	v4 =	vld.idx.msk [tilespmem:v48+s2+$0x0], $0xffff  }
0x18d: {  	v50 =	vor.u32 $0x38, v2;
	_ =	sdelay $0x3  }
0x18e: {  	[tilespmem:v49+s11+$0x0] =	vst.idx.msk $0xffff, v4  }
0x18f: {  	v51 =	vor.u32 $0x38, v3;
	v4 =	vld.idx.msk [tilespmem:v50+s2+$0x0], $0xffff  }
0x190: {  	v52 =	vor.u32 $0x39, v2;
	_ =	sdelay $0x3  }
0x191: {  	[tilespmem:v51+s11+$0x0] =	vst.idx.msk $0xffff, v4  }
0x192: {  	v53 =	vor.u32 $0x39, v3;
	v4 =	vld.idx.msk [tilespmem:v52+s2+$0x0], $0xffff  }
0x193: {  	v54 =	vor.u32 $0x3A, v2;
	_ =	sdelay $0x3  }
0x194: {  	[tilespmem:v53+s11+$0x0] =	vst.idx.msk $0xffff, v4  }
0x195: {  	v55 =	vor.u32 $0x3A, v3;
	v4 =	vld.idx.msk [tilespmem:v54+s2+$0x0], $0xffff  }
0x196: {  	v56 =	vor.u32 $0x3B, v2;
	_ =	sdelay $0x3  }
0x197: {  	[tilespmem:v55+s11+$0x0] =	vst.idx.msk $0xffff, v4  }
0x198: {  	v57 =	vor.u32 $0x3B, v3;
	v4 =	vld.idx.msk [tilespmem:v56+s2+$0x0], $0xffff  }
0x199: {  	v58 =	vor.u32 $0x3C, v2;
	_ =	sdelay $0x3  }
0x19a: {  	[tilespmem:v57+s11+$0x0] =	vst.idx.msk $0xffff, v4  }
0x19b: {  	v59 =	vor.u32 $0x3C, v3;
	v4 =	vld.idx.msk [tilespmem:v58+s2+$0x0], $0xffff  }
0x19c: {  	v60 =	vor.u32 $0x3D, v2;
	_ =	sdelay $0x3  }
0x19d: {  	[tilespmem:v59+s11+$0x0] =	vst.idx.msk $0xffff, v4  }
0x19e: {  	v61 =	vor.u32 $0x3D, v3;
	v4 =	vld.idx.msk [tilespmem:v60+s2+$0x0], $0xffff  }
0x19f: {  	v62 =	vor.u32 $0x3E, v2;
	_ =	sdelay $0x3  }
0x1a0: {  	[tilespmem:v61+s11+$0x0] =	vst.idx.msk $0xffff, v4  }
0x1a1: {  	v63 =	vor.u32 $0x3E, v3;
	v4 =	vld.idx.msk [tilespmem:v62+s2+$0x0], $0xffff  }
0x1a2: {  	v2 =	vor.u32 $0x3F, v2;
	_ =	sdelay $0x3  }
0x1a3: {  	[tilespmem:v63+s11+$0x0] =	vst.idx.msk $0xffff, v4  }
0x1a4: {  	p0 =	sne.s32 s17, $0x60;
	v3 =	vor.u32 $0x3F, v3;
	v2 =	vld.idx.msk [tilespmem:v2+s2+$0x0], $0xffff  }
.Ltmp1:
0x1a5: {  	_ = 	snop;
	(pc) =	sbr.rel @p0 .LBB2_5-.Ltmp1, $2  }
0x1a6: {  	_ =	sdelay $0x2  }
0x1a7: {  	s17 =	sadd.s32 $0x10, s17;
	[tilespmem:v3+s11+$0x0] =	vst.idx.msk $0xffff, v2  }
0x1a8: {  	s16 =	sadd.s32 s3, s16  }
0x1a9: {  	s15 =	sadd.s32 $0x1, s15;
	s16 =	sshll.u32 s16, $0x4  }
0x1aa: {  	p0 =	sne.s32 s15, $0xE;
	s16 =	sand.u32 $0x1FFFFF00, s16  }
.Ltmp2:
0x1ab: {  	s16 =	sadd.s32 s5, s16;
	(pc) =	sbr.rel @p0 .LBB2_2-.Ltmp2, $4  }
0x1ac: {  	[hbm4b:s16+s2] =	stream.linear.scatter [tilespmem:s11], [sflag:$0x1], $0x3800, $0x38;
	[tilespmem:$0xFC80] =	vst v63  }
0x1ad: {  	_ =	swait.ge [sflag:s8], $0x3800  }
0x1ae: {  	[sflag:s8] =	ssyncset.done $0x0  }
0x1af: {  	s14 =	sadd.s32 $0xE0, s14;
	s13 =	sadd.s32 $0xE0, s13;
	[sflag:s8] =	ssyncadd.s32 $0xFFFFC800  }
0x1b0: {  	s12 =	sadd.s32 $0x1, s12  }
0x1b1: {  	p0 =	sne.s32 s12, s7  }
.Ltmp3:
0x1b2: {  	_ = 	snop;
	(pc) =	sbr.rel @p0 .LBB2_1-.Ltmp3, $1  }
0x1b3: {  	_ =	sdelay $0x3  }
0x1b4: {  	_ =	sfence.sel $0x180000  }
0x1b5: {  	[bflag:$0x0] =	sbarrier.arrive $0xFFFF  }
0x1b6: {  	p0 =	sne.s32 s0, $0x0;
	_ =	strace $0x90000047  }
0x1b7: {  	s0 =	sadd.s32 @!p0 $0x100000, s1;
	[bflag:$0x2] =	sbarrier.arrive $0xFFFF  }
0x1b8: {  	[sflag:s0] =	ssyncadd.tile.s32 @!p0 $0x1;
	_ =	shalt  }
.Lfunc_end2:
_tile_overlayer_lowered:
.L_overlay_start_2:
0x1b9: {  	(tag) =	ssettag $0x2  }
0x1ba: {  	s0 =	rddreg [dreg:$0x0];
	s2 =	stileid.u32  }
0x1bb: {  	s1 =	rddreg [dreg:$0x1];
	p0 =	sne.s32 s2, $0x0  }
0x1bc: {  	s3 =	rddreg [dreg:$0x2];
	[bflag:$0x3] =	sbarrier.arrive $0xFFFF;
	s2 =	simm.s32 @!p0 $0x1C01  }
0x1bd: {  	[timem:s3], [sflag:s2] =	dma.local @!p0 [hbm:s0], s1  }
0x1be: {  	s0 =	simm.s32 @!p0 $0x1  }
0x1bf: {  	_ =	swait.ge @!p0 [sflag:s0], s1  }
0x1c0: {  	s1 =	ssub.s32 @!p0 $0x0, s1;
	[sflag:s0] =	ssyncset.done @!p0 $0x0  }
0x1c1: {  	[sflag:s0] =	ssyncadd.s32 @!p0 s1  }
0x1c2: {  	[bflag:$0x3] =	sbarrier.arrive $0xFFFF  }
0x1c3: {  	_ =	shalt  }

</sc_bundles>
